<compile_context>
chip_gen: v7x
topology: tpu7x:2x2x1
jax: 0.10.2.dev20260603
libtpu: 0.0.44.dev20260713+nightly
codegen_flags: <defaults>
</compile_context>

<pallas_src>
import functools

import numpy as np

import jax
import jax.numpy as jnp
from jax import lax
from jax.experimental import pallas as pl
from jax.experimental.pallas import tpu as pltpu
from jax.experimental.pallas import tpu_sc as plsc

B, T, C = 64, 1024, 768
KEEP = 256
LANES = 16
NC, NS = 2, 16
NW = NC * NS
BPW = B // NW
CHUNK = 32
NBUF = 4
NCH = BPW * KEEP // CHUNK


_FWD_NP = None


def _forward_indexes_np():
    global _FWD_NP
    if _FWD_NP is None:
        with jax.ensure_compile_time_eval(), \
             jax.default_device(jax.devices("cpu")[0]):
            keys = jax.random.split(jax.random.key(42), B)
            fwd = jnp.stack(
                [jax.random.permutation(k, T) for k in keys], axis=0)
            _FWD_NP = np.asarray(fwd)
    return _FWD_NP


def _gather_indexes_np():
    fwd = _forward_indexes_np()
    g = fwd[:, :KEEP] + (np.arange(B, dtype=np.int32) * T)[:, None]
    return np.ascontiguousarray(g.reshape(NW, NCH, CHUNK))


@functools.cache
def _build_shuffle_kernel():
    return pl.kernel(
        _shuffle_body,
        mesh=plsc.VectorSubcoreMesh(core_axis_name="c", subcore_axis_name="s"),
        compiler_params=pltpu.CompilerParams(needs_layout_passes=False),
        out_type=[
            jax.ShapeDtypeStruct((B * KEEP, C), jnp.float32),
            jax.ShapeDtypeStruct((B, T), jnp.int32),
        ],
        scratch_types=[
            pltpu.VMEM((BPW, T), jnp.int32),
            pltpu.VMEM((BPW * T,), jnp.int32),
            pltpu.VMEM((NCH, CHUNK), jnp.int32),
            pltpu.VMEM((NBUF, CHUNK, C), jnp.float32),
            [pltpu.SemaphoreType.DMA] * NBUF,
            [pltpu.SemaphoreType.DMA] * NBUF,
            pltpu.SemaphoreType.DMA,
            pltpu.SemaphoreType.DMA,
        ],
    )


def _shuffle_body(flat_hbm, gidx_hbm, fwd_hbm, out_hbm, bwd_hbm,
                  fwd_v, bwd_v, idx_v, buf_v, gsem, wsem, fsem, bsem):
    wid = lax.axis_index("s") * NC + lax.axis_index("c")
    base = wid * BPW * KEEP

    def issue_gather(ch, s):
        return pltpu.async_copy(
            flat_hbm.at[idx_v.at[ch]], buf_v.at[s], gsem[s])

    def issue_write(ch, s):
        return pltpu.async_copy(
            buf_v.at[s],
            out_hbm.at[pl.ds(base + ch * CHUNK, CHUNK)], wsem[s])

    def wait_gather(s):
        pltpu.make_async_copy(
            flat_hbm.at[idx_v.at[0]], buf_v.at[s], gsem[s]).wait()

    def wait_write(s):
        pltpu.make_async_copy(
            buf_v.at[s], out_hbm.at[pl.ds(base, CHUNK)], wsem[s]).wait()

    pltpu.sync_copy(gidx_hbm.at[wid], idx_v)
    for s in range(NBUF):
        issue_gather(s, s)

    fcp = [pltpu.async_copy(fwd_hbm.at[wid * BPW + j], fwd_v.at[j], fsem)
           for j in range(BPW)]
    for cp in fcp:
        cp.wait()
    bcp = []
    for j in range(BPW):
        @pl.loop(0, T // LANES)
        def _scatter(k):
            plsc.store_scatter(bwd_v,
                               [fwd_v[j, pl.ds(k * LANES, LANES)] + j * T],
                               lax.iota(jnp.int32, LANES) + k * LANES)
        bcp.append(pltpu.async_copy(
            bwd_v.at[pl.ds(j * T, T)], bwd_hbm.at[wid * BPW + j], bsem))

    for ch in range(NCH):
        s = ch % NBUF
        wait_gather(s)
        issue_write(ch, s)
        nxt = ch + NBUF
        if nxt < NCH:
            wait_write(s)
            issue_gather(nxt, s)
    for s in range(NBUF):
        wait_write(s)
    for cp in bcp:
        cp.wait()


def kernel(patches):
    b, t, c = patches.shape
    fwd = jnp.asarray(_forward_indexes_np())
    gidx = jnp.asarray(_gather_indexes_np())
    flat = patches.reshape(b * t, c)
    out_flat, bwd = _build_shuffle_kernel()(flat, gidx, fwd)
    return (out_flat.reshape(b, KEEP, c), fwd, bwd)

# --- scband reference (transcript-rebuilt; emitter-appended) ---
"""Pipeline reference for scband-patch-shuffle-46462956208553 (READ-ONLY COPY).

The authoritative reference and input builder live on the scoring server;
editing this copy changes nothing except your own understanding.
"""

import jax, jax.numpy as jnp
import numpy as np

RATIO = 0.75

def setup_inputs(seed: int = 0) -> dict:
    key = jax.random.key(seed)
    patches = jax.random.normal(key, (64, 1024, 768), dtype=jnp.float32)
    return {"patches": patches}

def reference(patches):
    B, T, C = patches.shape
    # per-sample random permutations (module uses torch.randperm per batch item)
    perm_key = jax.random.key(42)
    keys = jax.random.split(perm_key, B)
    forward_indexes = jnp.stack([jax.random.permutation(k, T) for k in keys], axis=0)
    # inverse permutation: inv[perm] = arange  <=> inv = argsort(perm)
    backward_indexes = jnp.argsort(forward_indexes, axis=1)
    # take_indexes: gather along dim 1, broadcast over channel dim
    shuffled = jnp.take_along_axis(patches, forward_indexes[:, :, None], axis=1)
    remain_T = int(T * (1 - RATIO))
    out = shuffled[:, :remain_T, :]
    return (out, forward_indexes, backward_indexes)

if __name__ == "__main__":
    import jax
    _d = setup_inputs()
    print(jax.jit(kernel)(*tuple(_d.values())))

</pallas_src>

<mosaic_0001>
#map = affine_map<(d0, d1) -> (0, 0)>
#map1 = affine_map<(d0, d1) -> (0, 0, 0)>
module attributes {stable_mosaic.version = 14 : i64} {
  func.func @_shuffle_body(%arg0: i32, %arg1: i32, %arg2: memref<65536x768xf32, #tpu.memory_space<hbm>>, %arg3: memref<32x16x32xi32, #tpu.memory_space<hbm>>, %arg4: memref<64x1024xi32, #tpu.memory_space<hbm>>, %arg5: memref<16384x768xf32, #tpu.memory_space<hbm>>, %arg6: memref<64x1024xi32, #tpu.memory_space<hbm>>, %arg7: memref<2x1024xi32, #tpu.memory_space<vmem>>, %arg8: memref<2048xi32, #tpu.memory_space<vmem>>, %arg9: memref<16x32xi32, #tpu.memory_space<vmem>>, %arg10: memref<4x32x768xf32, #tpu.memory_space<vmem>>, %arg11: memref<!tpu.dma_semaphore, #tpu.memory_space<semaphore_mem>>, %arg12: memref<!tpu.dma_semaphore, #tpu.memory_space<semaphore_mem>>, %arg13: memref<!tpu.dma_semaphore, #tpu.memory_space<semaphore_mem>>, %arg14: memref<!tpu.dma_semaphore, #tpu.memory_space<semaphore_mem>>, %arg15: memref<!tpu.dma_semaphore, #tpu.memory_space<semaphore_mem>>, %arg16: memref<!tpu.dma_semaphore, #tpu.memory_space<semaphore_mem>>, %arg17: memref<!tpu.dma_semaphore, #tpu.memory_space<semaphore_mem>>, %arg18: memref<!tpu.dma_semaphore, #tpu.memory_space<semaphore_mem>>, %arg19: memref<!tpu.dma_semaphore, #tpu.memory_space<semaphore_mem>>, %arg20: memref<!tpu.dma_semaphore, #tpu.memory_space<semaphore_mem>>) attributes {dimension_semantics = [#tpu.dimension_semantics<core_parallel>, #tpu.dimension_semantics<subcore_parallel>], iteration_bounds = array<i64: 2, 16>, scalar_prefetch = 0 : i64, scratch_operands = 14 : i64, tpu.core_type = #tpu.core_type<sc_vector_subcore>, window_params = [{transform_indices = #map}, {transform_indices = #map1}, {transform_indices = #map}, {transform_indices = #map}, {transform_indices = #map}]} {
    %mul3A = arith.constant 2 : i32
    %mul3A_0 = arith.muli %arg1, %mul3A : i32
    %add3A = arith.addi %mul3A_0, %arg0 : i32
    %mul3A_1 = arith.constant 2 : i32
    %mul3A_2 = arith.muli %add3A, %mul3A_1 : i32
    %mul3A_3 = arith.constant 256 : i32
    %mul3A_4 = arith.muli %mul3A_2, %mul3A_3 : i32
    "tpu.region"() ({
      %run_scoped3A = tpu.sem_alloc : memref<!tpu.dma_semaphore, #tpu.memory_space<semaphore_mem>>
      %dma_start3A_952 = arith.constant 0 : i32
      %dma_start3A_953 = arith.constant 0 : i32
      %dma_start3A_954 = tpu.memref_slice %arg3[%add3A, %dma_start3A_952, %dma_start3A_953] : memref<32x16x32xi32, #tpu.memory_space<hbm>> -> memref<1x16x32xi32, #tpu.memory_space<hbm>>
      %dma_start3A_955 = tpu.memref_squeeze %dma_start3A_954 : memref<1x16x32xi32, #tpu.memory_space<hbm>> -> memref<16x32xi32, #tpu.memory_space<hbm>>
      %dma_start3A_956 = arith.constant 0 : i32
      %dma_start3A_957 = arith.constant 0 : i32
      %dma_start3A_958 = tpu.memref_slice %arg3[%add3A, %dma_start3A_956, %dma_start3A_957] : memref<32x16x32xi32, #tpu.memory_space<hbm>> -> memref<1x16x32xi32, #tpu.memory_space<hbm>>
      %dma_start3A_959 = tpu.memref_squeeze %dma_start3A_958 : memref<1x16x32xi32, #tpu.memory_space<hbm>> -> memref<16x32xi32, #tpu.memory_space<hbm>>
      tpu.enqueue_dma source(%dma_start3A_959 : memref<16x32xi32, #tpu.memory_space<hbm>>) target(%arg9 : memref<16x32xi32, #tpu.memory_space<vmem>>) target_semaphore(%run_scoped3A : memref<!tpu.dma_semaphore, #tpu.memory_space<semaphore_mem>>)
      %dma_wait3A_960 = arith.constant 0 : i32
      %dma_wait3A_961 = arith.constant 0 : i32
      %dma_wait3A_962 = tpu.memref_slice %arg3[%add3A, %dma_wait3A_960, %dma_wait3A_961] : memref<32x16x32xi32, #tpu.memory_space<hbm>> -> memref<1x16x32xi32, #tpu.memory_space<hbm>>
      %dma_wait3A_963 = tpu.memref_squeeze %dma_wait3A_962 : memref<1x16x32xi32, #tpu.memory_space<hbm>> -> memref<16x32xi32, #tpu.memory_space<hbm>>
      %dma_wait3A_964 = arith.constant 0 : i32
      %dma_wait3A_965 = arith.constant 0 : i32
      %dma_wait3A_966 = tpu.memref_slice %arg3[%add3A, %dma_wait3A_964, %dma_wait3A_965] : memref<32x16x32xi32, #tpu.memory_space<hbm>> -> memref<1x16x32xi32, #tpu.memory_space<hbm>>
      %dma_wait3A_967 = tpu.memref_squeeze %dma_wait3A_966 : memref<1x16x32xi32, #tpu.memory_space<hbm>> -> memref<16x32xi32, #tpu.memory_space<hbm>>
      tpu.wait_dma2 semaphore(%run_scoped3A : memref<!tpu.dma_semaphore, #tpu.memory_space<semaphore_mem>>) src(%dma_wait3A_967 : memref<16x32xi32, #tpu.memory_space<hbm>>) dst(%arg9 : memref<16x32xi32, #tpu.memory_space<vmem>>)
      tpu.yield
    }) : () -> ()
    %dma_start3A = arith.constant 0 : i32
    %dma_start3A_5 = arith.constant 0 : i32
    %dma_start3A_6 = arith.constant 0 : i32
    %dma_start3A_7 = arith.constant 0 : i32
    %dma_start3A_8 = tpu.memref_slice %arg10[%dma_start3A_5, %dma_start3A_6, %dma_start3A_7] : memref<4x32x768xf32, #tpu.memory_space<vmem>> -> memref<1x32x768xf32, #tpu.memory_space<vmem>>
    %dma_start3A_9 = tpu.memref_squeeze %dma_start3A_8 : memref<1x32x768xf32, #tpu.memory_space<vmem>> -> memref<32x768xf32, #tpu.memory_space<vmem>>
    %dma_start3A_10 = arith.constant 0 : i32
    %dma_start3A_11 = tpu.memref_slice %arg9[%dma_start3A, %dma_start3A_10] : memref<16x32xi32, #tpu.memory_space<vmem>> -> memref<1x32xi32, #tpu.memory_space<vmem>>
    %dma_start3A_12 = tpu.memref_squeeze %dma_start3A_11 : memref<1x32xi32, #tpu.memory_space<vmem>> -> memref<32xi32, #tpu.memory_space<vmem>>
    %dma_start3A_13 = arith.constant 0 : i32
    %dma_start3A_14 = arith.constant 0 : i32
    %dma_start3A_15 = tpu.memref_slice %arg2[%dma_start3A_13, %dma_start3A_14] : memref<65536x768xf32, #tpu.memory_space<hbm>> -> memref<65536x768xf32, #tpu.memory_space<hbm>>
    tpu.enqueue_indirect_dma source(%dma_start3A_15 : memref<65536x768xf32, #tpu.memory_space<hbm>>) target(%dma_start3A_9 : memref<32x768xf32, #tpu.memory_space<vmem>>) offsets(%dma_start3A_12 : memref<32xi32, #tpu.memory_space<vmem>>) semaphore(%arg11 : memref<!tpu.dma_semaphore, #tpu.memory_space<semaphore_mem>>)
    %dma_start3A_16 = arith.constant 1 : i32
    %dma_start3A_17 = arith.constant 1 : i32
    %dma_start3A_18 = arith.constant 0 : i32
    %dma_start3A_19 = arith.constant 0 : i32
    %dma_start3A_20 = tpu.memref_slice %arg10[%dma_start3A_17, %dma_start3A_18, %dma_start3A_19] : memref<4x32x768xf32, #tpu.memory_space<vmem>> -> memref<1x32x768xf32, #tpu.memory_space<vmem>>
    %dma_start3A_21 = tpu.memref_squeeze %dma_start3A_20 : memref<1x32x768xf32, #tpu.memory_space<vmem>> -> memref<32x768xf32, #tpu.memory_space<vmem>>
    %dma_start3A_22 = arith.constant 0 : i32
    %dma_start3A_23 = tpu.memref_slice %arg9[%dma_start3A_16, %dma_start3A_22] : memref<16x32xi32, #tpu.memory_space<vmem>> -> memref<1x32xi32, #tpu.memory_space<vmem>>
    %dma_start3A_24 = tpu.memref_squeeze %dma_start3A_23 : memref<1x32xi32, #tpu.memory_space<vmem>> -> memref<32xi32, #tpu.memory_space<vmem>>
    %dma_start3A_25 = arith.constant 0 : i32
    %dma_start3A_26 = arith.constant 0 : i32
    %dma_start3A_27 = tpu.memref_slice %arg2[%dma_start3A_25, %dma_start3A_26] : memref<65536x768xf32, #tpu.memory_space<hbm>> -> memref<65536x768xf32, #tpu.memory_space<hbm>>
    tpu.enqueue_indirect_dma source(%dma_start3A_27 : memref<65536x768xf32, #tpu.memory_space<hbm>>) target(%dma_start3A_21 : memref<32x768xf32, #tpu.memory_space<vmem>>) offsets(%dma_start3A_24 : memref<32xi32, #tpu.memory_space<vmem>>) semaphore(%arg12 : memref<!tpu.dma_semaphore, #tpu.memory_space<semaphore_mem>>)
    %dma_start3A_28 = arith.constant 2 : i32
    %dma_start3A_29 = arith.constant 2 : i32
    %dma_start3A_30 = arith.constant 0 : i32
    %dma_start3A_31 = arith.constant 0 : i32
    %dma_start3A_32 = tpu.memref_slice %arg10[%dma_start3A_29, %dma_start3A_30, %dma_start3A_31] : memref<4x32x768xf32, #tpu.memory_space<vmem>> -> memref<1x32x768xf32, #tpu.memory_space<vmem>>
    %dma_start3A_33 = tpu.memref_squeeze %dma_start3A_32 : memref<1x32x768xf32, #tpu.memory_space<vmem>> -> memref<32x768xf32, #tpu.memory_space<vmem>>
    %dma_start3A_34 = arith.constant 0 : i32
    %dma_start3A_35 = tpu.memref_slice %arg9[%dma_start3A_28, %dma_start3A_34] : memref<16x32xi32, #tpu.memory_space<vmem>> -> memref<1x32xi32, #tpu.memory_space<vmem>>
    %dma_start3A_36 = tpu.memref_squeeze %dma_start3A_35 : memref<1x32xi32, #tpu.memory_space<vmem>> -> memref<32xi32, #tpu.memory_space<vmem>>
    %dma_start3A_37 = arith.constant 0 : i32
    %dma_start3A_38 = arith.constant 0 : i32
    %dma_start3A_39 = tpu.memref_slice %arg2[%dma_start3A_37, %dma_start3A_38] : memref<65536x768xf32, #tpu.memory_space<hbm>> -> memref<65536x768xf32, #tpu.memory_space<hbm>>
    tpu.enqueue_indirect_dma source(%dma_start3A_39 : memref<65536x768xf32, #tpu.memory_space<hbm>>) target(%dma_start3A_33 : memref<32x768xf32, #tpu.memory_space<vmem>>) offsets(%dma_start3A_36 : memref<32xi32, #tpu.memory_space<vmem>>) semaphore(%arg13 : memref<!tpu.dma_semaphore, #tpu.memory_space<semaphore_mem>>)
    %dma_start3A_40 = arith.constant 3 : i32
    %dma_start3A_41 = arith.constant 3 : i32
    %dma_start3A_42 = arith.constant 0 : i32
    %dma_start3A_43 = arith.constant 0 : i32
    %dma_start3A_44 = tpu.memref_slice %arg10[%dma_start3A_41, %dma_start3A_42, %dma_start3A_43] : memref<4x32x768xf32, #tpu.memory_space<vmem>> -> memref<1x32x768xf32, #tpu.memory_space<vmem>>
    %dma_start3A_45 = tpu.memref_squeeze %dma_start3A_44 : memref<1x32x768xf32, #tpu.memory_space<vmem>> -> memref<32x768xf32, #tpu.memory_space<vmem>>
    %dma_start3A_46 = arith.constant 0 : i32
    %dma_start3A_47 = tpu.memref_slice %arg9[%dma_start3A_40, %dma_start3A_46] : memref<16x32xi32, #tpu.memory_space<vmem>> -> memref<1x32xi32, #tpu.memory_space<vmem>>
    %dma_start3A_48 = tpu.memref_squeeze %dma_start3A_47 : memref<1x32xi32, #tpu.memory_space<vmem>> -> memref<32xi32, #tpu.memory_space<vmem>>
    %dma_start3A_49 = arith.constant 0 : i32
    %dma_start3A_50 = arith.constant 0 : i32
    %dma_start3A_51 = tpu.memref_slice %arg2[%dma_start3A_49, %dma_start3A_50] : memref<65536x768xf32, #tpu.memory_space<hbm>> -> memref<65536x768xf32, #tpu.memory_space<hbm>>
    tpu.enqueue_indirect_dma source(%dma_start3A_51 : memref<65536x768xf32, #tpu.memory_space<hbm>>) target(%dma_start3A_45 : memref<32x768xf32, #tpu.memory_space<vmem>>) offsets(%dma_start3A_48 : memref<32xi32, #tpu.memory_space<vmem>>) semaphore(%arg14 : memref<!tpu.dma_semaphore, #tpu.memory_space<semaphore_mem>>)
    %mul3A_52 = arith.constant 2 : i32
    %mul3A_53 = arith.muli %add3A, %mul3A_52 : i32
    %add3A_54 = arith.constant 0 : i32
    %add3A_55 = arith.addi %mul3A_53, %add3A_54 : i32
    %dma_start3A_56 = arith.constant 0 : i32
    %dma_start3A_57 = arith.constant 0 : i32
    %dma_start3A_58 = tpu.memref_slice %arg7[%dma_start3A_56, %dma_start3A_57] : memref<2x1024xi32, #tpu.memory_space<vmem>> -> memref<1x1024xi32, #tpu.memory_space<vmem>>
    %dma_start3A_59 = tpu.memref_squeeze %dma_start3A_58 : memref<1x1024xi32, #tpu.memory_space<vmem>> -> memref<1024xi32, #tpu.memory_space<vmem>>
    %dma_start3A_60 = arith.constant 0 : i32
    %dma_start3A_61 = tpu.memref_slice %arg4[%add3A_55, %dma_start3A_60] : memref<64x1024xi32, #tpu.memory_space<hbm>> -> memref<1x1024xi32, #tpu.memory_space<hbm>>
    %dma_start3A_62 = tpu.memref_squeeze %dma_start3A_61 : memref<1x1024xi32, #tpu.memory_space<hbm>> -> memref<1024xi32, #tpu.memory_space<hbm>>
    %dma_start3A_63 = arith.constant 0 : i32
    %dma_start3A_64 = tpu.memref_slice %arg7[%dma_start3A_56, %dma_start3A_63] : memref<2x1024xi32, #tpu.memory_space<vmem>> -> memref<1x1024xi32, #tpu.memory_space<vmem>>
    %dma_start3A_65 = tpu.memref_squeeze %dma_start3A_64 : memref<1x1024xi32, #tpu.memory_space<vmem>> -> memref<1024xi32, #tpu.memory_space<vmem>>
    %dma_start3A_66 = arith.constant 0 : i32
    %dma_start3A_67 = tpu.memref_slice %arg4[%add3A_55, %dma_start3A_66] : memref<64x1024xi32, #tpu.memory_space<hbm>> -> memref<1x1024xi32, #tpu.memory_space<hbm>>
    %dma_start3A_68 = tpu.memref_squeeze %dma_start3A_67 : memref<1x1024xi32, #tpu.memory_space<hbm>> -> memref<1024xi32, #tpu.memory_space<hbm>>
    tpu.enqueue_dma source(%dma_start3A_68 : memref<1024xi32, #tpu.memory_space<hbm>>) target(%dma_start3A_65 : memref<1024xi32, #tpu.memory_space<vmem>>) target_semaphore(%arg19 : memref<!tpu.dma_semaphore, #tpu.memory_space<semaphore_mem>>)
    %mul3A_69 = arith.constant 2 : i32
    %mul3A_70 = arith.muli %add3A, %mul3A_69 : i32
    %add3A_71 = arith.constant 1 : i32
    %add3A_72 = arith.addi %mul3A_70, %add3A_71 : i32
    %dma_start3A_73 = arith.constant 1 : i32
    %dma_start3A_74 = arith.constant 0 : i32
    %dma_start3A_75 = tpu.memref_slice %arg7[%dma_start3A_73, %dma_start3A_74] : memref<2x1024xi32, #tpu.memory_space<vmem>> -> memref<1x1024xi32, #tpu.memory_space<vmem>>
    %dma_start3A_76 = tpu.memref_squeeze %dma_start3A_75 : memref<1x1024xi32, #tpu.memory_space<vmem>> -> memref<1024xi32, #tpu.memory_space<vmem>>
    %dma_start3A_77 = arith.constant 0 : i32
    %dma_start3A_78 = tpu.memref_slice %arg4[%add3A_72, %dma_start3A_77] : memref<64x1024xi32, #tpu.memory_space<hbm>> -> memref<1x1024xi32, #tpu.memory_space<hbm>>
    %dma_start3A_79 = tpu.memref_squeeze %dma_start3A_78 : memref<1x1024xi32, #tpu.memory_space<hbm>> -> memref<1024xi32, #tpu.memory_space<hbm>>
    %dma_start3A_80 = arith.constant 0 : i32
    %dma_start3A_81 = tpu.memref_slice %arg7[%dma_start3A_73, %dma_start3A_80] : memref<2x1024xi32, #tpu.memory_space<vmem>> -> memref<1x1024xi32, #tpu.memory_space<vmem>>
    %dma_start3A_82 = tpu.memref_squeeze %dma_start3A_81 : memref<1x1024xi32, #tpu.memory_space<vmem>> -> memref<1024xi32, #tpu.memory_space<vmem>>
    %dma_start3A_83 = arith.constant 0 : i32
    %dma_start3A_84 = tpu.memref_slice %arg4[%add3A_72, %dma_start3A_83] : memref<64x1024xi32, #tpu.memory_space<hbm>> -> memref<1x1024xi32, #tpu.memory_space<hbm>>
    %dma_start3A_85 = tpu.memref_squeeze %dma_start3A_84 : memref<1x1024xi32, #tpu.memory_space<hbm>> -> memref<1024xi32, #tpu.memory_space<hbm>>
    tpu.enqueue_dma source(%dma_start3A_85 : memref<1024xi32, #tpu.memory_space<hbm>>) target(%dma_start3A_82 : memref<1024xi32, #tpu.memory_space<vmem>>) target_semaphore(%arg19 : memref<!tpu.dma_semaphore, #tpu.memory_space<semaphore_mem>>)
    %dma_wait3A = arith.constant 0 : i32
    %dma_wait3A_86 = arith.constant 0 : i32
    %dma_wait3A_87 = tpu.memref_slice %arg7[%dma_wait3A, %dma_wait3A_86] : memref<2x1024xi32, #tpu.memory_space<vmem>> -> memref<1x1024xi32, #tpu.memory_space<vmem>>
    %dma_wait3A_88 = tpu.memref_squeeze %dma_wait3A_87 : memref<1x1024xi32, #tpu.memory_space<vmem>> -> memref<1024xi32, #tpu.memory_space<vmem>>
    %dma_wait3A_89 = arith.constant 0 : i32
    %dma_wait3A_90 = tpu.memref_slice %arg4[%add3A_55, %dma_wait3A_89] : memref<64x1024xi32, #tpu.memory_space<hbm>> -> memref<1x1024xi32, #tpu.memory_space<hbm>>
    %dma_wait3A_91 = tpu.memref_squeeze %dma_wait3A_90 : memref<1x1024xi32, #tpu.memory_space<hbm>> -> memref<1024xi32, #tpu.memory_space<hbm>>
    %dma_wait3A_92 = arith.constant 0 : i32
    %dma_wait3A_93 = tpu.memref_slice %arg7[%dma_wait3A, %dma_wait3A_92] : memref<2x1024xi32, #tpu.memory_space<vmem>> -> memref<1x1024xi32, #tpu.memory_space<vmem>>
    %dma_wait3A_94 = tpu.memref_squeeze %dma_wait3A_93 : memref<1x1024xi32, #tpu.memory_space<vmem>> -> memref<1024xi32, #tpu.memory_space<vmem>>
    %dma_wait3A_95 = arith.constant 0 : i32
    %dma_wait3A_96 = tpu.memref_slice %arg4[%add3A_55, %dma_wait3A_95] : memref<64x1024xi32, #tpu.memory_space<hbm>> -> memref<1x1024xi32, #tpu.memory_space<hbm>>
    %dma_wait3A_97 = tpu.memref_squeeze %dma_wait3A_96 : memref<1x1024xi32, #tpu.memory_space<hbm>> -> memref<1024xi32, #tpu.memory_space<hbm>>
    tpu.wait_dma2 semaphore(%arg19 : memref<!tpu.dma_semaphore, #tpu.memory_space<semaphore_mem>>) src(%dma_wait3A_97 : memref<1024xi32, #tpu.memory_space<hbm>>) dst(%dma_wait3A_94 : memref<1024xi32, #tpu.memory_space<vmem>>)
    %dma_wait3A_98 = arith.constant 1 : i32
    %dma_wait3A_99 = arith.constant 0 : i32
    %dma_wait3A_100 = tpu.memref_slice %arg7[%dma_wait3A_98, %dma_wait3A_99] : memref<2x1024xi32, #tpu.memory_space<vmem>> -> memref<1x1024xi32, #tpu.memory_space<vmem>>
    %dma_wait3A_101 = tpu.memref_squeeze %dma_wait3A_100 : memref<1x1024xi32, #tpu.memory_space<vmem>> -> memref<1024xi32, #tpu.memory_space<vmem>>
    %dma_wait3A_102 = arith.constant 0 : i32
    %dma_wait3A_103 = tpu.memref_slice %arg4[%add3A_72, %dma_wait3A_102] : memref<64x1024xi32, #tpu.memory_space<hbm>> -> memref<1x1024xi32, #tpu.memory_space<hbm>>
    %dma_wait3A_104 = tpu.memref_squeeze %dma_wait3A_103 : memref<1x1024xi32, #tpu.memory_space<hbm>> -> memref<1024xi32, #tpu.memory_space<hbm>>
    %dma_wait3A_105 = arith.constant 0 : i32
    %dma_wait3A_106 = tpu.memref_slice %arg7[%dma_wait3A_98, %dma_wait3A_105] : memref<2x1024xi32, #tpu.memory_space<vmem>> -> memref<1x1024xi32, #tpu.memory_space<vmem>>
    %dma_wait3A_107 = tpu.memref_squeeze %dma_wait3A_106 : memref<1x1024xi32, #tpu.memory_space<vmem>> -> memref<1024xi32, #tpu.memory_space<vmem>>
    %dma_wait3A_108 = arith.constant 0 : i32
    %dma_wait3A_109 = tpu.memref_slice %arg4[%add3A_72, %dma_wait3A_108] : memref<64x1024xi32, #tpu.memory_space<hbm>> -> memref<1x1024xi32, #tpu.memory_space<hbm>>
    %dma_wait3A_110 = tpu.memref_squeeze %dma_wait3A_109 : memref<1x1024xi32, #tpu.memory_space<hbm>> -> memref<1024xi32, #tpu.memory_space<hbm>>
    tpu.wait_dma2 semaphore(%arg19 : memref<!tpu.dma_semaphore, #tpu.memory_space<semaphore_mem>>) src(%dma_wait3A_110 : memref<1024xi32, #tpu.memory_space<hbm>>) dst(%dma_wait3A_107 : memref<1024xi32, #tpu.memory_space<vmem>>)
    %scan3A = arith.constant 0 : i32
    %scan3A_111 = arith.constant 64 : i32
    %scan3A_112 = arith.addi %scan3A, %scan3A_111 : i32
    %scan3A_113 = arith.constant 1 : i32
    scf.for %scan3A_952 = %scan3A to %scan3A_112 step %scan3A_113  : i32 {
      %mul3A_953 = arith.constant 1 : i32
      %mul3A_954 = arith.muli %scan3A_952, %mul3A_953 : i32
      %add3A_955 = arith.constant 0 : i32
      %add3A_956 = arith.addi %add3A_955, %mul3A_954 : i32
      %mul3A_957 = arith.constant 16 : i32
      %mul3A_958 = arith.muli %add3A_956, %mul3A_957 : i32
      %get3A = arith.constant 0 : i32
      %get3A_959 = arith.index_cast %get3A : i32 to index
      %get3A_960 = arith.index_cast %mul3A_958 : i32 to index
      %get3A_961 = tpu.vector_load %arg7[%get3A_959, %get3A_960] {strides = array<i32>} : memref<2x1024xi32, #tpu.memory_space<vmem>>, vector<16xi32>,
      %add3A_962 = arith.constant 0 : i32
      %add3A_963 = vector.broadcast %add3A_962 : i32 to vector<16xi32>
      %add3A_964 = arith.addi %get3A_961, %add3A_963 : vector<16xi32>
      %iota3A = tpu.iota {dimensions = array<i32: 0>} : vector<16xi32>
      %mul3A_965 = arith.constant 16 : i32
      %mul3A_966 = arith.muli %add3A_956, %mul3A_965 : i32
      %add3A_967 = vector.broadcast %mul3A_966 : i32 to vector<16xi32>
      %add3A_968 = arith.addi %iota3A, %add3A_967 : vector<16xi32>
      tpu.vector_store_idx %arg8[%add3A_964], %add3A_968 : memref<2048xi32, #tpu.memory_space<vmem>>[vector<16xi32>], vector<16xi32>,
    }
    %scan3A_114 = arith.constant 64 : i32
    %mul3A_115 = arith.constant 2 : i32
    %mul3A_116 = arith.muli %add3A, %mul3A_115 : i32
    %add3A_117 = arith.constant 0 : i32
    %add3A_118 = arith.addi %mul3A_116, %add3A_117 : i32
    %dma_start3A_119 = arith.constant 0 : i32
    %dma_start3A_120 = tpu.memref_slice %arg8[%dma_start3A_119] : memref<2048xi32, #tpu.memory_space<vmem>> -> memref<1024xi32, #tpu.memory_space<vmem>>
    %dma_start3A_121 = arith.constant 0 : i32
    %dma_start3A_122 = tpu.memref_slice %arg6[%add3A_118, %dma_start3A_121] : memref<64x1024xi32, #tpu.memory_space<hbm>> -> memref<1x1024xi32, #tpu.memory_space<hbm>>
    %dma_start3A_123 = tpu.memref_squeeze %dma_start3A_122 : memref<1x1024xi32, #tpu.memory_space<hbm>> -> memref<1024xi32, #tpu.memory_space<hbm>>
    %dma_start3A_124 = arith.constant 0 : i32
    %dma_start3A_125 = tpu.memref_slice %arg6[%add3A_118, %dma_start3A_124] : memref<64x1024xi32, #tpu.memory_space<hbm>> -> memref<1x1024xi32, #tpu.memory_space<hbm>>
    %dma_start3A_126 = tpu.memref_squeeze %dma_start3A_125 : memref<1x1024xi32, #tpu.memory_space<hbm>> -> memref<1024xi32, #tpu.memory_space<hbm>>
    %dma_start3A_127 = arith.constant 0 : i32
    %dma_start3A_128 = tpu.memref_slice %arg8[%dma_start3A_127] : memref<2048xi32, #tpu.memory_space<vmem>> -> memref<1024xi32, #tpu.memory_space<vmem>>
    tpu.enqueue_dma source(%dma_start3A_128 : memref<1024xi32, #tpu.memory_space<vmem>>) target(%dma_start3A_126 : memref<1024xi32, #tpu.memory_space<hbm>>) target_semaphore(%arg20 : memref<!tpu.dma_semaphore, #tpu.memory_space<semaphore_mem>>)
    %scan3A_129 = arith.constant 0 : i32
    %scan3A_130 = arith.constant 64 : i32
    %scan3A_131 = arith.addi %scan3A_129, %scan3A_130 : i32
    %scan3A_132 = arith.constant 1 : i32
    scf.for %scan3A_952 = %scan3A_129 to %scan3A_131 step %scan3A_132  : i32 {
      %mul3A_953 = arith.constant 1 : i32
      %mul3A_954 = arith.muli %scan3A_952, %mul3A_953 : i32
      %add3A_955 = arith.constant 0 : i32
      %add3A_956 = arith.addi %add3A_955, %mul3A_954 : i32
      %mul3A_957 = arith.constant 16 : i32
      %mul3A_958 = arith.muli %add3A_956, %mul3A_957 : i32
      %get3A = arith.constant 1 : i32
      %get3A_959 = arith.index_cast %get3A : i32 to index
      %get3A_960 = arith.index_cast %mul3A_958 : i32 to index
      %get3A_961 = tpu.vector_load %arg7[%get3A_959, %get3A_960] {strides = array<i32>} : memref<2x1024xi32, #tpu.memory_space<vmem>>, vector<16xi32>,
      %add3A_962 = arith.constant 1024 : i32
      %add3A_963 = vector.broadcast %add3A_962 : i32 to vector<16xi32>
      %add3A_964 = arith.addi %get3A_961, %add3A_963 : vector<16xi32>
      %iota3A = tpu.iota {dimensions = array<i32: 0>} : vector<16xi32>
      %mul3A_965 = arith.constant 16 : i32
      %mul3A_966 = arith.muli %add3A_956, %mul3A_965 : i32
      %add3A_967 = vector.broadcast %mul3A_966 : i32 to vector<16xi32>
      %add3A_968 = arith.addi %iota3A, %add3A_967 : vector<16xi32>
      tpu.vector_store_idx %arg8[%add3A_964], %add3A_968 : memref<2048xi32, #tpu.memory_space<vmem>>[vector<16xi32>], vector<16xi32>,
    }
    %scan3A_133 = arith.constant 64 : i32
    %mul3A_134 = arith.constant 2 : i32
    %mul3A_135 = arith.muli %add3A, %mul3A_134 : i32
    %add3A_136 = arith.constant 1 : i32
    %add3A_137 = arith.addi %mul3A_135, %add3A_136 : i32
    %dma_start3A_138 = arith.constant 1024 : i32
    %dma_start3A_139 = tpu.memref_slice %arg8[%dma_start3A_138] : memref<2048xi32, #tpu.memory_space<vmem>> -> memref<1024xi32, #tpu.memory_space<vmem>>
    %dma_start3A_140 = arith.constant 0 : i32
    %dma_start3A_141 = tpu.memref_slice %arg6[%add3A_137, %dma_start3A_140] : memref<64x1024xi32, #tpu.memory_space<hbm>> -> memref<1x1024xi32, #tpu.memory_space<hbm>>
    %dma_start3A_142 = tpu.memref_squeeze %dma_start3A_141 : memref<1x1024xi32, #tpu.memory_space<hbm>> -> memref<1024xi32, #tpu.memory_space<hbm>>
    %dma_start3A_143 = arith.constant 0 : i32
    %dma_start3A_144 = tpu.memref_slice %arg6[%add3A_137, %dma_start3A_143] : memref<64x1024xi32, #tpu.memory_space<hbm>> -> memref<1x1024xi32, #tpu.memory_space<hbm>>
    %dma_start3A_145 = tpu.memref_squeeze %dma_start3A_144 : memref<1x1024xi32, #tpu.memory_space<hbm>> -> memref<1024xi32, #tpu.memory_space<hbm>>
    %dma_start3A_146 = arith.constant 1024 : i32
    %dma_start3A_147 = tpu.memref_slice %arg8[%dma_start3A_146] : memref<2048xi32, #tpu.memory_space<vmem>> -> memref<1024xi32, #tpu.memory_space<vmem>>
    tpu.enqueue_dma source(%dma_start3A_147 : memref<1024xi32, #tpu.memory_space<vmem>>) target(%dma_start3A_145 : memref<1024xi32, #tpu.memory_space<hbm>>) target_semaphore(%arg20 : memref<!tpu.dma_semaphore, #tpu.memory_space<semaphore_mem>>)
    %dma_wait3A_148 = arith.constant 0 : i32
    %dma_wait3A_149 = arith.constant 0 : i32
    %dma_wait3A_150 = arith.constant 0 : i32
    %dma_wait3A_151 = arith.constant 0 : i32
    %dma_wait3A_152 = tpu.memref_slice %arg10[%dma_wait3A_149, %dma_wait3A_150, %dma_wait3A_151] : memref<4x32x768xf32, #tpu.memory_space<vmem>> -> memref<1x32x768xf32, #tpu.memory_space<vmem>>
    %dma_wait3A_153 = tpu.memref_squeeze %dma_wait3A_152 : memref<1x32x768xf32, #tpu.memory_space<vmem>> -> memref<32x768xf32, #tpu.memory_space<vmem>>
    %dma_wait3A_154 = arith.constant 0 : i32
    %dma_wait3A_155 = tpu.memref_slice %arg9[%dma_wait3A_148, %dma_wait3A_154] : memref<16x32xi32, #tpu.memory_space<vmem>> -> memref<1x32xi32, #tpu.memory_space<vmem>>
    %dma_wait3A_156 = tpu.memref_squeeze %dma_wait3A_155 : memref<1x32xi32, #tpu.memory_space<vmem>> -> memref<32xi32, #tpu.memory_space<vmem>>
    %dma_wait3A_157 = arith.constant 0 : i32
    %dma_wait3A_158 = arith.constant 0 : i32
    %dma_wait3A_159 = tpu.memref_slice %arg2[%dma_wait3A_157, %dma_wait3A_158] : memref<65536x768xf32, #tpu.memory_space<hbm>> -> memref<65536x768xf32, #tpu.memory_space<hbm>>
    tpu.wait_indirect_dma semaphore(%arg11 : memref<!tpu.dma_semaphore, #tpu.memory_space<semaphore_mem>>) src(%dma_wait3A_159 : memref<65536x768xf32, #tpu.memory_space<hbm>>) dst(%dma_wait3A_153 : memref<32x768xf32, #tpu.memory_space<vmem>>)
    %add3A_160 = arith.constant 0 : i32
    %add3A_161 = arith.addi %mul3A_4, %add3A_160 : i32
    %dma_start3A_162 = arith.constant 0 : i32
    %dma_start3A_163 = arith.constant 0 : i32
    %dma_start3A_164 = arith.constant 0 : i32
    %dma_start3A_165 = tpu.memref_slice %arg10[%dma_start3A_162, %dma_start3A_163, %dma_start3A_164] : memref<4x32x768xf32, #tpu.memory_space<vmem>> -> memref<1x32x768xf32, #tpu.memory_space<vmem>>
    %dma_start3A_166 = tpu.memref_squeeze %dma_start3A_165 : memref<1x32x768xf32, #tpu.memory_space<vmem>> -> memref<32x768xf32, #tpu.memory_space<vmem>>
    %dma_start3A_167 = arith.constant 0 : i32
    %dma_start3A_168 = tpu.memref_slice %arg5[%add3A_161, %dma_start3A_167] : memref<16384x768xf32, #tpu.memory_space<hbm>> -> memref<32x768xf32, #tpu.memory_space<hbm>>
    %dma_start3A_169 = arith.constant 0 : i32
    %dma_start3A_170 = tpu.memref_slice %arg5[%add3A_161, %dma_start3A_169] : memref<16384x768xf32, #tpu.memory_space<hbm>> -> memref<32x768xf32, #tpu.memory_space<hbm>>
    %dma_start3A_171 = arith.constant 0 : i32
    %dma_start3A_172 = arith.constant 0 : i32
    %dma_start3A_173 = tpu.memref_slice %arg10[%dma_start3A_162, %dma_start3A_171, %dma_start3A_172] : memref<4x32x768xf32, #tpu.memory_space<vmem>> -> memref<1x32x768xf32, #tpu.memory_space<vmem>>
    %dma_start3A_174 = tpu.memref_squeeze %dma_start3A_173 : memref<1x32x768xf32, #tpu.memory_space<vmem>> -> memref<32x768xf32, #tpu.memory_space<vmem>>
    tpu.enqueue_dma source(%dma_start3A_174 : memref<32x768xf32, #tpu.memory_space<vmem>>) target(%dma_start3A_170 : memref<32x768xf32, #tpu.memory_space<hbm>>) target_semaphore(%arg15 : memref<!tpu.dma_semaphore, #tpu.memory_space<semaphore_mem>>)
    %dma_wait3A_175 = arith.constant 0 : i32
    %dma_wait3A_176 = arith.constant 0 : i32
    %dma_wait3A_177 = arith.constant 0 : i32
    %dma_wait3A_178 = tpu.memref_slice %arg10[%dma_wait3A_175, %dma_wait3A_176, %dma_wait3A_177] : memref<4x32x768xf32, #tpu.memory_space<vmem>> -> memref<1x32x768xf32, #tpu.memory_space<vmem>>
    %dma_wait3A_179 = tpu.memref_squeeze %dma_wait3A_178 : memref<1x32x768xf32, #tpu.memory_space<vmem>> -> memref<32x768xf32, #tpu.memory_space<vmem>>
    %dma_wait3A_180 = arith.constant 0 : i32
    %dma_wait3A_181 = tpu.memref_slice %arg5[%mul3A_4, %dma_wait3A_180] : memref<16384x768xf32, #tpu.memory_space<hbm>> -> memref<32x768xf32, #tpu.memory_space<hbm>>
    %dma_wait3A_182 = arith.constant 0 : i32
    %dma_wait3A_183 = tpu.memref_slice %arg5[%mul3A_4, %dma_wait3A_182] : memref<16384x768xf32, #tpu.memory_space<hbm>> -> memref<32x768xf32, #tpu.memory_space<hbm>>
    %dma_wait3A_184 = arith.constant 0 : i32
    %dma_wait3A_185 = arith.constant 0 : i32
    %dma_wait3A_186 = tpu.memref_slice %arg10[%dma_wait3A_175, %dma_wait3A_184, %dma_wait3A_185] : memref<4x32x768xf32, #tpu.memory_space<vmem>> -> memref<1x32x768xf32, #tpu.memory_space<vmem>>
    %dma_wait3A_187 = tpu.memref_squeeze %dma_wait3A_186 : memref<1x32x768xf32, #tpu.memory_space<vmem>> -> memref<32x768xf32, #tpu.memory_space<vmem>>
    tpu.wait_dma2 semaphore(%arg15 : memref<!tpu.dma_semaphore, #tpu.memory_space<semaphore_mem>>) src(%dma_wait3A_187 : memref<32x768xf32, #tpu.memory_space<vmem>>) dst(%dma_wait3A_183 : memref<32x768xf32, #tpu.memory_space<hbm>>)
    %dma_start3A_188 = arith.constant 4 : i32
    %dma_start3A_189 = arith.constant 0 : i32
    %dma_start3A_190 = arith.constant 0 : i32
    %dma_start3A_191 = arith.constant 0 : i32
    %dma_start3A_192 = tpu.memref_slice %arg10[%dma_start3A_189, %dma_start3A_190, %dma_start3A_191] : memref<4x32x768xf32, #tpu.memory_space<vmem>> -> memref<1x32x768xf32, #tpu.memory_space<vmem>>
    %dma_start3A_193 = tpu.memref_squeeze %dma_start3A_192 : memref<1x32x768xf32, #tpu.memory_space<vmem>> -> memref<32x768xf32, #tpu.memory_space<vmem>>
    %dma_start3A_194 = arith.constant 0 : i32
    %dma_start3A_195 = tpu.memref_slice %arg9[%dma_start3A_188, %dma_start3A_194] : memref<16x32xi32, #tpu.memory_space<vmem>> -> memref<1x32xi32, #tpu.memory_space<vmem>>
    %dma_start3A_196 = tpu.memref_squeeze %dma_start3A_195 : memref<1x32xi32, #tpu.memory_space<vmem>> -> memref<32xi32, #tpu.memory_space<vmem>>
    %dma_start3A_197 = arith.constant 0 : i32
    %dma_start3A_198 = arith.constant 0 : i32
    %dma_start3A_199 = tpu.memref_slice %arg2[%dma_start3A_197, %dma_start3A_198] : memref<65536x768xf32, #tpu.memory_space<hbm>> -> memref<65536x768xf32, #tpu.memory_space<hbm>>
    tpu.enqueue_indirect_dma source(%dma_start3A_199 : memref<65536x768xf32, #tpu.memory_space<hbm>>) target(%dma_start3A_193 : memref<32x768xf32, #tpu.memory_space<vmem>>) offsets(%dma_start3A_196 : memref<32xi32, #tpu.memory_space<vmem>>) semaphore(%arg11 : memref<!tpu.dma_semaphore, #tpu.memory_space<semaphore_mem>>)
    %dma_wait3A_200 = arith.constant 0 : i32
    %dma_wait3A_201 = arith.constant 1 : i32
    %dma_wait3A_202 = arith.constant 0 : i32
    %dma_wait3A_203 = arith.constant 0 : i32
    %dma_wait3A_204 = tpu.memref_slice %arg10[%dma_wait3A_201, %dma_wait3A_202, %dma_wait3A_203] : memref<4x32x768xf32, #tpu.memory_space<vmem>> -> memref<1x32x768xf32, #tpu.memory_space<vmem>>
    %dma_wait3A_205 = tpu.memref_squeeze %dma_wait3A_204 : memref<1x32x768xf32, #tpu.memory_space<vmem>> -> memref<32x768xf32, #tpu.memory_space<vmem>>
    %dma_wait3A_206 = arith.constant 0 : i32
    %dma_wait3A_207 = tpu.memref_slice %arg9[%dma_wait3A_200, %dma_wait3A_206] : memref<16x32xi32, #tpu.memory_space<vmem>> -> memref<1x32xi32, #tpu.memory_space<vmem>>
    %dma_wait3A_208 = tpu.memref_squeeze %dma_wait3A_207 : memref<1x32xi32, #tpu.memory_space<vmem>> -> memref<32xi32, #tpu.memory_space<vmem>>
    %dma_wait3A_209 = arith.constant 0 : i32
    %dma_wait3A_210 = arith.constant 0 : i32
    %dma_wait3A_211 = tpu.memref_slice %arg2[%dma_wait3A_209, %dma_wait3A_210] : memref<65536x768xf32, #tpu.memory_space<hbm>> -> memref<65536x768xf32, #tpu.memory_space<hbm>>
    tpu.wait_indirect_dma semaphore(%arg12 : memref<!tpu.dma_semaphore, #tpu.memory_space<semaphore_mem>>) src(%dma_wait3A_211 : memref<65536x768xf32, #tpu.memory_space<hbm>>) dst(%dma_wait3A_205 : memref<32x768xf32, #tpu.memory_space<vmem>>)
    %add3A_212 = arith.constant 32 : i32
    %add3A_213 = arith.addi %mul3A_4, %add3A_212 : i32
    %dma_start3A_214 = arith.constant 1 : i32
    %dma_start3A_215 = arith.constant 0 : i32
    %dma_start3A_216 = arith.constant 0 : i32
    %dma_start3A_217 = tpu.memref_slice %arg10[%dma_start3A_214, %dma_start3A_215, %dma_start3A_216] : memref<4x32x768xf32, #tpu.memory_space<vmem>> -> memref<1x32x768xf32, #tpu.memory_space<vmem>>
    %dma_start3A_218 = tpu.memref_squeeze %dma_start3A_217 : memref<1x32x768xf32, #tpu.memory_space<vmem>> -> memref<32x768xf32, #tpu.memory_space<vmem>>
    %dma_start3A_219 = arith.constant 0 : i32
    %dma_start3A_220 = tpu.memref_slice %arg5[%add3A_213, %dma_start3A_219] : memref<16384x768xf32, #tpu.memory_space<hbm>> -> memref<32x768xf32, #tpu.memory_space<hbm>>
    %dma_start3A_221 = arith.constant 0 : i32
    %dma_start3A_222 = tpu.memref_slice %arg5[%add3A_213, %dma_start3A_221] : memref<16384x768xf32, #tpu.memory_space<hbm>> -> memref<32x768xf32, #tpu.memory_space<hbm>>
    %dma_start3A_223 = arith.constant 0 : i32
    %dma_start3A_224 = arith.constant 0 : i32
    %dma_start3A_225 = tpu.memref_slice %arg10[%dma_start3A_214, %dma_start3A_223, %dma_start3A_224] : memref<4x32x768xf32, #tpu.memory_space<vmem>> -> memref<1x32x768xf32, #tpu.memory_space<vmem>>
    %dma_start3A_226 = tpu.memref_squeeze %dma_start3A_225 : memref<1x32x768xf32, #tpu.memory_space<vmem>> -> memref<32x768xf32, #tpu.memory_space<vmem>>
    tpu.enqueue_dma source(%dma_start3A_226 : memref<32x768xf32, #tpu.memory_space<vmem>>) target(%dma_start3A_222 : memref<32x768xf32, #tpu.memory_space<hbm>>) target_semaphore(%arg16 : memref<!tpu.dma_semaphore, #tpu.memory_space<semaphore_mem>>)
    %dma_wait3A_227 = arith.constant 1 : i32
    %dma_wait3A_228 = arith.constant 0 : i32
    %dma_wait3A_229 = arith.constant 0 : i32
    %dma_wait3A_230 = tpu.memref_slice %arg10[%dma_wait3A_227, %dma_wait3A_228, %dma_wait3A_229] : memref<4x32x768xf32, #tpu.memory_space<vmem>> -> memref<1x32x768xf32, #tpu.memory_space<vmem>>
    %dma_wait3A_231 = tpu.memref_squeeze %dma_wait3A_230 : memref<1x32x768xf32, #tpu.memory_space<vmem>> -> memref<32x768xf32, #tpu.memory_space<vmem>>
    %dma_wait3A_232 = arith.constant 0 : i32
    %dma_wait3A_233 = tpu.memref_slice %arg5[%mul3A_4, %dma_wait3A_232] : memref<16384x768xf32, #tpu.memory_space<hbm>> -> memref<32x768xf32, #tpu.memory_space<hbm>>
    %dma_wait3A_234 = arith.constant 0 : i32
    %dma_wait3A_235 = tpu.memref_slice %arg5[%mul3A_4, %dma_wait3A_234] : memref<16384x768xf32, #tpu.memory_space<hbm>> -> memref<32x768xf32, #tpu.memory_space<hbm>>
    %dma_wait3A_236 = arith.constant 0 : i32
    %dma_wait3A_237 = arith.constant 0 : i32
    %dma_wait3A_238 = tpu.memref_slice %arg10[%dma_wait3A_227, %dma_wait3A_236, %dma_wait3A_237] : memref<4x32x768xf32, #tpu.memory_space<vmem>> -> memref<1x32x768xf32, #tpu.memory_space<vmem>>
    %dma_wait3A_239 = tpu.memref_squeeze %dma_wait3A_238 : memref<1x32x768xf32, #tpu.memory_space<vmem>> -> memref<32x768xf32, #tpu.memory_space<vmem>>
    tpu.wait_dma2 semaphore(%arg16 : memref<!tpu.dma_semaphore, #tpu.memory_space<semaphore_mem>>) src(%dma_wait3A_239 : memref<32x768xf32, #tpu.memory_space<vmem>>) dst(%dma_wait3A_235 : memref<32x768xf32, #tpu.memory_space<hbm>>)
    %dma_start3A_240 = arith.constant 5 : i32
    %dma_start3A_241 = arith.constant 1 : i32
    %dma_start3A_242 = arith.constant 0 : i32
    %dma_start3A_243 = arith.constant 0 : i32
    %dma_start3A_244 = tpu.memref_slice %arg10[%dma_start3A_241, %dma_start3A_242, %dma_start3A_243] : memref<4x32x768xf32, #tpu.memory_space<vmem>> -> memref<1x32x768xf32, #tpu.memory_space<vmem>>
    %dma_start3A_245 = tpu.memref_squeeze %dma_start3A_244 : memref<1x32x768xf32, #tpu.memory_space<vmem>> -> memref<32x768xf32, #tpu.memory_space<vmem>>
    %dma_start3A_246 = arith.constant 0 : i32
    %dma_start3A_247 = tpu.memref_slice %arg9[%dma_start3A_240, %dma_start3A_246] : memref<16x32xi32, #tpu.memory_space<vmem>> -> memref<1x32xi32, #tpu.memory_space<vmem>>
    %dma_start3A_248 = tpu.memref_squeeze %dma_start3A_247 : memref<1x32xi32, #tpu.memory_space<vmem>> -> memref<32xi32, #tpu.memory_space<vmem>>
    %dma_start3A_249 = arith.constant 0 : i32
    %dma_start3A_250 = arith.constant 0 : i32
    %dma_start3A_251 = tpu.memref_slice %arg2[%dma_start3A_249, %dma_start3A_250] : memref<65536x768xf32, #tpu.memory_space<hbm>> -> memref<65536x768xf32, #tpu.memory_space<hbm>>
    tpu.enqueue_indirect_dma source(%dma_start3A_251 : memref<65536x768xf32, #tpu.memory_space<hbm>>) target(%dma_start3A_245 : memref<32x768xf32, #tpu.memory_space<vmem>>) offsets(%dma_start3A_248 : memref<32xi32, #tpu.memory_space<vmem>>) semaphore(%arg12 : memref<!tpu.dma_semaphore, #tpu.memory_space<semaphore_mem>>)
    %dma_wait3A_252 = arith.constant 0 : i32
    %dma_wait3A_253 = arith.constant 2 : i32
    %dma_wait3A_254 = arith.constant 0 : i32
    %dma_wait3A_255 = arith.constant 0 : i32
    %dma_wait3A_256 = tpu.memref_slice %arg10[%dma_wait3A_253, %dma_wait3A_254, %dma_wait3A_255] : memref<4x32x768xf32, #tpu.memory_space<vmem>> -> memref<1x32x768xf32, #tpu.memory_space<vmem>>
    %dma_wait3A_257 = tpu.memref_squeeze %dma_wait3A_256 : memref<1x32x768xf32, #tpu.memory_space<vmem>> -> memref<32x768xf32, #tpu.memory_space<vmem>>
    %dma_wait3A_258 = arith.constant 0 : i32
    %dma_wait3A_259 = tpu.memref_slice %arg9[%dma_wait3A_252, %dma_wait3A_258] : memref<16x32xi32, #tpu.memory_space<vmem>> -> memref<1x32xi32, #tpu.memory_space<vmem>>
    %dma_wait3A_260 = tpu.memref_squeeze %dma_wait3A_259 : memref<1x32xi32, #tpu.memory_space<vmem>> -> memref<32xi32, #tpu.memory_space<vmem>>
    %dma_wait3A_261 = arith.constant 0 : i32
    %dma_wait3A_262 = arith.constant 0 : i32
    %dma_wait3A_263 = tpu.memref_slice %arg2[%dma_wait3A_261, %dma_wait3A_262] : memref<65536x768xf32, #tpu.memory_space<hbm>> -> memref<65536x768xf32, #tpu.memory_space<hbm>>
    tpu.wait_indirect_dma semaphore(%arg13 : memref<!tpu.dma_semaphore, #tpu.memory_space<semaphore_mem>>) src(%dma_wait3A_263 : memref<65536x768xf32, #tpu.memory_space<hbm>>) dst(%dma_wait3A_257 : memref<32x768xf32, #tpu.memory_space<vmem>>)
    %add3A_264 = arith.constant 64 : i32
    %add3A_265 = arith.addi %mul3A_4, %add3A_264 : i32
    %dma_start3A_266 = arith.constant 2 : i32
    %dma_start3A_267 = arith.constant 0 : i32
    %dma_start3A_268 = arith.constant 0 : i32
    %dma_start3A_269 = tpu.memref_slice %arg10[%dma_start3A_266, %dma_start3A_267, %dma_start3A_268] : memref<4x32x768xf32, #tpu.memory_space<vmem>> -> memref<1x32x768xf32, #tpu.memory_space<vmem>>
    %dma_start3A_270 = tpu.memref_squeeze %dma_start3A_269 : memref<1x32x768xf32, #tpu.memory_space<vmem>> -> memref<32x768xf32, #tpu.memory_space<vmem>>
    %dma_start3A_271 = arith.constant 0 : i32
    %dma_start3A_272 = tpu.memref_slice %arg5[%add3A_265, %dma_start3A_271] : memref<16384x768xf32, #tpu.memory_space<hbm>> -> memref<32x768xf32, #tpu.memory_space<hbm>>
    %dma_start3A_273 = arith.constant 0 : i32
    %dma_start3A_274 = tpu.memref_slice %arg5[%add3A_265, %dma_start3A_273] : memref<16384x768xf32, #tpu.memory_space<hbm>> -> memref<32x768xf32, #tpu.memory_space<hbm>>
    %dma_start3A_275 = arith.constant 0 : i32
    %dma_start3A_276 = arith.constant 0 : i32
    %dma_start3A_277 = tpu.memref_slice %arg10[%dma_start3A_266, %dma_start3A_275, %dma_start3A_276] : memref<4x32x768xf32, #tpu.memory_space<vmem>> -> memref<1x32x768xf32, #tpu.memory_space<vmem>>
    %dma_start3A_278 = tpu.memref_squeeze %dma_start3A_277 : memref<1x32x768xf32, #tpu.memory_space<vmem>> -> memref<32x768xf32, #tpu.memory_space<vmem>>
    tpu.enqueue_dma source(%dma_start3A_278 : memref<32x768xf32, #tpu.memory_space<vmem>>) target(%dma_start3A_274 : memref<32x768xf32, #tpu.memory_space<hbm>>) target_semaphore(%arg17 : memref<!tpu.dma_semaphore, #tpu.memory_space<semaphore_mem>>)
    %dma_wait3A_279 = arith.constant 2 : i32
    %dma_wait3A_280 = arith.constant 0 : i32
    %dma_wait3A_281 = arith.constant 0 : i32
    %dma_wait3A_282 = tpu.memref_slice %arg10[%dma_wait3A_279, %dma_wait3A_280, %dma_wait3A_281] : memref<4x32x768xf32, #tpu.memory_space<vmem>> -> memref<1x32x768xf32, #tpu.memory_space<vmem>>
    %dma_wait3A_283 = tpu.memref_squeeze %dma_wait3A_282 : memref<1x32x768xf32, #tpu.memory_space<vmem>> -> memref<32x768xf32, #tpu.memory_space<vmem>>
    %dma_wait3A_284 = arith.constant 0 : i32
    %dma_wait3A_285 = tpu.memref_slice %arg5[%mul3A_4, %dma_wait3A_284] : memref<16384x768xf32, #tpu.memory_space<hbm>> -> memref<32x768xf32, #tpu.memory_space<hbm>>
    %dma_wait3A_286 = arith.constant 0 : i32
    %dma_wait3A_287 = tpu.memref_slice %arg5[%mul3A_4, %dma_wait3A_286] : memref<16384x768xf32, #tpu.memory_space<hbm>> -> memref<32x768xf32, #tpu.memory_space<hbm>>
    %dma_wait3A_288 = arith.constant 0 : i32
    %dma_wait3A_289 = arith.constant 0 : i32
    %dma_wait3A_290 = tpu.memref_slice %arg10[%dma_wait3A_279, %dma_wait3A_288, %dma_wait3A_289] : memref<4x32x768xf32, #tpu.memory_space<vmem>> -> memref<1x32x768xf32, #tpu.memory_space<vmem>>
    %dma_wait3A_291 = tpu.memref_squeeze %dma_wait3A_290 : memref<1x32x768xf32, #tpu.memory_space<vmem>> -> memref<32x768xf32, #tpu.memory_space<vmem>>
    tpu.wait_dma2 semaphore(%arg17 : memref<!tpu.dma_semaphore, #tpu.memory_space<semaphore_mem>>) src(%dma_wait3A_291 : memref<32x768xf32, #tpu.memory_space<vmem>>) dst(%dma_wait3A_287 : memref<32x768xf32, #tpu.memory_space<hbm>>)
    %dma_start3A_292 = arith.constant 6 : i32
    %dma_start3A_293 = arith.constant 2 : i32
    %dma_start3A_294 = arith.constant 0 : i32
    %dma_start3A_295 = arith.constant 0 : i32
    %dma_start3A_296 = tpu.memref_slice %arg10[%dma_start3A_293, %dma_start3A_294, %dma_start3A_295] : memref<4x32x768xf32, #tpu.memory_space<vmem>> -> memref<1x32x768xf32, #tpu.memory_space<vmem>>
    %dma_start3A_297 = tpu.memref_squeeze %dma_start3A_296 : memref<1x32x768xf32, #tpu.memory_space<vmem>> -> memref<32x768xf32, #tpu.memory_space<vmem>>
    %dma_start3A_298 = arith.constant 0 : i32
    %dma_start3A_299 = tpu.memref_slice %arg9[%dma_start3A_292, %dma_start3A_298] : memref<16x32xi32, #tpu.memory_space<vmem>> -> memref<1x32xi32, #tpu.memory_space<vmem>>
    %dma_start3A_300 = tpu.memref_squeeze %dma_start3A_299 : memref<1x32xi32, #tpu.memory_space<vmem>> -> memref<32xi32, #tpu.memory_space<vmem>>
    %dma_start3A_301 = arith.constant 0 : i32
    %dma_start3A_302 = arith.constant 0 : i32
    %dma_start3A_303 = tpu.memref_slice %arg2[%dma_start3A_301, %dma_start3A_302] : memref<65536x768xf32, #tpu.memory_space<hbm>> -> memref<65536x768xf32, #tpu.memory_space<hbm>>
    tpu.enqueue_indirect_dma source(%dma_start3A_303 : memref<65536x768xf32, #tpu.memory_space<hbm>>) target(%dma_start3A_297 : memref<32x768xf32, #tpu.memory_space<vmem>>) offsets(%dma_start3A_300 : memref<32xi32, #tpu.memory_space<vmem>>) semaphore(%arg13 : memref<!tpu.dma_semaphore, #tpu.memory_space<semaphore_mem>>)
    %dma_wait3A_304 = arith.constant 0 : i32
    %dma_wait3A_305 = arith.constant 3 : i32
    %dma_wait3A_306 = arith.constant 0 : i32
    %dma_wait3A_307 = arith.constant 0 : i32
    %dma_wait3A_308 = tpu.memref_slice %arg10[%dma_wait3A_305, %dma_wait3A_306, %dma_wait3A_307] : memref<4x32x768xf32, #tpu.memory_space<vmem>> -> memref<1x32x768xf32, #tpu.memory_space<vmem>>
    %dma_wait3A_309 = tpu.memref_squeeze %dma_wait3A_308 : memref<1x32x768xf32, #tpu.memory_space<vmem>> -> memref<32x768xf32, #tpu.memory_space<vmem>>
    %dma_wait3A_310 = arith.constant 0 : i32
    %dma_wait3A_311 = tpu.memref_slice %arg9[%dma_wait3A_304, %dma_wait3A_310] : memref<16x32xi32, #tpu.memory_space<vmem>> -> memref<1x32xi32, #tpu.memory_space<vmem>>
    %dma_wait3A_312 = tpu.memref_squeeze %dma_wait3A_311 : memref<1x32xi32, #tpu.memory_space<vmem>> -> memref<32xi32, #tpu.memory_space<vmem>>
    %dma_wait3A_313 = arith.constant 0 : i32
    %dma_wait3A_314 = arith.constant 0 : i32
    %dma_wait3A_315 = tpu.memref_slice %arg2[%dma_wait3A_313, %dma_wait3A_314] : memref<65536x768xf32, #tpu.memory_space<hbm>> -> memref<65536x768xf32, #tpu.memory_space<hbm>>
    tpu.wait_indirect_dma semaphore(%arg14 : memref<!tpu.dma_semaphore, #tpu.memory_space<semaphore_mem>>) src(%dma_wait3A_315 : memref<65536x768xf32, #tpu.memory_space<hbm>>) dst(%dma_wait3A_309 : memref<32x768xf32, #tpu.memory_space<vmem>>)
    %add3A_316 = arith.constant 96 : i32
    %add3A_317 = arith.addi %mul3A_4, %add3A_316 : i32
    %dma_start3A_318 = arith.constant 3 : i32
    %dma_start3A_319 = arith.constant 0 : i32
    %dma_start3A_320 = arith.constant 0 : i32
    %dma_start3A_321 = tpu.memref_slice %arg10[%dma_start3A_318, %dma_start3A_319, %dma_start3A_320] : memref<4x32x768xf32, #tpu.memory_space<vmem>> -> memref<1x32x768xf32, #tpu.memory_space<vmem>>
    %dma_start3A_322 = tpu.memref_squeeze %dma_start3A_321 : memref<1x32x768xf32, #tpu.memory_space<vmem>> -> memref<32x768xf32, #tpu.memory_space<vmem>>
    %dma_start3A_323 = arith.constant 0 : i32
    %dma_start3A_324 = tpu.memref_slice %arg5[%add3A_317, %dma_start3A_323] : memref<16384x768xf32, #tpu.memory_space<hbm>> -> memref<32x768xf32, #tpu.memory_space<hbm>>
    %dma_start3A_325 = arith.constant 0 : i32
    %dma_start3A_326 = tpu.memref_slice %arg5[%add3A_317, %dma_start3A_325] : memref<16384x768xf32, #tpu.memory_space<hbm>> -> memref<32x768xf32, #tpu.memory_space<hbm>>
    %dma_start3A_327 = arith.constant 0 : i32
    %dma_start3A_328 = arith.constant 0 : i32
    %dma_start3A_329 = tpu.memref_slice %arg10[%dma_start3A_318, %dma_start3A_327, %dma_start3A_328] : memref<4x32x768xf32, #tpu.memory_space<vmem>> -> memref<1x32x768xf32, #tpu.memory_space<vmem>>
    %dma_start3A_330 = tpu.memref_squeeze %dma_start3A_329 : memref<1x32x768xf32, #tpu.memory_space<vmem>> -> memref<32x768xf32, #tpu.memory_space<vmem>>
    tpu.enqueue_dma source(%dma_start3A_330 : memref<32x768xf32, #tpu.memory_space<vmem>>) target(%dma_start3A_326 : memref<32x768xf32, #tpu.memory_space<hbm>>) target_semaphore(%arg18 : memref<!tpu.dma_semaphore, #tpu.memory_space<semaphore_mem>>)
    %dma_wait3A_331 = arith.constant 3 : i32
    %dma_wait3A_332 = arith.constant 0 : i32
    %dma_wait3A_333 = arith.constant 0 : i32
    %dma_wait3A_334 = tpu.memref_slice %arg10[%dma_wait3A_331, %dma_wait3A_332, %dma_wait3A_333] : memref<4x32x768xf32, #tpu.memory_space<vmem>> -> memref<1x32x768xf32, #tpu.memory_space<vmem>>
    %dma_wait3A_335 = tpu.memref_squeeze %dma_wait3A_334 : memref<1x32x768xf32, #tpu.memory_space<vmem>> -> memref<32x768xf32, #tpu.memory_space<vmem>>
    %dma_wait3A_336 = arith.constant 0 : i32
    %dma_wait3A_337 = tpu.memref_slice %arg5[%mul3A_4, %dma_wait3A_336] : memref<16384x768xf32, #tpu.memory_space<hbm>> -> memref<32x768xf32, #tpu.memory_space<hbm>>
    %dma_wait3A_338 = arith.constant 0 : i32
    %dma_wait3A_339 = tpu.memref_slice %arg5[%mul3A_4, %dma_wait3A_338] : memref<16384x768xf32, #tpu.memory_space<hbm>> -> memref<32x768xf32, #tpu.memory_space<hbm>>
    %dma_wait3A_340 = arith.constant 0 : i32
    %dma_wait3A_341 = arith.constant 0 : i32
    %dma_wait3A_342 = tpu.memref_slice %arg10[%dma_wait3A_331, %dma_wait3A_340, %dma_wait3A_341] : memref<4x32x768xf32, #tpu.memory_space<vmem>> -> memref<1x32x768xf32, #tpu.memory_space<vmem>>
    %dma_wait3A_343 = tpu.memref_squeeze %dma_wait3A_342 : memref<1x32x768xf32, #tpu.memory_space<vmem>> -> memref<32x768xf32, #tpu.memory_space<vmem>>
    tpu.wait_dma2 semaphore(%arg18 : memref<!tpu.dma_semaphore, #tpu.memory_space<semaphore_mem>>) src(%dma_wait3A_343 : memref<32x768xf32, #tpu.memory_space<vmem>>) dst(%dma_wait3A_339 : memref<32x768xf32, #tpu.memory_space<hbm>>)
    %dma_start3A_344 = arith.constant 7 : i32
    %dma_start3A_345 = arith.constant 3 : i32
    %dma_start3A_346 = arith.constant 0 : i32
    %dma_start3A_347 = arith.constant 0 : i32
    %dma_start3A_348 = tpu.memref_slice %arg10[%dma_start3A_345, %dma_start3A_346, %dma_start3A_347] : memref<4x32x768xf32, #tpu.memory_space<vmem>> -> memref<1x32x768xf32, #tpu.memory_space<vmem>>
    %dma_start3A_349 = tpu.memref_squeeze %dma_start3A_348 : memref<1x32x768xf32, #tpu.memory_space<vmem>> -> memref<32x768xf32, #tpu.memory_space<vmem>>
    %dma_start3A_350 = arith.constant 0 : i32
    %dma_start3A_351 = tpu.memref_slice %arg9[%dma_start3A_344, %dma_start3A_350] : memref<16x32xi32, #tpu.memory_space<vmem>> -> memref<1x32xi32, #tpu.memory_space<vmem>>
    %dma_start3A_352 = tpu.memref_squeeze %dma_start3A_351 : memref<1x32xi32, #tpu.memory_space<vmem>> -> memref<32xi32, #tpu.memory_space<vmem>>
    %dma_start3A_353 = arith.constant 0 : i32
    %dma_start3A_354 = arith.constant 0 : i32
    %dma_start3A_355 = tpu.memref_slice %arg2[%dma_start3A_353, %dma_start3A_354] : memref<65536x768xf32, #tpu.memory_space<hbm>> -> memref<65536x768xf32, #tpu.memory_space<hbm>>
    tpu.enqueue_indirect_dma source(%dma_start3A_355 : memref<65536x768xf32, #tpu.memory_space<hbm>>) target(%dma_start3A_349 : memref<32x768xf32, #tpu.memory_space<vmem>>) offsets(%dma_start3A_352 : memref<32xi32, #tpu.memory_space<vmem>>) semaphore(%arg14 : memref<!tpu.dma_semaphore, #tpu.memory_space<semaphore_mem>>)
    %dma_wait3A_356 = arith.constant 0 : i32
    %dma_wait3A_357 = arith.constant 0 : i32
    %dma_wait3A_358 = arith.constant 0 : i32
    %dma_wait3A_359 = arith.constant 0 : i32
    %dma_wait3A_360 = tpu.memref_slice %arg10[%dma_wait3A_357, %dma_wait3A_358, %dma_wait3A_359] : memref<4x32x768xf32, #tpu.memory_space<vmem>> -> memref<1x32x768xf32, #tpu.memory_space<vmem>>
    %dma_wait3A_361 = tpu.memref_squeeze %dma_wait3A_360 : memref<1x32x768xf32, #tpu.memory_space<vmem>> -> memref<32x768xf32, #tpu.memory_space<vmem>>
    %dma_wait3A_362 = arith.constant 0 : i32
    %dma_wait3A_363 = tpu.memref_slice %arg9[%dma_wait3A_356, %dma_wait3A_362] : memref<16x32xi32, #tpu.memory_space<vmem>> -> memref<1x32xi32, #tpu.memory_space<vmem>>
    %dma_wait3A_364 = tpu.memref_squeeze %dma_wait3A_363 : memref<1x32xi32, #tpu.memory_space<vmem>> -> memref<32xi32, #tpu.memory_space<vmem>>
    %dma_wait3A_365 = arith.constant 0 : i32
    %dma_wait3A_366 = arith.constant 0 : i32
    %dma_wait3A_367 = tpu.memref_slice %arg2[%dma_wait3A_365, %dma_wait3A_366] : memref<65536x768xf32, #tpu.memory_space<hbm>> -> memref<65536x768xf32, #tpu.memory_space<hbm>>
    tpu.wait_indirect_dma semaphore(%arg11 : memref<!tpu.dma_semaphore, #tpu.memory_space<semaphore_mem>>) src(%dma_wait3A_367 : memref<65536x768xf32, #tpu.memory_space<hbm>>) dst(%dma_wait3A_361 : memref<32x768xf32, #tpu.memory_space<vmem>>)
    %add3A_368 = arith.constant 128 : i32
    %add3A_369 = arith.addi %mul3A_4, %add3A_368 : i32
    %dma_start3A_370 = arith.constant 0 : i32
    %dma_start3A_371 = arith.constant 0 : i32
    %dma_start3A_372 = arith.constant 0 : i32
    %dma_start3A_373 = tpu.memref_slice %arg10[%dma_start3A_370, %dma_start3A_371, %dma_start3A_372] : memref<4x32x768xf32, #tpu.memory_space<vmem>> -> memref<1x32x768xf32, #tpu.memory_space<vmem>>
    %dma_start3A_374 = tpu.memref_squeeze %dma_start3A_373 : memref<1x32x768xf32, #tpu.memory_space<vmem>> -> memref<32x768xf32, #tpu.memory_space<vmem>>
    %dma_start3A_375 = arith.constant 0 : i32
    %dma_start3A_376 = tpu.memref_slice %arg5[%add3A_369, %dma_start3A_375] : memref<16384x768xf32, #tpu.memory_space<hbm>> -> memref<32x768xf32, #tpu.memory_space<hbm>>
    %dma_start3A_377 = arith.constant 0 : i32
    %dma_start3A_378 = tpu.memref_slice %arg5[%add3A_369, %dma_start3A_377] : memref<16384x768xf32, #tpu.memory_space<hbm>> -> memref<32x768xf32, #tpu.memory_space<hbm>>
    %dma_start3A_379 = arith.constant 0 : i32
    %dma_start3A_380 = arith.constant 0 : i32
    %dma_start3A_381 = tpu.memref_slice %arg10[%dma_start3A_370, %dma_start3A_379, %dma_start3A_380] : memref<4x32x768xf32, #tpu.memory_space<vmem>> -> memref<1x32x768xf32, #tpu.memory_space<vmem>>
    %dma_start3A_382 = tpu.memref_squeeze %dma_start3A_381 : memref<1x32x768xf32, #tpu.memory_space<vmem>> -> memref<32x768xf32, #tpu.memory_space<vmem>>
    tpu.enqueue_dma source(%dma_start3A_382 : memref<32x768xf32, #tpu.memory_space<vmem>>) target(%dma_start3A_378 : memref<32x768xf32, #tpu.memory_space<hbm>>) target_semaphore(%arg15 : memref<!tpu.dma_semaphore, #tpu.memory_space<semaphore_mem>>)
    %dma_wait3A_383 = arith.constant 0 : i32
    %dma_wait3A_384 = arith.constant 0 : i32
    %dma_wait3A_385 = arith.constant 0 : i32
    %dma_wait3A_386 = tpu.memref_slice %arg10[%dma_wait3A_383, %dma_wait3A_384, %dma_wait3A_385] : memref<4x32x768xf32, #tpu.memory_space<vmem>> -> memref<1x32x768xf32, #tpu.memory_space<vmem>>
    %dma_wait3A_387 = tpu.memref_squeeze %dma_wait3A_386 : memref<1x32x768xf32, #tpu.memory_space<vmem>> -> memref<32x768xf32, #tpu.memory_space<vmem>>
    %dma_wait3A_388 = arith.constant 0 : i32
    %dma_wait3A_389 = tpu.memref_slice %arg5[%mul3A_4, %dma_wait3A_388] : memref<16384x768xf32, #tpu.memory_space<hbm>> -> memref<32x768xf32, #tpu.memory_space<hbm>>
    %dma_wait3A_390 = arith.constant 0 : i32
    %dma_wait3A_391 = tpu.memref_slice %arg5[%mul3A_4, %dma_wait3A_390] : memref<16384x768xf32, #tpu.memory_space<hbm>> -> memref<32x768xf32, #tpu.memory_space<hbm>>
    %dma_wait3A_392 = arith.constant 0 : i32
    %dma_wait3A_393 = arith.constant 0 : i32
    %dma_wait3A_394 = tpu.memref_slice %arg10[%dma_wait3A_383, %dma_wait3A_392, %dma_wait3A_393] : memref<4x32x768xf32, #tpu.memory_space<vmem>> -> memref<1x32x768xf32, #tpu.memory_space<vmem>>
    %dma_wait3A_395 = tpu.memref_squeeze %dma_wait3A_394 : memref<1x32x768xf32, #tpu.memory_space<vmem>> -> memref<32x768xf32, #tpu.memory_space<vmem>>
    tpu.wait_dma2 semaphore(%arg15 : memref<!tpu.dma_semaphore, #tpu.memory_space<semaphore_mem>>) src(%dma_wait3A_395 : memref<32x768xf32, #tpu.memory_space<vmem>>) dst(%dma_wait3A_391 : memref<32x768xf32, #tpu.memory_space<hbm>>)
    %dma_start3A_396 = arith.constant 8 : i32
    %dma_start3A_397 = arith.constant 0 : i32
    %dma_start3A_398 = arith.constant 0 : i32
    %dma_start3A_399 = arith.constant 0 : i32
    %dma_start3A_400 = tpu.memref_slice %arg10[%dma_start3A_397, %dma_start3A_398, %dma_start3A_399] : memref<4x32x768xf32, #tpu.memory_space<vmem>> -> memref<1x32x768xf32, #tpu.memory_space<vmem>>
    %dma_start3A_401 = tpu.memref_squeeze %dma_start3A_400 : memref<1x32x768xf32, #tpu.memory_space<vmem>> -> memref<32x768xf32, #tpu.memory_space<vmem>>
    %dma_start3A_402 = arith.constant 0 : i32
    %dma_start3A_403 = tpu.memref_slice %arg9[%dma_start3A_396, %dma_start3A_402] : memref<16x32xi32, #tpu.memory_space<vmem>> -> memref<1x32xi32, #tpu.memory_space<vmem>>
    %dma_start3A_404 = tpu.memref_squeeze %dma_start3A_403 : memref<1x32xi32, #tpu.memory_space<vmem>> -> memref<32xi32, #tpu.memory_space<vmem>>
    %dma_start3A_405 = arith.constant 0 : i32
    %dma_start3A_406 = arith.constant 0 : i32
    %dma_start3A_407 = tpu.memref_slice %arg2[%dma_start3A_405, %dma_start3A_406] : memref<65536x768xf32, #tpu.memory_space<hbm>> -> memref<65536x768xf32, #tpu.memory_space<hbm>>
    tpu.enqueue_indirect_dma source(%dma_start3A_407 : memref<65536x768xf32, #tpu.memory_space<hbm>>) target(%dma_start3A_401 : memref<32x768xf32, #tpu.memory_space<vmem>>) offsets(%dma_start3A_404 : memref<32xi32, #tpu.memory_space<vmem>>) semaphore(%arg11 : memref<!tpu.dma_semaphore, #tpu.memory_space<semaphore_mem>>)
    %dma_wait3A_408 = arith.constant 0 : i32
    %dma_wait3A_409 = arith.constant 1 : i32
    %dma_wait3A_410 = arith.constant 0 : i32
    %dma_wait3A_411 = arith.constant 0 : i32
    %dma_wait3A_412 = tpu.memref_slice %arg10[%dma_wait3A_409, %dma_wait3A_410, %dma_wait3A_411] : memref<4x32x768xf32, #tpu.memory_space<vmem>> -> memref<1x32x768xf32, #tpu.memory_space<vmem>>
    %dma_wait3A_413 = tpu.memref_squeeze %dma_wait3A_412 : memref<1x32x768xf32, #tpu.memory_space<vmem>> -> memref<32x768xf32, #tpu.memory_space<vmem>>
    %dma_wait3A_414 = arith.constant 0 : i32
    %dma_wait3A_415 = tpu.memref_slice %arg9[%dma_wait3A_408, %dma_wait3A_414] : memref<16x32xi32, #tpu.memory_space<vmem>> -> memref<1x32xi32, #tpu.memory_space<vmem>>
    %dma_wait3A_416 = tpu.memref_squeeze %dma_wait3A_415 : memref<1x32xi32, #tpu.memory_space<vmem>> -> memref<32xi32, #tpu.memory_space<vmem>>
    %dma_wait3A_417 = arith.constant 0 : i32
    %dma_wait3A_418 = arith.constant 0 : i32
    %dma_wait3A_419 = tpu.memref_slice %arg2[%dma_wait3A_417, %dma_wait3A_418] : memref<65536x768xf32, #tpu.memory_space<hbm>> -> memref<65536x768xf32, #tpu.memory_space<hbm>>
    tpu.wait_indirect_dma semaphore(%arg12 : memref<!tpu.dma_semaphore, #tpu.memory_space<semaphore_mem>>) src(%dma_wait3A_419 : memref<65536x768xf32, #tpu.memory_space<hbm>>) dst(%dma_wait3A_413 : memref<32x768xf32, #tpu.memory_space<vmem>>)
    %add3A_420 = arith.constant 160 : i32
    %add3A_421 = arith.addi %mul3A_4, %add3A_420 : i32
    %dma_start3A_422 = arith.constant 1 : i32
    %dma_start3A_423 = arith.constant 0 : i32
    %dma_start3A_424 = arith.constant 0 : i32
    %dma_start3A_425 = tpu.memref_slice %arg10[%dma_start3A_422, %dma_start3A_423, %dma_start3A_424] : memref<4x32x768xf32, #tpu.memory_space<vmem>> -> memref<1x32x768xf32, #tpu.memory_space<vmem>>
    %dma_start3A_426 = tpu.memref_squeeze %dma_start3A_425 : memref<1x32x768xf32, #tpu.memory_space<vmem>> -> memref<32x768xf32, #tpu.memory_space<vmem>>
    %dma_start3A_427 = arith.constant 0 : i32
    %dma_start3A_428 = tpu.memref_slice %arg5[%add3A_421, %dma_start3A_427] : memref<16384x768xf32, #tpu.memory_space<hbm>> -> memref<32x768xf32, #tpu.memory_space<hbm>>
    %dma_start3A_429 = arith.constant 0 : i32
    %dma_start3A_430 = tpu.memref_slice %arg5[%add3A_421, %dma_start3A_429] : memref<16384x768xf32, #tpu.memory_space<hbm>> -> memref<32x768xf32, #tpu.memory_space<hbm>>
    %dma_start3A_431 = arith.constant 0 : i32
    %dma_start3A_432 = arith.constant 0 : i32
    %dma_start3A_433 = tpu.memref_slice %arg10[%dma_start3A_422, %dma_start3A_431, %dma_start3A_432] : memref<4x32x768xf32, #tpu.memory_space<vmem>> -> memref<1x32x768xf32, #tpu.memory_space<vmem>>
    %dma_start3A_434 = tpu.memref_squeeze %dma_start3A_433 : memref<1x32x768xf32, #tpu.memory_space<vmem>> -> memref<32x768xf32, #tpu.memory_space<vmem>>
    tpu.enqueue_dma source(%dma_start3A_434 : memref<32x768xf32, #tpu.memory_space<vmem>>) target(%dma_start3A_430 : memref<32x768xf32, #tpu.memory_space<hbm>>) target_semaphore(%arg16 : memref<!tpu.dma_semaphore, #tpu.memory_space<semaphore_mem>>)
    %dma_wait3A_435 = arith.constant 1 : i32
    %dma_wait3A_436 = arith.constant 0 : i32
    %dma_wait3A_437 = arith.constant 0 : i32
    %dma_wait3A_438 = tpu.memref_slice %arg10[%dma_wait3A_435, %dma_wait3A_436, %dma_wait3A_437] : memref<4x32x768xf32, #tpu.memory_space<vmem>> -> memref<1x32x768xf32, #tpu.memory_space<vmem>>
    %dma_wait3A_439 = tpu.memref_squeeze %dma_wait3A_438 : memref<1x32x768xf32, #tpu.memory_space<vmem>> -> memref<32x768xf32, #tpu.memory_space<vmem>>
    %dma_wait3A_440 = arith.constant 0 : i32
    %dma_wait3A_441 = tpu.memref_slice %arg5[%mul3A_4, %dma_wait3A_440] : memref<16384x768xf32, #tpu.memory_space<hbm>> -> memref<32x768xf32, #tpu.memory_space<hbm>>
    %dma_wait3A_442 = arith.constant 0 : i32
    %dma_wait3A_443 = tpu.memref_slice %arg5[%mul3A_4, %dma_wait3A_442] : memref<16384x768xf32, #tpu.memory_space<hbm>> -> memref<32x768xf32, #tpu.memory_space<hbm>>
    %dma_wait3A_444 = arith.constant 0 : i32
    %dma_wait3A_445 = arith.constant 0 : i32
    %dma_wait3A_446 = tpu.memref_slice %arg10[%dma_wait3A_435, %dma_wait3A_444, %dma_wait3A_445] : memref<4x32x768xf32, #tpu.memory_space<vmem>> -> memref<1x32x768xf32, #tpu.memory_space<vmem>>
    %dma_wait3A_447 = tpu.memref_squeeze %dma_wait3A_446 : memref<1x32x768xf32, #tpu.memory_space<vmem>> -> memref<32x768xf32, #tpu.memory_space<vmem>>
    tpu.wait_dma2 semaphore(%arg16 : memref<!tpu.dma_semaphore, #tpu.memory_space<semaphore_mem>>) src(%dma_wait3A_447 : memref<32x768xf32, #tpu.memory_space<vmem>>) dst(%dma_wait3A_443 : memref<32x768xf32, #tpu.memory_space<hbm>>)
    %dma_start3A_448 = arith.constant 9 : i32
    %dma_start3A_449 = arith.constant 1 : i32
    %dma_start3A_450 = arith.constant 0 : i32
    %dma_start3A_451 = arith.constant 0 : i32
    %dma_start3A_452 = tpu.memref_slice %arg10[%dma_start3A_449, %dma_start3A_450, %dma_start3A_451] : memref<4x32x768xf32, #tpu.memory_space<vmem>> -> memref<1x32x768xf32, #tpu.memory_space<vmem>>
    %dma_start3A_453 = tpu.memref_squeeze %dma_start3A_452 : memref<1x32x768xf32, #tpu.memory_space<vmem>> -> memref<32x768xf32, #tpu.memory_space<vmem>>
    %dma_start3A_454 = arith.constant 0 : i32
    %dma_start3A_455 = tpu.memref_slice %arg9[%dma_start3A_448, %dma_start3A_454] : memref<16x32xi32, #tpu.memory_space<vmem>> -> memref<1x32xi32, #tpu.memory_space<vmem>>
    %dma_start3A_456 = tpu.memref_squeeze %dma_start3A_455 : memref<1x32xi32, #tpu.memory_space<vmem>> -> memref<32xi32, #tpu.memory_space<vmem>>
    %dma_start3A_457 = arith.constant 0 : i32
    %dma_start3A_458 = arith.constant 0 : i32
    %dma_start3A_459 = tpu.memref_slice %arg2[%dma_start3A_457, %dma_start3A_458] : memref<65536x768xf32, #tpu.memory_space<hbm>> -> memref<65536x768xf32, #tpu.memory_space<hbm>>
    tpu.enqueue_indirect_dma source(%dma_start3A_459 : memref<65536x768xf32, #tpu.memory_space<hbm>>) target(%dma_start3A_453 : memref<32x768xf32, #tpu.memory_space<vmem>>) offsets(%dma_start3A_456 : memref<32xi32, #tpu.memory_space<vmem>>) semaphore(%arg12 : memref<!tpu.dma_semaphore, #tpu.memory_space<semaphore_mem>>)
    %dma_wait3A_460 = arith.constant 0 : i32
    %dma_wait3A_461 = arith.constant 2 : i32
    %dma_wait3A_462 = arith.constant 0 : i32
    %dma_wait3A_463 = arith.constant 0 : i32
    %dma_wait3A_464 = tpu.memref_slice %arg10[%dma_wait3A_461, %dma_wait3A_462, %dma_wait3A_463] : memref<4x32x768xf32, #tpu.memory_space<vmem>> -> memref<1x32x768xf32, #tpu.memory_space<vmem>>
    %dma_wait3A_465 = tpu.memref_squeeze %dma_wait3A_464 : memref<1x32x768xf32, #tpu.memory_space<vmem>> -> memref<32x768xf32, #tpu.memory_space<vmem>>
    %dma_wait3A_466 = arith.constant 0 : i32
    %dma_wait3A_467 = tpu.memref_slice %arg9[%dma_wait3A_460, %dma_wait3A_466] : memref<16x32xi32, #tpu.memory_space<vmem>> -> memref<1x32xi32, #tpu.memory_space<vmem>>
    %dma_wait3A_468 = tpu.memref_squeeze %dma_wait3A_467 : memref<1x32xi32, #tpu.memory_space<vmem>> -> memref<32xi32, #tpu.memory_space<vmem>>
    %dma_wait3A_469 = arith.constant 0 : i32
    %dma_wait3A_470 = arith.constant 0 : i32
    %dma_wait3A_471 = tpu.memref_slice %arg2[%dma_wait3A_469, %dma_wait3A_470] : memref<65536x768xf32, #tpu.memory_space<hbm>> -> memref<65536x768xf32, #tpu.memory_space<hbm>>
    tpu.wait_indirect_dma semaphore(%arg13 : memref<!tpu.dma_semaphore, #tpu.memory_space<semaphore_mem>>) src(%dma_wait3A_471 : memref<65536x768xf32, #tpu.memory_space<hbm>>) dst(%dma_wait3A_465 : memref<32x768xf32, #tpu.memory_space<vmem>>)
    %add3A_472 = arith.constant 192 : i32
    %add3A_473 = arith.addi %mul3A_4, %add3A_472 : i32
    %dma_start3A_474 = arith.constant 2 : i32
    %dma_start3A_475 = arith.constant 0 : i32
    %dma_start3A_476 = arith.constant 0 : i32
    %dma_start3A_477 = tpu.memref_slice %arg10[%dma_start3A_474, %dma_start3A_475, %dma_start3A_476] : memref<4x32x768xf32, #tpu.memory_space<vmem>> -> memref<1x32x768xf32, #tpu.memory_space<vmem>>
    %dma_start3A_478 = tpu.memref_squeeze %dma_start3A_477 : memref<1x32x768xf32, #tpu.memory_space<vmem>> -> memref<32x768xf32, #tpu.memory_space<vmem>>
    %dma_start3A_479 = arith.constant 0 : i32
    %dma_start3A_480 = tpu.memref_slice %arg5[%add3A_473, %dma_start3A_479] : memref<16384x768xf32, #tpu.memory_space<hbm>> -> memref<32x768xf32, #tpu.memory_space<hbm>>
    %dma_start3A_481 = arith.constant 0 : i32
    %dma_start3A_482 = tpu.memref_slice %arg5[%add3A_473, %dma_start3A_481] : memref<16384x768xf32, #tpu.memory_space<hbm>> -> memref<32x768xf32, #tpu.memory_space<hbm>>
    %dma_start3A_483 = arith.constant 0 : i32
    %dma_start3A_484 = arith.constant 0 : i32
    %dma_start3A_485 = tpu.memref_slice %arg10[%dma_start3A_474, %dma_start3A_483, %dma_start3A_484] : memref<4x32x768xf32, #tpu.memory_space<vmem>> -> memref<1x32x768xf32, #tpu.memory_space<vmem>>
    %dma_start3A_486 = tpu.memref_squeeze %dma_start3A_485 : memref<1x32x768xf32, #tpu.memory_space<vmem>> -> memref<32x768xf32, #tpu.memory_space<vmem>>
    tpu.enqueue_dma source(%dma_start3A_486 : memref<32x768xf32, #tpu.memory_space<vmem>>) target(%dma_start3A_482 : memref<32x768xf32, #tpu.memory_space<hbm>>) target_semaphore(%arg17 : memref<!tpu.dma_semaphore, #tpu.memory_space<semaphore_mem>>)
    %dma_wait3A_487 = arith.constant 2 : i32
    %dma_wait3A_488 = arith.constant 0 : i32
    %dma_wait3A_489 = arith.constant 0 : i32
    %dma_wait3A_490 = tpu.memref_slice %arg10[%dma_wait3A_487, %dma_wait3A_488, %dma_wait3A_489] : memref<4x32x768xf32, #tpu.memory_space<vmem>> -> memref<1x32x768xf32, #tpu.memory_space<vmem>>
    %dma_wait3A_491 = tpu.memref_squeeze %dma_wait3A_490 : memref<1x32x768xf32, #tpu.memory_space<vmem>> -> memref<32x768xf32, #tpu.memory_space<vmem>>
    %dma_wait3A_492 = arith.constant 0 : i32
    %dma_wait3A_493 = tpu.memref_slice %arg5[%mul3A_4, %dma_wait3A_492] : memref<16384x768xf32, #tpu.memory_space<hbm>> -> memref<32x768xf32, #tpu.memory_space<hbm>>
    %dma_wait3A_494 = arith.constant 0 : i32
    %dma_wait3A_495 = tpu.memref_slice %arg5[%mul3A_4, %dma_wait3A_494] : memref<16384x768xf32, #tpu.memory_space<hbm>> -> memref<32x768xf32, #tpu.memory_space<hbm>>
    %dma_wait3A_496 = arith.constant 0 : i32
    %dma_wait3A_497 = arith.constant 0 : i32
    %dma_wait3A_498 = tpu.memref_slice %arg10[%dma_wait3A_487, %dma_wait3A_496, %dma_wait3A_497] : memref<4x32x768xf32, #tpu.memory_space<vmem>> -> memref<1x32x768xf32, #tpu.memory_space<vmem>>
    %dma_wait3A_499 = tpu.memref_squeeze %dma_wait3A_498 : memref<1x32x768xf32, #tpu.memory_space<vmem>> -> memref<32x768xf32, #tpu.memory_space<vmem>>
    tpu.wait_dma2 semaphore(%arg17 : memref<!tpu.dma_semaphore, #tpu.memory_space<semaphore_mem>>) src(%dma_wait3A_499 : memref<32x768xf32, #tpu.memory_space<vmem>>) dst(%dma_wait3A_495 : memref<32x768xf32, #tpu.memory_space<hbm>>)
    %dma_start3A_500 = arith.constant 10 : i32
    %dma_start3A_501 = arith.constant 2 : i32
    %dma_start3A_502 = arith.constant 0 : i32
    %dma_start3A_503 = arith.constant 0 : i32
    %dma_start3A_504 = tpu.memref_slice %arg10[%dma_start3A_501, %dma_start3A_502, %dma_start3A_503] : memref<4x32x768xf32, #tpu.memory_space<vmem>> -> memref<1x32x768xf32, #tpu.memory_space<vmem>>
    %dma_start3A_505 = tpu.memref_squeeze %dma_start3A_504 : memref<1x32x768xf32, #tpu.memory_space<vmem>> -> memref<32x768xf32, #tpu.memory_space<vmem>>
    %dma_start3A_506 = arith.constant 0 : i32
    %dma_start3A_507 = tpu.memref_slice %arg9[%dma_start3A_500, %dma_start3A_506] : memref<16x32xi32, #tpu.memory_space<vmem>> -> memref<1x32xi32, #tpu.memory_space<vmem>>
    %dma_start3A_508 = tpu.memref_squeeze %dma_start3A_507 : memref<1x32xi32, #tpu.memory_space<vmem>> -> memref<32xi32, #tpu.memory_space<vmem>>
    %dma_start3A_509 = arith.constant 0 : i32
    %dma_start3A_510 = arith.constant 0 : i32
    %dma_start3A_511 = tpu.memref_slice %arg2[%dma_start3A_509, %dma_start3A_510] : memref<65536x768xf32, #tpu.memory_space<hbm>> -> memref<65536x768xf32, #tpu.memory_space<hbm>>
    tpu.enqueue_indirect_dma source(%dma_start3A_511 : memref<65536x768xf32, #tpu.memory_space<hbm>>) target(%dma_start3A_505 : memref<32x768xf32, #tpu.memory_space<vmem>>) offsets(%dma_start3A_508 : memref<32xi32, #tpu.memory_space<vmem>>) semaphore(%arg13 : memref<!tpu.dma_semaphore, #tpu.memory_space<semaphore_mem>>)
    %dma_wait3A_512 = arith.constant 0 : i32
    %dma_wait3A_513 = arith.constant 3 : i32
    %dma_wait3A_514 = arith.constant 0 : i32
    %dma_wait3A_515 = arith.constant 0 : i32
    %dma_wait3A_516 = tpu.memref_slice %arg10[%dma_wait3A_513, %dma_wait3A_514, %dma_wait3A_515] : memref<4x32x768xf32, #tpu.memory_space<vmem>> -> memref<1x32x768xf32, #tpu.memory_space<vmem>>
    %dma_wait3A_517 = tpu.memref_squeeze %dma_wait3A_516 : memref<1x32x768xf32, #tpu.memory_space<vmem>> -> memref<32x768xf32, #tpu.memory_space<vmem>>
    %dma_wait3A_518 = arith.constant 0 : i32
    %dma_wait3A_519 = tpu.memref_slice %arg9[%dma_wait3A_512, %dma_wait3A_518] : memref<16x32xi32, #tpu.memory_space<vmem>> -> memref<1x32xi32, #tpu.memory_space<vmem>>
    %dma_wait3A_520 = tpu.memref_squeeze %dma_wait3A_519 : memref<1x32xi32, #tpu.memory_space<vmem>> -> memref<32xi32, #tpu.memory_space<vmem>>
    %dma_wait3A_521 = arith.constant 0 : i32
    %dma_wait3A_522 = arith.constant 0 : i32
    %dma_wait3A_523 = tpu.memref_slice %arg2[%dma_wait3A_521, %dma_wait3A_522] : memref<65536x768xf32, #tpu.memory_space<hbm>> -> memref<65536x768xf32, #tpu.memory_space<hbm>>
    tpu.wait_indirect_dma semaphore(%arg14 : memref<!tpu.dma_semaphore, #tpu.memory_space<semaphore_mem>>) src(%dma_wait3A_523 : memref<65536x768xf32, #tpu.memory_space<hbm>>) dst(%dma_wait3A_517 : memref<32x768xf32, #tpu.memory_space<vmem>>)
    %add3A_524 = arith.constant 224 : i32
    %add3A_525 = arith.addi %mul3A_4, %add3A_524 : i32
    %dma_start3A_526 = arith.constant 3 : i32
    %dma_start3A_527 = arith.constant 0 : i32
    %dma_start3A_528 = arith.constant 0 : i32
    %dma_start3A_529 = tpu.memref_slice %arg10[%dma_start3A_526, %dma_start3A_527, %dma_start3A_528] : memref<4x32x768xf32, #tpu.memory_space<vmem>> -> memref<1x32x768xf32, #tpu.memory_space<vmem>>
    %dma_start3A_530 = tpu.memref_squeeze %dma_start3A_529 : memref<1x32x768xf32, #tpu.memory_space<vmem>> -> memref<32x768xf32, #tpu.memory_space<vmem>>
    %dma_start3A_531 = arith.constant 0 : i32
    %dma_start3A_532 = tpu.memref_slice %arg5[%add3A_525, %dma_start3A_531] : memref<16384x768xf32, #tpu.memory_space<hbm>> -> memref<32x768xf32, #tpu.memory_space<hbm>>
    %dma_start3A_533 = arith.constant 0 : i32
    %dma_start3A_534 = tpu.memref_slice %arg5[%add3A_525, %dma_start3A_533] : memref<16384x768xf32, #tpu.memory_space<hbm>> -> memref<32x768xf32, #tpu.memory_space<hbm>>
    %dma_start3A_535 = arith.constant 0 : i32
    %dma_start3A_536 = arith.constant 0 : i32
    %dma_start3A_537 = tpu.memref_slice %arg10[%dma_start3A_526, %dma_start3A_535, %dma_start3A_536] : memref<4x32x768xf32, #tpu.memory_space<vmem>> -> memref<1x32x768xf32, #tpu.memory_space<vmem>>
    %dma_start3A_538 = tpu.memref_squeeze %dma_start3A_537 : memref<1x32x768xf32, #tpu.memory_space<vmem>> -> memref<32x768xf32, #tpu.memory_space<vmem>>
    tpu.enqueue_dma source(%dma_start3A_538 : memref<32x768xf32, #tpu.memory_space<vmem>>) target(%dma_start3A_534 : memref<32x768xf32, #tpu.memory_space<hbm>>) target_semaphore(%arg18 : memref<!tpu.dma_semaphore, #tpu.memory_space<semaphore_mem>>)
    %dma_wait3A_539 = arith.constant 3 : i32
    %dma_wait3A_540 = arith.constant 0 : i32
    %dma_wait3A_541 = arith.constant 0 : i32
    %dma_wait3A_542 = tpu.memref_slice %arg10[%dma_wait3A_539, %dma_wait3A_540, %dma_wait3A_541] : memref<4x32x768xf32, #tpu.memory_space<vmem>> -> memref<1x32x768xf32, #tpu.memory_space<vmem>>
    %dma_wait3A_543 = tpu.memref_squeeze %dma_wait3A_542 : memref<1x32x768xf32, #tpu.memory_space<vmem>> -> memref<32x768xf32, #tpu.memory_space<vmem>>
    %dma_wait3A_544 = arith.constant 0 : i32
    %dma_wait3A_545 = tpu.memref_slice %arg5[%mul3A_4, %dma_wait3A_544] : memref<16384x768xf32, #tpu.memory_space<hbm>> -> memref<32x768xf32, #tpu.memory_space<hbm>>
    %dma_wait3A_546 = arith.constant 0 : i32
    %dma_wait3A_547 = tpu.memref_slice %arg5[%mul3A_4, %dma_wait3A_546] : memref<16384x768xf32, #tpu.memory_space<hbm>> -> memref<32x768xf32, #tpu.memory_space<hbm>>
    %dma_wait3A_548 = arith.constant 0 : i32
    %dma_wait3A_549 = arith.constant 0 : i32
    %dma_wait3A_550 = tpu.memref_slice %arg10[%dma_wait3A_539, %dma_wait3A_548, %dma_wait3A_549] : memref<4x32x768xf32, #tpu.memory_space<vmem>> -> memref<1x32x768xf32, #tpu.memory_space<vmem>>
    %dma_wait3A_551 = tpu.memref_squeeze %dma_wait3A_550 : memref<1x32x768xf32, #tpu.memory_space<vmem>> -> memref<32x768xf32, #tpu.memory_space<vmem>>
    tpu.wait_dma2 semaphore(%arg18 : memref<!tpu.dma_semaphore, #tpu.memory_space<semaphore_mem>>) src(%dma_wait3A_551 : memref<32x768xf32, #tpu.memory_space<vmem>>) dst(%dma_wait3A_547 : memref<32x768xf32, #tpu.memory_space<hbm>>)
    %dma_start3A_552 = arith.constant 11 : i32
    %dma_start3A_553 = arith.constant 3 : i32
    %dma_start3A_554 = arith.constant 0 : i32
    %dma_start3A_555 = arith.constant 0 : i32
    %dma_start3A_556 = tpu.memref_slice %arg10[%dma_start3A_553, %dma_start3A_554, %dma_start3A_555] : memref<4x32x768xf32, #tpu.memory_space<vmem>> -> memref<1x32x768xf32, #tpu.memory_space<vmem>>
    %dma_start3A_557 = tpu.memref_squeeze %dma_start3A_556 : memref<1x32x768xf32, #tpu.memory_space<vmem>> -> memref<32x768xf32, #tpu.memory_space<vmem>>
    %dma_start3A_558 = arith.constant 0 : i32
    %dma_start3A_559 = tpu.memref_slice %arg9[%dma_start3A_552, %dma_start3A_558] : memref<16x32xi32, #tpu.memory_space<vmem>> -> memref<1x32xi32, #tpu.memory_space<vmem>>
    %dma_start3A_560 = tpu.memref_squeeze %dma_start3A_559 : memref<1x32xi32, #tpu.memory_space<vmem>> -> memref<32xi32, #tpu.memory_space<vmem>>
    %dma_start3A_561 = arith.constant 0 : i32
    %dma_start3A_562 = arith.constant 0 : i32
    %dma_start3A_563 = tpu.memref_slice %arg2[%dma_start3A_561, %dma_start3A_562] : memref<65536x768xf32, #tpu.memory_space<hbm>> -> memref<65536x768xf32, #tpu.memory_space<hbm>>
    tpu.enqueue_indirect_dma source(%dma_start3A_563 : memref<65536x768xf32, #tpu.memory_space<hbm>>) target(%dma_start3A_557 : memref<32x768xf32, #tpu.memory_space<vmem>>) offsets(%dma_start3A_560 : memref<32xi32, #tpu.memory_space<vmem>>) semaphore(%arg14 : memref<!tpu.dma_semaphore, #tpu.memory_space<semaphore_mem>>)
    %dma_wait3A_564 = arith.constant 0 : i32
    %dma_wait3A_565 = arith.constant 0 : i32
    %dma_wait3A_566 = arith.constant 0 : i32
    %dma_wait3A_567 = arith.constant 0 : i32
    %dma_wait3A_568 = tpu.memref_slice %arg10[%dma_wait3A_565, %dma_wait3A_566, %dma_wait3A_567] : memref<4x32x768xf32, #tpu.memory_space<vmem>> -> memref<1x32x768xf32, #tpu.memory_space<vmem>>
    %dma_wait3A_569 = tpu.memref_squeeze %dma_wait3A_568 : memref<1x32x768xf32, #tpu.memory_space<vmem>> -> memref<32x768xf32, #tpu.memory_space<vmem>>
    %dma_wait3A_570 = arith.constant 0 : i32
    %dma_wait3A_571 = tpu.memref_slice %arg9[%dma_wait3A_564, %dma_wait3A_570] : memref<16x32xi32, #tpu.memory_space<vmem>> -> memref<1x32xi32, #tpu.memory_space<vmem>>
    %dma_wait3A_572 = tpu.memref_squeeze %dma_wait3A_571 : memref<1x32xi32, #tpu.memory_space<vmem>> -> memref<32xi32, #tpu.memory_space<vmem>>
    %dma_wait3A_573 = arith.constant 0 : i32
    %dma_wait3A_574 = arith.constant 0 : i32
    %dma_wait3A_575 = tpu.memref_slice %arg2[%dma_wait3A_573, %dma_wait3A_574] : memref<65536x768xf32, #tpu.memory_space<hbm>> -> memref<65536x768xf32, #tpu.memory_space<hbm>>
    tpu.wait_indirect_dma semaphore(%arg11 : memref<!tpu.dma_semaphore, #tpu.memory_space<semaphore_mem>>) src(%dma_wait3A_575 : memref<65536x768xf32, #tpu.memory_space<hbm>>) dst(%dma_wait3A_569 : memref<32x768xf32, #tpu.memory_space<vmem>>)
    %add3A_576 = arith.constant 256 : i32
    %add3A_577 = arith.addi %mul3A_4, %add3A_576 : i32
    %dma_start3A_578 = arith.constant 0 : i32
    %dma_start3A_579 = arith.constant 0 : i32
    %dma_start3A_580 = arith.constant 0 : i32
    %dma_start3A_581 = tpu.memref_slice %arg10[%dma_start3A_578, %dma_start3A_579, %dma_start3A_580] : memref<4x32x768xf32, #tpu.memory_space<vmem>> -> memref<1x32x768xf32, #tpu.memory_space<vmem>>
    %dma_start3A_582 = tpu.memref_squeeze %dma_start3A_581 : memref<1x32x768xf32, #tpu.memory_space<vmem>> -> memref<32x768xf32, #tpu.memory_space<vmem>>
    %dma_start3A_583 = arith.constant 0 : i32
    %dma_start3A_584 = tpu.memref_slice %arg5[%add3A_577, %dma_start3A_583] : memref<16384x768xf32, #tpu.memory_space<hbm>> -> memref<32x768xf32, #tpu.memory_space<hbm>>
    %dma_start3A_585 = arith.constant 0 : i32
    %dma_start3A_586 = tpu.memref_slice %arg5[%add3A_577, %dma_start3A_585] : memref<16384x768xf32, #tpu.memory_space<hbm>> -> memref<32x768xf32, #tpu.memory_space<hbm>>
    %dma_start3A_587 = arith.constant 0 : i32
    %dma_start3A_588 = arith.constant 0 : i32
    %dma_start3A_589 = tpu.memref_slice %arg10[%dma_start3A_578, %dma_start3A_587, %dma_start3A_588] : memref<4x32x768xf32, #tpu.memory_space<vmem>> -> memref<1x32x768xf32, #tpu.memory_space<vmem>>
    %dma_start3A_590 = tpu.memref_squeeze %dma_start3A_589 : memref<1x32x768xf32, #tpu.memory_space<vmem>> -> memref<32x768xf32, #tpu.memory_space<vmem>>
    tpu.enqueue_dma source(%dma_start3A_590 : memref<32x768xf32, #tpu.memory_space<vmem>>) target(%dma_start3A_586 : memref<32x768xf32, #tpu.memory_space<hbm>>) target_semaphore(%arg15 : memref<!tpu.dma_semaphore, #tpu.memory_space<semaphore_mem>>)
    %dma_wait3A_591 = arith.constant 0 : i32
    %dma_wait3A_592 = arith.constant 0 : i32
    %dma_wait3A_593 = arith.constant 0 : i32
    %dma_wait3A_594 = tpu.memref_slice %arg10[%dma_wait3A_591, %dma_wait3A_592, %dma_wait3A_593] : memref<4x32x768xf32, #tpu.memory_space<vmem>> -> memref<1x32x768xf32, #tpu.memory_space<vmem>>
    %dma_wait3A_595 = tpu.memref_squeeze %dma_wait3A_594 : memref<1x32x768xf32, #tpu.memory_space<vmem>> -> memref<32x768xf32, #tpu.memory_space<vmem>>
    %dma_wait3A_596 = arith.constant 0 : i32
    %dma_wait3A_597 = tpu.memref_slice %arg5[%mul3A_4, %dma_wait3A_596] : memref<16384x768xf32, #tpu.memory_space<hbm>> -> memref<32x768xf32, #tpu.memory_space<hbm>>
    %dma_wait3A_598 = arith.constant 0 : i32
    %dma_wait3A_599 = tpu.memref_slice %arg5[%mul3A_4, %dma_wait3A_598] : memref<16384x768xf32, #tpu.memory_space<hbm>> -> memref<32x768xf32, #tpu.memory_space<hbm>>
    %dma_wait3A_600 = arith.constant 0 : i32
    %dma_wait3A_601 = arith.constant 0 : i32
    %dma_wait3A_602 = tpu.memref_slice %arg10[%dma_wait3A_591, %dma_wait3A_600, %dma_wait3A_601] : memref<4x32x768xf32, #tpu.memory_space<vmem>> -> memref<1x32x768xf32, #tpu.memory_space<vmem>>
    %dma_wait3A_603 = tpu.memref_squeeze %dma_wait3A_602 : memref<1x32x768xf32, #tpu.memory_space<vmem>> -> memref<32x768xf32, #tpu.memory_space<vmem>>
    tpu.wait_dma2 semaphore(%arg15 : memref<!tpu.dma_semaphore, #tpu.memory_space<semaphore_mem>>) src(%dma_wait3A_603 : memref<32x768xf32, #tpu.memory_space<vmem>>) dst(%dma_wait3A_599 : memref<32x768xf32, #tpu.memory_space<hbm>>)
    %dma_start3A_604 = arith.constant 12 : i32
    %dma_start3A_605 = arith.constant 0 : i32
    %dma_start3A_606 = arith.constant 0 : i32
    %dma_start3A_607 = arith.constant 0 : i32
    %dma_start3A_608 = tpu.memref_slice %arg10[%dma_start3A_605, %dma_start3A_606, %dma_start3A_607] : memref<4x32x768xf32, #tpu.memory_space<vmem>> -> memref<1x32x768xf32, #tpu.memory_space<vmem>>
    %dma_start3A_609 = tpu.memref_squeeze %dma_start3A_608 : memref<1x32x768xf32, #tpu.memory_space<vmem>> -> memref<32x768xf32, #tpu.memory_space<vmem>>
    %dma_start3A_610 = arith.constant 0 : i32
    %dma_start3A_611 = tpu.memref_slice %arg9[%dma_start3A_604, %dma_start3A_610] : memref<16x32xi32, #tpu.memory_space<vmem>> -> memref<1x32xi32, #tpu.memory_space<vmem>>
    %dma_start3A_612 = tpu.memref_squeeze %dma_start3A_611 : memref<1x32xi32, #tpu.memory_space<vmem>> -> memref<32xi32, #tpu.memory_space<vmem>>
    %dma_start3A_613 = arith.constant 0 : i32
    %dma_start3A_614 = arith.constant 0 : i32
    %dma_start3A_615 = tpu.memref_slice %arg2[%dma_start3A_613, %dma_start3A_614] : memref<65536x768xf32, #tpu.memory_space<hbm>> -> memref<65536x768xf32, #tpu.memory_space<hbm>>
    tpu.enqueue_indirect_dma source(%dma_start3A_615 : memref<65536x768xf32, #tpu.memory_space<hbm>>) target(%dma_start3A_609 : memref<32x768xf32, #tpu.memory_space<vmem>>) offsets(%dma_start3A_612 : memref<32xi32, #tpu.memory_space<vmem>>) semaphore(%arg11 : memref<!tpu.dma_semaphore, #tpu.memory_space<semaphore_mem>>)
    %dma_wait3A_616 = arith.constant 0 : i32
    %dma_wait3A_617 = arith.constant 1 : i32
    %dma_wait3A_618 = arith.constant 0 : i32
    %dma_wait3A_619 = arith.constant 0 : i32
    %dma_wait3A_620 = tpu.memref_slice %arg10[%dma_wait3A_617, %dma_wait3A_618, %dma_wait3A_619] : memref<4x32x768xf32, #tpu.memory_space<vmem>> -> memref<1x32x768xf32, #tpu.memory_space<vmem>>
    %dma_wait3A_621 = tpu.memref_squeeze %dma_wait3A_620 : memref<1x32x768xf32, #tpu.memory_space<vmem>> -> memref<32x768xf32, #tpu.memory_space<vmem>>
    %dma_wait3A_622 = arith.constant 0 : i32
    %dma_wait3A_623 = tpu.memref_slice %arg9[%dma_wait3A_616, %dma_wait3A_622] : memref<16x32xi32, #tpu.memory_space<vmem>> -> memref<1x32xi32, #tpu.memory_space<vmem>>
    %dma_wait3A_624 = tpu.memref_squeeze %dma_wait3A_623 : memref<1x32xi32, #tpu.memory_space<vmem>> -> memref<32xi32, #tpu.memory_space<vmem>>
    %dma_wait3A_625 = arith.constant 0 : i32
    %dma_wait3A_626 = arith.constant 0 : i32
    %dma_wait3A_627 = tpu.memref_slice %arg2[%dma_wait3A_625, %dma_wait3A_626] : memref<65536x768xf32, #tpu.memory_space<hbm>> -> memref<65536x768xf32, #tpu.memory_space<hbm>>
    tpu.wait_indirect_dma semaphore(%arg12 : memref<!tpu.dma_semaphore, #tpu.memory_space<semaphore_mem>>) src(%dma_wait3A_627 : memref<65536x768xf32, #tpu.memory_space<hbm>>) dst(%dma_wait3A_621 : memref<32x768xf32, #tpu.memory_space<vmem>>)
    %add3A_628 = arith.constant 288 : i32
    %add3A_629 = arith.addi %mul3A_4, %add3A_628 : i32
    %dma_start3A_630 = arith.constant 1 : i32
    %dma_start3A_631 = arith.constant 0 : i32
    %dma_start3A_632 = arith.constant 0 : i32
    %dma_start3A_633 = tpu.memref_slice %arg10[%dma_start3A_630, %dma_start3A_631, %dma_start3A_632] : memref<4x32x768xf32, #tpu.memory_space<vmem>> -> memref<1x32x768xf32, #tpu.memory_space<vmem>>
    %dma_start3A_634 = tpu.memref_squeeze %dma_start3A_633 : memref<1x32x768xf32, #tpu.memory_space<vmem>> -> memref<32x768xf32, #tpu.memory_space<vmem>>
    %dma_start3A_635 = arith.constant 0 : i32
    %dma_start3A_636 = tpu.memref_slice %arg5[%add3A_629, %dma_start3A_635] : memref<16384x768xf32, #tpu.memory_space<hbm>> -> memref<32x768xf32, #tpu.memory_space<hbm>>
    %dma_start3A_637 = arith.constant 0 : i32
    %dma_start3A_638 = tpu.memref_slice %arg5[%add3A_629, %dma_start3A_637] : memref<16384x768xf32, #tpu.memory_space<hbm>> -> memref<32x768xf32, #tpu.memory_space<hbm>>
    %dma_start3A_639 = arith.constant 0 : i32
    %dma_start3A_640 = arith.constant 0 : i32
    %dma_start3A_641 = tpu.memref_slice %arg10[%dma_start3A_630, %dma_start3A_639, %dma_start3A_640] : memref<4x32x768xf32, #tpu.memory_space<vmem>> -> memref<1x32x768xf32, #tpu.memory_space<vmem>>
    %dma_start3A_642 = tpu.memref_squeeze %dma_start3A_641 : memref<1x32x768xf32, #tpu.memory_space<vmem>> -> memref<32x768xf32, #tpu.memory_space<vmem>>
    tpu.enqueue_dma source(%dma_start3A_642 : memref<32x768xf32, #tpu.memory_space<vmem>>) target(%dma_start3A_638 : memref<32x768xf32, #tpu.memory_space<hbm>>) target_semaphore(%arg16 : memref<!tpu.dma_semaphore, #tpu.memory_space<semaphore_mem>>)
    %dma_wait3A_643 = arith.constant 1 : i32
    %dma_wait3A_644 = arith.constant 0 : i32
    %dma_wait3A_645 = arith.constant 0 : i32
    %dma_wait3A_646 = tpu.memref_slice %arg10[%dma_wait3A_643, %dma_wait3A_644, %dma_wait3A_645] : memref<4x32x768xf32, #tpu.memory_space<vmem>> -> memref<1x32x768xf32, #tpu.memory_space<vmem>>
    %dma_wait3A_647 = tpu.memref_squeeze %dma_wait3A_646 : memref<1x32x768xf32, #tpu.memory_space<vmem>> -> memref<32x768xf32, #tpu.memory_space<vmem>>
    %dma_wait3A_648 = arith.constant 0 : i32
    %dma_wait3A_649 = tpu.memref_slice %arg5[%mul3A_4, %dma_wait3A_648] : memref<16384x768xf32, #tpu.memory_space<hbm>> -> memref<32x768xf32, #tpu.memory_space<hbm>>
    %dma_wait3A_650 = arith.constant 0 : i32
    %dma_wait3A_651 = tpu.memref_slice %arg5[%mul3A_4, %dma_wait3A_650] : memref<16384x768xf32, #tpu.memory_space<hbm>> -> memref<32x768xf32, #tpu.memory_space<hbm>>
    %dma_wait3A_652 = arith.constant 0 : i32
    %dma_wait3A_653 = arith.constant 0 : i32
    %dma_wait3A_654 = tpu.memref_slice %arg10[%dma_wait3A_643, %dma_wait3A_652, %dma_wait3A_653] : memref<4x32x768xf32, #tpu.memory_space<vmem>> -> memref<1x32x768xf32, #tpu.memory_space<vmem>>
    %dma_wait3A_655 = tpu.memref_squeeze %dma_wait3A_654 : memref<1x32x768xf32, #tpu.memory_space<vmem>> -> memref<32x768xf32, #tpu.memory_space<vmem>>
    tpu.wait_dma2 semaphore(%arg16 : memref<!tpu.dma_semaphore, #tpu.memory_space<semaphore_mem>>) src(%dma_wait3A_655 : memref<32x768xf32, #tpu.memory_space<vmem>>) dst(%dma_wait3A_651 : memref<32x768xf32, #tpu.memory_space<hbm>>)
    %dma_start3A_656 = arith.constant 13 : i32
    %dma_start3A_657 = arith.constant 1 : i32
    %dma_start3A_658 = arith.constant 0 : i32
    %dma_start3A_659 = arith.constant 0 : i32
    %dma_start3A_660 = tpu.memref_slice %arg10[%dma_start3A_657, %dma_start3A_658, %dma_start3A_659] : memref<4x32x768xf32, #tpu.memory_space<vmem>> -> memref<1x32x768xf32, #tpu.memory_space<vmem>>
    %dma_start3A_661 = tpu.memref_squeeze %dma_start3A_660 : memref<1x32x768xf32, #tpu.memory_space<vmem>> -> memref<32x768xf32, #tpu.memory_space<vmem>>
    %dma_start3A_662 = arith.constant 0 : i32
    %dma_start3A_663 = tpu.memref_slice %arg9[%dma_start3A_656, %dma_start3A_662] : memref<16x32xi32, #tpu.memory_space<vmem>> -> memref<1x32xi32, #tpu.memory_space<vmem>>
    %dma_start3A_664 = tpu.memref_squeeze %dma_start3A_663 : memref<1x32xi32, #tpu.memory_space<vmem>> -> memref<32xi32, #tpu.memory_space<vmem>>
    %dma_start3A_665 = arith.constant 0 : i32
    %dma_start3A_666 = arith.constant 0 : i32
    %dma_start3A_667 = tpu.memref_slice %arg2[%dma_start3A_665, %dma_start3A_666] : memref<65536x768xf32, #tpu.memory_space<hbm>> -> memref<65536x768xf32, #tpu.memory_space<hbm>>
    tpu.enqueue_indirect_dma source(%dma_start3A_667 : memref<65536x768xf32, #tpu.memory_space<hbm>>) target(%dma_start3A_661 : memref<32x768xf32, #tpu.memory_space<vmem>>) offsets(%dma_start3A_664 : memref<32xi32, #tpu.memory_space<vmem>>) semaphore(%arg12 : memref<!tpu.dma_semaphore, #tpu.memory_space<semaphore_mem>>)
    %dma_wait3A_668 = arith.constant 0 : i32
    %dma_wait3A_669 = arith.constant 2 : i32
    %dma_wait3A_670 = arith.constant 0 : i32
    %dma_wait3A_671 = arith.constant 0 : i32
    %dma_wait3A_672 = tpu.memref_slice %arg10[%dma_wait3A_669, %dma_wait3A_670, %dma_wait3A_671] : memref<4x32x768xf32, #tpu.memory_space<vmem>> -> memref<1x32x768xf32, #tpu.memory_space<vmem>>
    %dma_wait3A_673 = tpu.memref_squeeze %dma_wait3A_672 : memref<1x32x768xf32, #tpu.memory_space<vmem>> -> memref<32x768xf32, #tpu.memory_space<vmem>>
    %dma_wait3A_674 = arith.constant 0 : i32
    %dma_wait3A_675 = tpu.memref_slice %arg9[%dma_wait3A_668, %dma_wait3A_674] : memref<16x32xi32, #tpu.memory_space<vmem>> -> memref<1x32xi32, #tpu.memory_space<vmem>>
    %dma_wait3A_676 = tpu.memref_squeeze %dma_wait3A_675 : memref<1x32xi32, #tpu.memory_space<vmem>> -> memref<32xi32, #tpu.memory_space<vmem>>
    %dma_wait3A_677 = arith.constant 0 : i32
    %dma_wait3A_678 = arith.constant 0 : i32
    %dma_wait3A_679 = tpu.memref_slice %arg2[%dma_wait3A_677, %dma_wait3A_678] : memref<65536x768xf32, #tpu.memory_space<hbm>> -> memref<65536x768xf32, #tpu.memory_space<hbm>>
    tpu.wait_indirect_dma semaphore(%arg13 : memref<!tpu.dma_semaphore, #tpu.memory_space<semaphore_mem>>) src(%dma_wait3A_679 : memref<65536x768xf32, #tpu.memory_space<hbm>>) dst(%dma_wait3A_673 : memref<32x768xf32, #tpu.memory_space<vmem>>)
    %add3A_680 = arith.constant 320 : i32
    %add3A_681 = arith.addi %mul3A_4, %add3A_680 : i32
    %dma_start3A_682 = arith.constant 2 : i32
    %dma_start3A_683 = arith.constant 0 : i32
    %dma_start3A_684 = arith.constant 0 : i32
    %dma_start3A_685 = tpu.memref_slice %arg10[%dma_start3A_682, %dma_start3A_683, %dma_start3A_684] : memref<4x32x768xf32, #tpu.memory_space<vmem>> -> memref<1x32x768xf32, #tpu.memory_space<vmem>>
    %dma_start3A_686 = tpu.memref_squeeze %dma_start3A_685 : memref<1x32x768xf32, #tpu.memory_space<vmem>> -> memref<32x768xf32, #tpu.memory_space<vmem>>
    %dma_start3A_687 = arith.constant 0 : i32
    %dma_start3A_688 = tpu.memref_slice %arg5[%add3A_681, %dma_start3A_687] : memref<16384x768xf32, #tpu.memory_space<hbm>> -> memref<32x768xf32, #tpu.memory_space<hbm>>
    %dma_start3A_689 = arith.constant 0 : i32
    %dma_start3A_690 = tpu.memref_slice %arg5[%add3A_681, %dma_start3A_689] : memref<16384x768xf32, #tpu.memory_space<hbm>> -> memref<32x768xf32, #tpu.memory_space<hbm>>
    %dma_start3A_691 = arith.constant 0 : i32
    %dma_start3A_692 = arith.constant 0 : i32
    %dma_start3A_693 = tpu.memref_slice %arg10[%dma_start3A_682, %dma_start3A_691, %dma_start3A_692] : memref<4x32x768xf32, #tpu.memory_space<vmem>> -> memref<1x32x768xf32, #tpu.memory_space<vmem>>
    %dma_start3A_694 = tpu.memref_squeeze %dma_start3A_693 : memref<1x32x768xf32, #tpu.memory_space<vmem>> -> memref<32x768xf32, #tpu.memory_space<vmem>>
    tpu.enqueue_dma source(%dma_start3A_694 : memref<32x768xf32, #tpu.memory_space<vmem>>) target(%dma_start3A_690 : memref<32x768xf32, #tpu.memory_space<hbm>>) target_semaphore(%arg17 : memref<!tpu.dma_semaphore, #tpu.memory_space<semaphore_mem>>)
    %dma_wait3A_695 = arith.constant 2 : i32
    %dma_wait3A_696 = arith.constant 0 : i32
    %dma_wait3A_697 = arith.constant 0 : i32
    %dma_wait3A_698 = tpu.memref_slice %arg10[%dma_wait3A_695, %dma_wait3A_696, %dma_wait3A_697] : memref<4x32x768xf32, #tpu.memory_space<vmem>> -> memref<1x32x768xf32, #tpu.memory_space<vmem>>
    %dma_wait3A_699 = tpu.memref_squeeze %dma_wait3A_698 : memref<1x32x768xf32, #tpu.memory_space<vmem>> -> memref<32x768xf32, #tpu.memory_space<vmem>>
    %dma_wait3A_700 = arith.constant 0 : i32
    %dma_wait3A_701 = tpu.memref_slice %arg5[%mul3A_4, %dma_wait3A_700] : memref<16384x768xf32, #tpu.memory_space<hbm>> -> memref<32x768xf32, #tpu.memory_space<hbm>>
    %dma_wait3A_702 = arith.constant 0 : i32
    %dma_wait3A_703 = tpu.memref_slice %arg5[%mul3A_4, %dma_wait3A_702] : memref<16384x768xf32, #tpu.memory_space<hbm>> -> memref<32x768xf32, #tpu.memory_space<hbm>>
    %dma_wait3A_704 = arith.constant 0 : i32
    %dma_wait3A_705 = arith.constant 0 : i32
    %dma_wait3A_706 = tpu.memref_slice %arg10[%dma_wait3A_695, %dma_wait3A_704, %dma_wait3A_705] : memref<4x32x768xf32, #tpu.memory_space<vmem>> -> memref<1x32x768xf32, #tpu.memory_space<vmem>>
    %dma_wait3A_707 = tpu.memref_squeeze %dma_wait3A_706 : memref<1x32x768xf32, #tpu.memory_space<vmem>> -> memref<32x768xf32, #tpu.memory_space<vmem>>
    tpu.wait_dma2 semaphore(%arg17 : memref<!tpu.dma_semaphore, #tpu.memory_space<semaphore_mem>>) src(%dma_wait3A_707 : memref<32x768xf32, #tpu.memory_space<vmem>>) dst(%dma_wait3A_703 : memref<32x768xf32, #tpu.memory_space<hbm>>)
    %dma_start3A_708 = arith.constant 14 : i32
    %dma_start3A_709 = arith.constant 2 : i32
    %dma_start3A_710 = arith.constant 0 : i32
    %dma_start3A_711 = arith.constant 0 : i32
    %dma_start3A_712 = tpu.memref_slice %arg10[%dma_start3A_709, %dma_start3A_710, %dma_start3A_711] : memref<4x32x768xf32, #tpu.memory_space<vmem>> -> memref<1x32x768xf32, #tpu.memory_space<vmem>>
    %dma_start3A_713 = tpu.memref_squeeze %dma_start3A_712 : memref<1x32x768xf32, #tpu.memory_space<vmem>> -> memref<32x768xf32, #tpu.memory_space<vmem>>
    %dma_start3A_714 = arith.constant 0 : i32
    %dma_start3A_715 = tpu.memref_slice %arg9[%dma_start3A_708, %dma_start3A_714] : memref<16x32xi32, #tpu.memory_space<vmem>> -> memref<1x32xi32, #tpu.memory_space<vmem>>
    %dma_start3A_716 = tpu.memref_squeeze %dma_start3A_715 : memref<1x32xi32, #tpu.memory_space<vmem>> -> memref<32xi32, #tpu.memory_space<vmem>>
    %dma_start3A_717 = arith.constant 0 : i32
    %dma_start3A_718 = arith.constant 0 : i32
    %dma_start3A_719 = tpu.memref_slice %arg2[%dma_start3A_717, %dma_start3A_718] : memref<65536x768xf32, #tpu.memory_space<hbm>> -> memref<65536x768xf32, #tpu.memory_space<hbm>>
    tpu.enqueue_indirect_dma source(%dma_start3A_719 : memref<65536x768xf32, #tpu.memory_space<hbm>>) target(%dma_start3A_713 : memref<32x768xf32, #tpu.memory_space<vmem>>) offsets(%dma_start3A_716 : memref<32xi32, #tpu.memory_space<vmem>>) semaphore(%arg13 : memref<!tpu.dma_semaphore, #tpu.memory_space<semaphore_mem>>)
    %dma_wait3A_720 = arith.constant 0 : i32
    %dma_wait3A_721 = arith.constant 3 : i32
    %dma_wait3A_722 = arith.constant 0 : i32
    %dma_wait3A_723 = arith.constant 0 : i32
    %dma_wait3A_724 = tpu.memref_slice %arg10[%dma_wait3A_721, %dma_wait3A_722, %dma_wait3A_723] : memref<4x32x768xf32, #tpu.memory_space<vmem>> -> memref<1x32x768xf32, #tpu.memory_space<vmem>>
    %dma_wait3A_725 = tpu.memref_squeeze %dma_wait3A_724 : memref<1x32x768xf32, #tpu.memory_space<vmem>> -> memref<32x768xf32, #tpu.memory_space<vmem>>
    %dma_wait3A_726 = arith.constant 0 : i32
    %dma_wait3A_727 = tpu.memref_slice %arg9[%dma_wait3A_720, %dma_wait3A_726] : memref<16x32xi32, #tpu.memory_space<vmem>> -> memref<1x32xi32, #tpu.memory_space<vmem>>
    %dma_wait3A_728 = tpu.memref_squeeze %dma_wait3A_727 : memref<1x32xi32, #tpu.memory_space<vmem>> -> memref<32xi32, #tpu.memory_space<vmem>>
    %dma_wait3A_729 = arith.constant 0 : i32
    %dma_wait3A_730 = arith.constant 0 : i32
    %dma_wait3A_731 = tpu.memref_slice %arg2[%dma_wait3A_729, %dma_wait3A_730] : memref<65536x768xf32, #tpu.memory_space<hbm>> -> memref<65536x768xf32, #tpu.memory_space<hbm>>
    tpu.wait_indirect_dma semaphore(%arg14 : memref<!tpu.dma_semaphore, #tpu.memory_space<semaphore_mem>>) src(%dma_wait3A_731 : memref<65536x768xf32, #tpu.memory_space<hbm>>) dst(%dma_wait3A_725 : memref<32x768xf32, #tpu.memory_space<vmem>>)
    %add3A_732 = arith.constant 352 : i32
    %add3A_733 = arith.addi %mul3A_4, %add3A_732 : i32
    %dma_start3A_734 = arith.constant 3 : i32
    %dma_start3A_735 = arith.constant 0 : i32
    %dma_start3A_736 = arith.constant 0 : i32
    %dma_start3A_737 = tpu.memref_slice %arg10[%dma_start3A_734, %dma_start3A_735, %dma_start3A_736] : memref<4x32x768xf32, #tpu.memory_space<vmem>> -> memref<1x32x768xf32, #tpu.memory_space<vmem>>
    %dma_start3A_738 = tpu.memref_squeeze %dma_start3A_737 : memref<1x32x768xf32, #tpu.memory_space<vmem>> -> memref<32x768xf32, #tpu.memory_space<vmem>>
    %dma_start3A_739 = arith.constant 0 : i32
    %dma_start3A_740 = tpu.memref_slice %arg5[%add3A_733, %dma_start3A_739] : memref<16384x768xf32, #tpu.memory_space<hbm>> -> memref<32x768xf32, #tpu.memory_space<hbm>>
    %dma_start3A_741 = arith.constant 0 : i32
    %dma_start3A_742 = tpu.memref_slice %arg5[%add3A_733, %dma_start3A_741] : memref<16384x768xf32, #tpu.memory_space<hbm>> -> memref<32x768xf32, #tpu.memory_space<hbm>>
    %dma_start3A_743 = arith.constant 0 : i32
    %dma_start3A_744 = arith.constant 0 : i32
    %dma_start3A_745 = tpu.memref_slice %arg10[%dma_start3A_734, %dma_start3A_743, %dma_start3A_744] : memref<4x32x768xf32, #tpu.memory_space<vmem>> -> memref<1x32x768xf32, #tpu.memory_space<vmem>>
    %dma_start3A_746 = tpu.memref_squeeze %dma_start3A_745 : memref<1x32x768xf32, #tpu.memory_space<vmem>> -> memref<32x768xf32, #tpu.memory_space<vmem>>
    tpu.enqueue_dma source(%dma_start3A_746 : memref<32x768xf32, #tpu.memory_space<vmem>>) target(%dma_start3A_742 : memref<32x768xf32, #tpu.memory_space<hbm>>) target_semaphore(%arg18 : memref<!tpu.dma_semaphore, #tpu.memory_space<semaphore_mem>>)
    %dma_wait3A_747 = arith.constant 3 : i32
    %dma_wait3A_748 = arith.constant 0 : i32
    %dma_wait3A_749 = arith.constant 0 : i32
    %dma_wait3A_750 = tpu.memref_slice %arg10[%dma_wait3A_747, %dma_wait3A_748, %dma_wait3A_749] : memref<4x32x768xf32, #tpu.memory_space<vmem>> -> memref<1x32x768xf32, #tpu.memory_space<vmem>>
    %dma_wait3A_751 = tpu.memref_squeeze %dma_wait3A_750 : memref<1x32x768xf32, #tpu.memory_space<vmem>> -> memref<32x768xf32, #tpu.memory_space<vmem>>
    %dma_wait3A_752 = arith.constant 0 : i32
    %dma_wait3A_753 = tpu.memref_slice %arg5[%mul3A_4, %dma_wait3A_752] : memref<16384x768xf32, #tpu.memory_space<hbm>> -> memref<32x768xf32, #tpu.memory_space<hbm>>
    %dma_wait3A_754 = arith.constant 0 : i32
    %dma_wait3A_755 = tpu.memref_slice %arg5[%mul3A_4, %dma_wait3A_754] : memref<16384x768xf32, #tpu.memory_space<hbm>> -> memref<32x768xf32, #tpu.memory_space<hbm>>
    %dma_wait3A_756 = arith.constant 0 : i32
    %dma_wait3A_757 = arith.constant 0 : i32
    %dma_wait3A_758 = tpu.memref_slice %arg10[%dma_wait3A_747, %dma_wait3A_756, %dma_wait3A_757] : memref<4x32x768xf32, #tpu.memory_space<vmem>> -> memref<1x32x768xf32, #tpu.memory_space<vmem>>
    %dma_wait3A_759 = tpu.memref_squeeze %dma_wait3A_758 : memref<1x32x768xf32, #tpu.memory_space<vmem>> -> memref<32x768xf32, #tpu.memory_space<vmem>>
    tpu.wait_dma2 semaphore(%arg18 : memref<!tpu.dma_semaphore, #tpu.memory_space<semaphore_mem>>) src(%dma_wait3A_759 : memref<32x768xf32, #tpu.memory_space<vmem>>) dst(%dma_wait3A_755 : memref<32x768xf32, #tpu.memory_space<hbm>>)
    %dma_start3A_760 = arith.constant 15 : i32
    %dma_start3A_761 = arith.constant 3 : i32
    %dma_start3A_762 = arith.constant 0 : i32
    %dma_start3A_763 = arith.constant 0 : i32
    %dma_start3A_764 = tpu.memref_slice %arg10[%dma_start3A_761, %dma_start3A_762, %dma_start3A_763] : memref<4x32x768xf32, #tpu.memory_space<vmem>> -> memref<1x32x768xf32, #tpu.memory_space<vmem>>
    %dma_start3A_765 = tpu.memref_squeeze %dma_start3A_764 : memref<1x32x768xf32, #tpu.memory_space<vmem>> -> memref<32x768xf32, #tpu.memory_space<vmem>>
    %dma_start3A_766 = arith.constant 0 : i32
    %dma_start3A_767 = tpu.memref_slice %arg9[%dma_start3A_760, %dma_start3A_766] : memref<16x32xi32, #tpu.memory_space<vmem>> -> memref<1x32xi32, #tpu.memory_space<vmem>>
    %dma_start3A_768 = tpu.memref_squeeze %dma_start3A_767 : memref<1x32xi32, #tpu.memory_space<vmem>> -> memref<32xi32, #tpu.memory_space<vmem>>
    %dma_start3A_769 = arith.constant 0 : i32
    %dma_start3A_770 = arith.constant 0 : i32
    %dma_start3A_771 = tpu.memref_slice %arg2[%dma_start3A_769, %dma_start3A_770] : memref<65536x768xf32, #tpu.memory_space<hbm>> -> memref<65536x768xf32, #tpu.memory_space<hbm>>
    tpu.enqueue_indirect_dma source(%dma_start3A_771 : memref<65536x768xf32, #tpu.memory_space<hbm>>) target(%dma_start3A_765 : memref<32x768xf32, #tpu.memory_space<vmem>>) offsets(%dma_start3A_768 : memref<32xi32, #tpu.memory_space<vmem>>) semaphore(%arg14 : memref<!tpu.dma_semaphore, #tpu.memory_space<semaphore_mem>>)
    %dma_wait3A_772 = arith.constant 0 : i32
    %dma_wait3A_773 = arith.constant 0 : i32
    %dma_wait3A_774 = arith.constant 0 : i32
    %dma_wait3A_775 = arith.constant 0 : i32
    %dma_wait3A_776 = tpu.memref_slice %arg10[%dma_wait3A_773, %dma_wait3A_774, %dma_wait3A_775] : memref<4x32x768xf32, #tpu.memory_space<vmem>> -> memref<1x32x768xf32, #tpu.memory_space<vmem>>
    %dma_wait3A_777 = tpu.memref_squeeze %dma_wait3A_776 : memref<1x32x768xf32, #tpu.memory_space<vmem>> -> memref<32x768xf32, #tpu.memory_space<vmem>>
    %dma_wait3A_778 = arith.constant 0 : i32
    %dma_wait3A_779 = tpu.memref_slice %arg9[%dma_wait3A_772, %dma_wait3A_778] : memref<16x32xi32, #tpu.memory_space<vmem>> -> memref<1x32xi32, #tpu.memory_space<vmem>>
    %dma_wait3A_780 = tpu.memref_squeeze %dma_wait3A_779 : memref<1x32xi32, #tpu.memory_space<vmem>> -> memref<32xi32, #tpu.memory_space<vmem>>
    %dma_wait3A_781 = arith.constant 0 : i32
    %dma_wait3A_782 = arith.constant 0 : i32
    %dma_wait3A_783 = tpu.memref_slice %arg2[%dma_wait3A_781, %dma_wait3A_782] : memref<65536x768xf32, #tpu.memory_space<hbm>> -> memref<65536x768xf32, #tpu.memory_space<hbm>>
    tpu.wait_indirect_dma semaphore(%arg11 : memref<!tpu.dma_semaphore, #tpu.memory_space<semaphore_mem>>) src(%dma_wait3A_783 : memref<65536x768xf32, #tpu.memory_space<hbm>>) dst(%dma_wait3A_777 : memref<32x768xf32, #tpu.memory_space<vmem>>)
    %add3A_784 = arith.constant 384 : i32
    %add3A_785 = arith.addi %mul3A_4, %add3A_784 : i32
    %dma_start3A_786 = arith.constant 0 : i32
    %dma_start3A_787 = arith.constant 0 : i32
    %dma_start3A_788 = arith.constant 0 : i32
    %dma_start3A_789 = tpu.memref_slice %arg10[%dma_start3A_786, %dma_start3A_787, %dma_start3A_788] : memref<4x32x768xf32, #tpu.memory_space<vmem>> -> memref<1x32x768xf32, #tpu.memory_space<vmem>>
    %dma_start3A_790 = tpu.memref_squeeze %dma_start3A_789 : memref<1x32x768xf32, #tpu.memory_space<vmem>> -> memref<32x768xf32, #tpu.memory_space<vmem>>
    %dma_start3A_791 = arith.constant 0 : i32
    %dma_start3A_792 = tpu.memref_slice %arg5[%add3A_785, %dma_start3A_791] : memref<16384x768xf32, #tpu.memory_space<hbm>> -> memref<32x768xf32, #tpu.memory_space<hbm>>
    %dma_start3A_793 = arith.constant 0 : i32
    %dma_start3A_794 = tpu.memref_slice %arg5[%add3A_785, %dma_start3A_793] : memref<16384x768xf32, #tpu.memory_space<hbm>> -> memref<32x768xf32, #tpu.memory_space<hbm>>
    %dma_start3A_795 = arith.constant 0 : i32
    %dma_start3A_796 = arith.constant 0 : i32
    %dma_start3A_797 = tpu.memref_slice %arg10[%dma_start3A_786, %dma_start3A_795, %dma_start3A_796] : memref<4x32x768xf32, #tpu.memory_space<vmem>> -> memref<1x32x768xf32, #tpu.memory_space<vmem>>
    %dma_start3A_798 = tpu.memref_squeeze %dma_start3A_797 : memref<1x32x768xf32, #tpu.memory_space<vmem>> -> memref<32x768xf32, #tpu.memory_space<vmem>>
    tpu.enqueue_dma source(%dma_start3A_798 : memref<32x768xf32, #tpu.memory_space<vmem>>) target(%dma_start3A_794 : memref<32x768xf32, #tpu.memory_space<hbm>>) target_semaphore(%arg15 : memref<!tpu.dma_semaphore, #tpu.memory_space<semaphore_mem>>)
    %dma_wait3A_799 = arith.constant 0 : i32
    %dma_wait3A_800 = arith.constant 1 : i32
    %dma_wait3A_801 = arith.constant 0 : i32
    %dma_wait3A_802 = arith.constant 0 : i32
    %dma_wait3A_803 = tpu.memref_slice %arg10[%dma_wait3A_800, %dma_wait3A_801, %dma_wait3A_802] : memref<4x32x768xf32, #tpu.memory_space<vmem>> -> memref<1x32x768xf32, #tpu.memory_space<vmem>>
    %dma_wait3A_804 = tpu.memref_squeeze %dma_wait3A_803 : memref<1x32x768xf32, #tpu.memory_space<vmem>> -> memref<32x768xf32, #tpu.memory_space<vmem>>
    %dma_wait3A_805 = arith.constant 0 : i32
    %dma_wait3A_806 = tpu.memref_slice %arg9[%dma_wait3A_799, %dma_wait3A_805] : memref<16x32xi32, #tpu.memory_space<vmem>> -> memref<1x32xi32, #tpu.memory_space<vmem>>
    %dma_wait3A_807 = tpu.memref_squeeze %dma_wait3A_806 : memref<1x32xi32, #tpu.memory_space<vmem>> -> memref<32xi32, #tpu.memory_space<vmem>>
    %dma_wait3A_808 = arith.constant 0 : i32
    %dma_wait3A_809 = arith.constant 0 : i32
    %dma_wait3A_810 = tpu.memref_slice %arg2[%dma_wait3A_808, %dma_wait3A_809] : memref<65536x768xf32, #tpu.memory_space<hbm>> -> memref<65536x768xf32, #tpu.memory_space<hbm>>
    tpu.wait_indirect_dma semaphore(%arg12 : memref<!tpu.dma_semaphore, #tpu.memory_space<semaphore_mem>>) src(%dma_wait3A_810 : memref<65536x768xf32, #tpu.memory_space<hbm>>) dst(%dma_wait3A_804 : memref<32x768xf32, #tpu.memory_space<vmem>>)
    %add3A_811 = arith.constant 416 : i32
    %add3A_812 = arith.addi %mul3A_4, %add3A_811 : i32
    %dma_start3A_813 = arith.constant 1 : i32
    %dma_start3A_814 = arith.constant 0 : i32
    %dma_start3A_815 = arith.constant 0 : i32
    %dma_start3A_816 = tpu.memref_slice %arg10[%dma_start3A_813, %dma_start3A_814, %dma_start3A_815] : memref<4x32x768xf32, #tpu.memory_space<vmem>> -> memref<1x32x768xf32, #tpu.memory_space<vmem>>
    %dma_start3A_817 = tpu.memref_squeeze %dma_start3A_816 : memref<1x32x768xf32, #tpu.memory_space<vmem>> -> memref<32x768xf32, #tpu.memory_space<vmem>>
    %dma_start3A_818 = arith.constant 0 : i32
    %dma_start3A_819 = tpu.memref_slice %arg5[%add3A_812, %dma_start3A_818] : memref<16384x768xf32, #tpu.memory_space<hbm>> -> memref<32x768xf32, #tpu.memory_space<hbm>>
    %dma_start3A_820 = arith.constant 0 : i32
    %dma_start3A_821 = tpu.memref_slice %arg5[%add3A_812, %dma_start3A_820] : memref<16384x768xf32, #tpu.memory_space<hbm>> -> memref<32x768xf32, #tpu.memory_space<hbm>>
    %dma_start3A_822 = arith.constant 0 : i32
    %dma_start3A_823 = arith.constant 0 : i32
    %dma_start3A_824 = tpu.memref_slice %arg10[%dma_start3A_813, %dma_start3A_822, %dma_start3A_823] : memref<4x32x768xf32, #tpu.memory_space<vmem>> -> memref<1x32x768xf32, #tpu.memory_space<vmem>>
    %dma_start3A_825 = tpu.memref_squeeze %dma_start3A_824 : memref<1x32x768xf32, #tpu.memory_space<vmem>> -> memref<32x768xf32, #tpu.memory_space<vmem>>
    tpu.enqueue_dma source(%dma_start3A_825 : memref<32x768xf32, #tpu.memory_space<vmem>>) target(%dma_start3A_821 : memref<32x768xf32, #tpu.memory_space<hbm>>) target_semaphore(%arg16 : memref<!tpu.dma_semaphore, #tpu.memory_space<semaphore_mem>>)
    %dma_wait3A_826 = arith.constant 0 : i32
    %dma_wait3A_827 = arith.constant 2 : i32
    %dma_wait3A_828 = arith.constant 0 : i32
    %dma_wait3A_829 = arith.constant 0 : i32
    %dma_wait3A_830 = tpu.memref_slice %arg10[%dma_wait3A_827, %dma_wait3A_828, %dma_wait3A_829] : memref<4x32x768xf32, #tpu.memory_space<vmem>> -> memref<1x32x768xf32, #tpu.memory_space<vmem>>
    %dma_wait3A_831 = tpu.memref_squeeze %dma_wait3A_830 : memref<1x32x768xf32, #tpu.memory_space<vmem>> -> memref<32x768xf32, #tpu.memory_space<vmem>>
    %dma_wait3A_832 = arith.constant 0 : i32
    %dma_wait3A_833 = tpu.memref_slice %arg9[%dma_wait3A_826, %dma_wait3A_832] : memref<16x32xi32, #tpu.memory_space<vmem>> -> memref<1x32xi32, #tpu.memory_space<vmem>>
    %dma_wait3A_834 = tpu.memref_squeeze %dma_wait3A_833 : memref<1x32xi32, #tpu.memory_space<vmem>> -> memref<32xi32, #tpu.memory_space<vmem>>
    %dma_wait3A_835 = arith.constant 0 : i32
    %dma_wait3A_836 = arith.constant 0 : i32
    %dma_wait3A_837 = tpu.memref_slice %arg2[%dma_wait3A_835, %dma_wait3A_836] : memref<65536x768xf32, #tpu.memory_space<hbm>> -> memref<65536x768xf32, #tpu.memory_space<hbm>>
    tpu.wait_indirect_dma semaphore(%arg13 : memref<!tpu.dma_semaphore, #tpu.memory_space<semaphore_mem>>) src(%dma_wait3A_837 : memref<65536x768xf32, #tpu.memory_space<hbm>>) dst(%dma_wait3A_831 : memref<32x768xf32, #tpu.memory_space<vmem>>)
    %add3A_838 = arith.constant 448 : i32
    %add3A_839 = arith.addi %mul3A_4, %add3A_838 : i32
    %dma_start3A_840 = arith.constant 2 : i32
    %dma_start3A_841 = arith.constant 0 : i32
    %dma_start3A_842 = arith.constant 0 : i32
    %dma_start3A_843 = tpu.memref_slice %arg10[%dma_start3A_840, %dma_start3A_841, %dma_start3A_842] : memref<4x32x768xf32, #tpu.memory_space<vmem>> -> memref<1x32x768xf32, #tpu.memory_space<vmem>>
    %dma_start3A_844 = tpu.memref_squeeze %dma_start3A_843 : memref<1x32x768xf32, #tpu.memory_space<vmem>> -> memref<32x768xf32, #tpu.memory_space<vmem>>
    %dma_start3A_845 = arith.constant 0 : i32
    %dma_start3A_846 = tpu.memref_slice %arg5[%add3A_839, %dma_start3A_845] : memref<16384x768xf32, #tpu.memory_space<hbm>> -> memref<32x768xf32, #tpu.memory_space<hbm>>
    %dma_start3A_847 = arith.constant 0 : i32
    %dma_start3A_848 = tpu.memref_slice %arg5[%add3A_839, %dma_start3A_847] : memref<16384x768xf32, #tpu.memory_space<hbm>> -> memref<32x768xf32, #tpu.memory_space<hbm>>
    %dma_start3A_849 = arith.constant 0 : i32
    %dma_start3A_850 = arith.constant 0 : i32
    %dma_start3A_851 = tpu.memref_slice %arg10[%dma_start3A_840, %dma_start3A_849, %dma_start3A_850] : memref<4x32x768xf32, #tpu.memory_space<vmem>> -> memref<1x32x768xf32, #tpu.memory_space<vmem>>
    %dma_start3A_852 = tpu.memref_squeeze %dma_start3A_851 : memref<1x32x768xf32, #tpu.memory_space<vmem>> -> memref<32x768xf32, #tpu.memory_space<vmem>>
    tpu.enqueue_dma source(%dma_start3A_852 : memref<32x768xf32, #tpu.memory_space<vmem>>) target(%dma_start3A_848 : memref<32x768xf32, #tpu.memory_space<hbm>>) target_semaphore(%arg17 : memref<!tpu.dma_semaphore, #tpu.memory_space<semaphore_mem>>)
    %dma_wait3A_853 = arith.constant 0 : i32
    %dma_wait3A_854 = arith.constant 3 : i32
    %dma_wait3A_855 = arith.constant 0 : i32
    %dma_wait3A_856 = arith.constant 0 : i32
    %dma_wait3A_857 = tpu.memref_slice %arg10[%dma_wait3A_854, %dma_wait3A_855, %dma_wait3A_856] : memref<4x32x768xf32, #tpu.memory_space<vmem>> -> memref<1x32x768xf32, #tpu.memory_space<vmem>>
    %dma_wait3A_858 = tpu.memref_squeeze %dma_wait3A_857 : memref<1x32x768xf32, #tpu.memory_space<vmem>> -> memref<32x768xf32, #tpu.memory_space<vmem>>
    %dma_wait3A_859 = arith.constant 0 : i32
    %dma_wait3A_860 = tpu.memref_slice %arg9[%dma_wait3A_853, %dma_wait3A_859] : memref<16x32xi32, #tpu.memory_space<vmem>> -> memref<1x32xi32, #tpu.memory_space<vmem>>
    %dma_wait3A_861 = tpu.memref_squeeze %dma_wait3A_860 : memref<1x32xi32, #tpu.memory_space<vmem>> -> memref<32xi32, #tpu.memory_space<vmem>>
    %dma_wait3A_862 = arith.constant 0 : i32
    %dma_wait3A_863 = arith.constant 0 : i32
    %dma_wait3A_864 = tpu.memref_slice %arg2[%dma_wait3A_862, %dma_wait3A_863] : memref<65536x768xf32, #tpu.memory_space<hbm>> -> memref<65536x768xf32, #tpu.memory_space<hbm>>
    tpu.wait_indirect_dma semaphore(%arg14 : memref<!tpu.dma_semaphore, #tpu.memory_space<semaphore_mem>>) src(%dma_wait3A_864 : memref<65536x768xf32, #tpu.memory_space<hbm>>) dst(%dma_wait3A_858 : memref<32x768xf32, #tpu.memory_space<vmem>>)
    %add3A_865 = arith.constant 480 : i32
    %add3A_866 = arith.addi %mul3A_4, %add3A_865 : i32
    %dma_start3A_867 = arith.constant 3 : i32
    %dma_start3A_868 = arith.constant 0 : i32
    %dma_start3A_869 = arith.constant 0 : i32
    %dma_start3A_870 = tpu.memref_slice %arg10[%dma_start3A_867, %dma_start3A_868, %dma_start3A_869] : memref<4x32x768xf32, #tpu.memory_space<vmem>> -> memref<1x32x768xf32, #tpu.memory_space<vmem>>
    %dma_start3A_871 = tpu.memref_squeeze %dma_start3A_870 : memref<1x32x768xf32, #tpu.memory_space<vmem>> -> memref<32x768xf32, #tpu.memory_space<vmem>>
    %dma_start3A_872 = arith.constant 0 : i32
    %dma_start3A_873 = tpu.memref_slice %arg5[%add3A_866, %dma_start3A_872] : memref<16384x768xf32, #tpu.memory_space<hbm>> -> memref<32x768xf32, #tpu.memory_space<hbm>>
    %dma_start3A_874 = arith.constant 0 : i32
    %dma_start3A_875 = tpu.memref_slice %arg5[%add3A_866, %dma_start3A_874] : memref<16384x768xf32, #tpu.memory_space<hbm>> -> memref<32x768xf32, #tpu.memory_space<hbm>>
    %dma_start3A_876 = arith.constant 0 : i32
    %dma_start3A_877 = arith.constant 0 : i32
    %dma_start3A_878 = tpu.memref_slice %arg10[%dma_start3A_867, %dma_start3A_876, %dma_start3A_877] : memref<4x32x768xf32, #tpu.memory_space<vmem>> -> memref<1x32x768xf32, #tpu.memory_space<vmem>>
    %dma_start3A_879 = tpu.memref_squeeze %dma_start3A_878 : memref<1x32x768xf32, #tpu.memory_space<vmem>> -> memref<32x768xf32, #tpu.memory_space<vmem>>
    tpu.enqueue_dma source(%dma_start3A_879 : memref<32x768xf32, #tpu.memory_space<vmem>>) target(%dma_start3A_875 : memref<32x768xf32, #tpu.memory_space<hbm>>) target_semaphore(%arg18 : memref<!tpu.dma_semaphore, #tpu.memory_space<semaphore_mem>>)
    %dma_wait3A_880 = arith.constant 0 : i32
    %dma_wait3A_881 = arith.constant 0 : i32
    %dma_wait3A_882 = arith.constant 0 : i32
    %dma_wait3A_883 = tpu.memref_slice %arg10[%dma_wait3A_880, %dma_wait3A_881, %dma_wait3A_882] : memref<4x32x768xf32, #tpu.memory_space<vmem>> -> memref<1x32x768xf32, #tpu.memory_space<vmem>>
    %dma_wait3A_884 = tpu.memref_squeeze %dma_wait3A_883 : memref<1x32x768xf32, #tpu.memory_space<vmem>> -> memref<32x768xf32, #tpu.memory_space<vmem>>
    %dma_wait3A_885 = arith.constant 0 : i32
    %dma_wait3A_886 = tpu.memref_slice %arg5[%mul3A_4, %dma_wait3A_885] : memref<16384x768xf32, #tpu.memory_space<hbm>> -> memref<32x768xf32, #tpu.memory_space<hbm>>
    %dma_wait3A_887 = arith.constant 0 : i32
    %dma_wait3A_888 = tpu.memref_slice %arg5[%mul3A_4, %dma_wait3A_887] : memref<16384x768xf32, #tpu.memory_space<hbm>> -> memref<32x768xf32, #tpu.memory_space<hbm>>
    %dma_wait3A_889 = arith.constant 0 : i32
    %dma_wait3A_890 = arith.constant 0 : i32
    %dma_wait3A_891 = tpu.memref_slice %arg10[%dma_wait3A_880, %dma_wait3A_889, %dma_wait3A_890] : memref<4x32x768xf32, #tpu.memory_space<vmem>> -> memref<1x32x768xf32, #tpu.memory_space<vmem>>
    %dma_wait3A_892 = tpu.memref_squeeze %dma_wait3A_891 : memref<1x32x768xf32, #tpu.memory_space<vmem>> -> memref<32x768xf32, #tpu.memory_space<vmem>>
    tpu.wait_dma2 semaphore(%arg15 : memref<!tpu.dma_semaphore, #tpu.memory_space<semaphore_mem>>) src(%dma_wait3A_892 : memref<32x768xf32, #tpu.memory_space<vmem>>) dst(%dma_wait3A_888 : memref<32x768xf32, #tpu.memory_space<hbm>>)
    %dma_wait3A_893 = arith.constant 1 : i32
    %dma_wait3A_894 = arith.constant 0 : i32
    %dma_wait3A_895 = arith.constant 0 : i32
    %dma_wait3A_896 = tpu.memref_slice %arg10[%dma_wait3A_893, %dma_wait3A_894, %dma_wait3A_895] : memref<4x32x768xf32, #tpu.memory_space<vmem>> -> memref<1x32x768xf32, #tpu.memory_space<vmem>>
    %dma_wait3A_897 = tpu.memref_squeeze %dma_wait3A_896 : memref<1x32x768xf32, #tpu.memory_space<vmem>> -> memref<32x768xf32, #tpu.memory_space<vmem>>
    %dma_wait3A_898 = arith.constant 0 : i32
    %dma_wait3A_899 = tpu.memref_slice %arg5[%mul3A_4, %dma_wait3A_898] : memref<16384x768xf32, #tpu.memory_space<hbm>> -> memref<32x768xf32, #tpu.memory_space<hbm>>
    %dma_wait3A_900 = arith.constant 0 : i32
    %dma_wait3A_901 = tpu.memref_slice %arg5[%mul3A_4, %dma_wait3A_900] : memref<16384x768xf32, #tpu.memory_space<hbm>> -> memref<32x768xf32, #tpu.memory_space<hbm>>
    %dma_wait3A_902 = arith.constant 0 : i32
    %dma_wait3A_903 = arith.constant 0 : i32
    %dma_wait3A_904 = tpu.memref_slice %arg10[%dma_wait3A_893, %dma_wait3A_902, %dma_wait3A_903] : memref<4x32x768xf32, #tpu.memory_space<vmem>> -> memref<1x32x768xf32, #tpu.memory_space<vmem>>
    %dma_wait3A_905 = tpu.memref_squeeze %dma_wait3A_904 : memref<1x32x768xf32, #tpu.memory_space<vmem>> -> memref<32x768xf32, #tpu.memory_space<vmem>>
    tpu.wait_dma2 semaphore(%arg16 : memref<!tpu.dma_semaphore, #tpu.memory_space<semaphore_mem>>) src(%dma_wait3A_905 : memref<32x768xf32, #tpu.memory_space<vmem>>) dst(%dma_wait3A_901 : memref<32x768xf32, #tpu.memory_space<hbm>>)
    %dma_wait3A_906 = arith.constant 2 : i32
    %dma_wait3A_907 = arith.constant 0 : i32
    %dma_wait3A_908 = arith.constant 0 : i32
    %dma_wait3A_909 = tpu.memref_slice %arg10[%dma_wait3A_906, %dma_wait3A_907, %dma_wait3A_908] : memref<4x32x768xf32, #tpu.memory_space<vmem>> -> memref<1x32x768xf32, #tpu.memory_space<vmem>>
    %dma_wait3A_910 = tpu.memref_squeeze %dma_wait3A_909 : memref<1x32x768xf32, #tpu.memory_space<vmem>> -> memref<32x768xf32, #tpu.memory_space<vmem>>
    %dma_wait3A_911 = arith.constant 0 : i32
    %dma_wait3A_912 = tpu.memref_slice %arg5[%mul3A_4, %dma_wait3A_911] : memref<16384x768xf32, #tpu.memory_space<hbm>> -> memref<32x768xf32, #tpu.memory_space<hbm>>
    %dma_wait3A_913 = arith.constant 0 : i32
    %dma_wait3A_914 = tpu.memref_slice %arg5[%mul3A_4, %dma_wait3A_913] : memref<16384x768xf32, #tpu.memory_space<hbm>> -> memref<32x768xf32, #tpu.memory_space<hbm>>
    %dma_wait3A_915 = arith.constant 0 : i32
    %dma_wait3A_916 = arith.constant 0 : i32
    %dma_wait3A_917 = tpu.memref_slice %arg10[%dma_wait3A_906, %dma_wait3A_915, %dma_wait3A_916] : memref<4x32x768xf32, #tpu.memory_space<vmem>> -> memref<1x32x768xf32, #tpu.memory_space<vmem>>
    %dma_wait3A_918 = tpu.memref_squeeze %dma_wait3A_917 : memref<1x32x768xf32, #tpu.memory_space<vmem>> -> memref<32x768xf32, #tpu.memory_space<vmem>>
    tpu.wait_dma2 semaphore(%arg17 : memref<!tpu.dma_semaphore, #tpu.memory_space<semaphore_mem>>) src(%dma_wait3A_918 : memref<32x768xf32, #tpu.memory_space<vmem>>) dst(%dma_wait3A_914 : memref<32x768xf32, #tpu.memory_space<hbm>>)
    %dma_wait3A_919 = arith.constant 3 : i32
    %dma_wait3A_920 = arith.constant 0 : i32
    %dma_wait3A_921 = arith.constant 0 : i32
    %dma_wait3A_922 = tpu.memref_slice %arg10[%dma_wait3A_919, %dma_wait3A_920, %dma_wait3A_921] : memref<4x32x768xf32, #tpu.memory_space<vmem>> -> memref<1x32x768xf32, #tpu.memory_space<vmem>>
    %dma_wait3A_923 = tpu.memref_squeeze %dma_wait3A_922 : memref<1x32x768xf32, #tpu.memory_space<vmem>> -> memref<32x768xf32, #tpu.memory_space<vmem>>
    %dma_wait3A_924 = arith.constant 0 : i32
    %dma_wait3A_925 = tpu.memref_slice %arg5[%mul3A_4, %dma_wait3A_924] : memref<16384x768xf32, #tpu.memory_space<hbm>> -> memref<32x768xf32, #tpu.memory_space<hbm>>
    %dma_wait3A_926 = arith.constant 0 : i32
    %dma_wait3A_927 = tpu.memref_slice %arg5[%mul3A_4, %dma_wait3A_926] : memref<16384x768xf32, #tpu.memory_space<hbm>> -> memref<32x768xf32, #tpu.memory_space<hbm>>
    %dma_wait3A_928 = arith.constant 0 : i32
    %dma_wait3A_929 = arith.constant 0 : i32
    %dma_wait3A_930 = tpu.memref_slice %arg10[%dma_wait3A_919, %dma_wait3A_928, %dma_wait3A_929] : memref<4x32x768xf32, #tpu.memory_space<vmem>> -> memref<1x32x768xf32, #tpu.memory_space<vmem>>
    %dma_wait3A_931 = tpu.memref_squeeze %dma_wait3A_930 : memref<1x32x768xf32, #tpu.memory_space<vmem>> -> memref<32x768xf32, #tpu.memory_space<vmem>>
    tpu.wait_dma2 semaphore(%arg18 : memref<!tpu.dma_semaphore, #tpu.memory_space<semaphore_mem>>) src(%dma_wait3A_931 : memref<32x768xf32, #tpu.memory_space<vmem>>) dst(%dma_wait3A_927 : memref<32x768xf32, #tpu.memory_space<hbm>>)
    %dma_wait3A_932 = arith.constant 0 : i32
    %dma_wait3A_933 = tpu.memref_slice %arg8[%dma_wait3A_932] : memref<2048xi32, #tpu.memory_space<vmem>> -> memref<1024xi32, #tpu.memory_space<vmem>>
    %dma_wait3A_934 = arith.constant 0 : i32
    %dma_wait3A_935 = tpu.memref_slice %arg6[%add3A_118, %dma_wait3A_934] : memref<64x1024xi32, #tpu.memory_space<hbm>> -> memref<1x1024xi32, #tpu.memory_space<hbm>>
    %dma_wait3A_936 = tpu.memref_squeeze %dma_wait3A_935 : memref<1x1024xi32, #tpu.memory_space<hbm>> -> memref<1024xi32, #tpu.memory_space<hbm>>
    %dma_wait3A_937 = arith.constant 0 : i32
    %dma_wait3A_938 = tpu.memref_slice %arg6[%add3A_118, %dma_wait3A_937] : memref<64x1024xi32, #tpu.memory_space<hbm>> -> memref<1x1024xi32, #tpu.memory_space<hbm>>
    %dma_wait3A_939 = tpu.memref_squeeze %dma_wait3A_938 : memref<1x1024xi32, #tpu.memory_space<hbm>> -> memref<1024xi32, #tpu.memory_space<hbm>>
    %dma_wait3A_940 = arith.constant 0 : i32
    %dma_wait3A_941 = tpu.memref_slice %arg8[%dma_wait3A_940] : memref<2048xi32, #tpu.memory_space<vmem>> -> memref<1024xi32, #tpu.memory_space<vmem>>
    tpu.wait_dma2 semaphore(%arg20 : memref<!tpu.dma_semaphore, #tpu.memory_space<semaphore_mem>>) src(%dma_wait3A_941 : memref<1024xi32, #tpu.memory_space<vmem>>) dst(%dma_wait3A_939 : memref<1024xi32, #tpu.memory_space<hbm>>)
    %dma_wait3A_942 = arith.constant 1024 : i32
    %dma_wait3A_943 = tpu.memref_slice %arg8[%dma_wait3A_942] : memref<2048xi32, #tpu.memory_space<vmem>> -> memref<1024xi32, #tpu.memory_space<vmem>>
    %dma_wait3A_944 = arith.constant 0 : i32
    %dma_wait3A_945 = tpu.memref_slice %arg6[%add3A_137, %dma_wait3A_944] : memref<64x1024xi32, #tpu.memory_space<hbm>> -> memref<1x1024xi32, #tpu.memory_space<hbm>>
    %dma_wait3A_946 = tpu.memref_squeeze %dma_wait3A_945 : memref<1x1024xi32, #tpu.memory_space<hbm>> -> memref<1024xi32, #tpu.memory_space<hbm>>
    %dma_wait3A_947 = arith.constant 0 : i32
    %dma_wait3A_948 = tpu.memref_slice %arg6[%add3A_137, %dma_wait3A_947] : memref<64x1024xi32, #tpu.memory_space<hbm>> -> memref<1x1024xi32, #tpu.memory_space<hbm>>
    %dma_wait3A_949 = tpu.memref_squeeze %dma_wait3A_948 : memref<1x1024xi32, #tpu.memory_space<hbm>> -> memref<1024xi32, #tpu.memory_space<hbm>>
    %dma_wait3A_950 = arith.constant 1024 : i32
    %dma_wait3A_951 = tpu.memref_slice %arg8[%dma_wait3A_950] : memref<2048xi32, #tpu.memory_space<vmem>> -> memref<1024xi32, #tpu.memory_space<vmem>>
    tpu.wait_dma2 semaphore(%arg20 : memref<!tpu.dma_semaphore, #tpu.memory_space<semaphore_mem>>) src(%dma_wait3A_951 : memref<1024xi32, #tpu.memory_space<vmem>>) dst(%dma_wait3A_949 : memref<1024xi32, #tpu.memory_space<hbm>>)
    return
  }
}

</mosaic_0001>

<sc_bundles>
// kernel: kernel.3.cloned.1.call-start
scs
__scs_entry_jumppad:
0x0: {  	(pc) =	sbr.rel $0x88, $3  }
0x1: {  	(tag) =	ssettag $0x0;
	lr =	simm.s32 $0x1  }
0x2: {  	[smem:$0x3FA0] =	sst lr;
	_ =	strace $0xD0000000  }
0x3: {  	_ = 	snop  }
0x4: {  	_ = 	snop  }
0x5: {  	_ = 	snop  }
0x6: {  	_ = 	snop  }
0x7: {  	_ = 	snop  }
__scs_overlays_trampoline_lowered:
0x8: {  	[smem:$0x3FAF] =	sst s0  }
0x9: {  	[smem:$0x3FB0] =	sst s1  }
0xa: {  	[smem:$0x3FB1] =	sst s2  }
0xb: {  	[smem:$0x3FB2] =	sst s3  }
0xc: {  	[smem:$0x3FB3] =	sst s4  }
0xd: {  	[smem:$0x3FB4] =	sst s5  }
0xe: {  	[smem:$0x3FB5] =	sst s6  }
0xf: {  	[smem:$0x3FB6] =	sst s7  }
0x10: {  	[smem:$0x3FB7] =	sst s8  }
0x11: {  	[smem:$0x3FB8] =	sst s9;
	s0 =	simm.s32 @!p0 $0x0  }
0x12: {  	s1 =	sld [smem:$0x3F9E];
	s0 =	simm.s32 @p0 $0x1  }
0x13: {  	[smem:$0x3FB9] =	sst s0;
	s0 =	simm.s32 @!p1 $0x0  }
0x14: {  	s2 =	sld [smem:$0x3F9D];
	s0 =	simm.s32 @p1 $0x1  }
0x15: {  	[smem:$0x3FBA] =	sst s0;
	s0 =	simm.s32 @!p2 $0x0  }
0x16: {  	s3 =	sld [smem:$0x3FDB];
	s0 =	simm.s32 @p2 $0x1  }
0x17: {  	s4 =	simm.s32 $0x1BF5;
	[smem:$0x3FBC] =	sst s0  }
0x18: {  	s0 =	sld [smem:$0x3F9F];
	_ =	swait.ge [sflag:s4], $0x0  }
0x19: {  	s7 =	sld [smem:$0x3FA0]  }
0x1a: {  	s8 =	sadd.s32 $0xFFFFE003, lr  }
0x1b: {  	s9 =	sadd.s32 $0xFFFFFEF7, lr;
	s5 =	simm.s32 $0xFFFFFFFF;
	p2 =	slt.u32 s8, $0xFFFFF086  }
0x1c: {  	p1 =	slt.u32 s9, $0xF7A;
	s5 =	simm.s32 @!p2 $0x0  }
0x1d: {  	s5 =	simm.s32 @p1 $0x1;
	p0 =	seq.s32 s7, s2  }
0x1e: {  	s7 =	smul.u32 @!p0 $0xF7A, s2;
	p2 =	seq.s32 @!p0 s5, $0x0  }
0x1f: {  	s9 =	smul.u32 $0xF7A, s1;
	s8 =	simm.s32 @!p0 $0x1BF5;
	p2 =	por !p2, p0  }
0x20: {  	[sflag:s8] =	ssyncset.s32 @!p0 $0xFFFFF086;
	s6 =	sadd.s32 @!p0 s3, s7;
	s7 =	simm.s32 @!p0 $0x108  }
0x21: {  	s3 =	sadd.s32 s3, s9;
	s6 =	sadd.s32 @!p0 $0x88, s6;
	s7 =	simm.s32 @p2 $0x1082  }
0x22: {  	[simem:s7], [sflag:s8] =	dma.local @!p0 [hbm:s6], $0xF7A  }
0x23: {  	s9 =	sor.u32 $0xD0000000, s2;
	s6 =	simm.s32 $0x108;
	_ =	swait.ge @!p0 [sflag:s8], $0x0  }
0x24: {  	s3 =	sadd.s32 $0x88, s3;
	s6 =	simm.s32 @!p1 $0x1082;
	[sflag:s4] =	ssyncset.s32 $0xFFFFF086  }
0x25: {  	[simem:s6], [sflag:s4] =	dma.local [hbm:s3], $0xF7A  }
0x26: {  	[smem:$0x3FA0] =	sst s1;
	(tag) =	ssettag s2;
	_ =	strace s9  }
0x27: {  	s1 =	sld [smem:$0x3FB0]  }
0x28: {  	s2 =	sld [smem:$0x3FB1]  }
0x29: {  	s4 =	sld [smem:$0x3FB3]  }
0x2a: {  	p0 =	seq.s32 s5, $0x0;
	s5 =	sld [smem:$0x3FB4]  }
0x2b: {  	s6 =	sld [smem:$0x3FB5]  }
0x2c: {  	s7 =	sld [smem:$0x3FB6]  }
0x2d: {  	s3 =	simm.s32 $0x108;
	s8 =	sld [smem:$0x3FB7]  }
0x2e: {  	s3 =	simm.s32 @!p0 $0x1082;
	s9 =	sld [smem:$0x3FB8]  }
0x2f: {  	lr =	sadd.s32 s0, s3;
	s0 =	sld [smem:$0x3FAF]  }
0x30: {  	s3 =	sld [smem:$0x3FB2]  }
0x31: {  	[smem:$0x3FBB] =	sst s10  }
0x32: {  	s10 =	sld [smem:$0x3FB9];
	_ =	sdelay $0x3  }
0x33: {  	p0 =	seq.s32 s10, $0x1;
	s10 =	sld [smem:$0x3FBB];
	_ =	sdelay $0x3  }
0x34: {  	[smem:$0x3FBB] =	sst s10  }
0x35: {  	s10 =	sld [smem:$0x3FBA];
	_ =	sdelay $0x3  }
0x36: {  	p1 =	seq.s32 s10, $0x1;
	s10 =	sld [smem:$0x3FBB];
	_ =	sdelay $0x3  }
0x37: {  	[smem:$0x3FBB] =	sst s10  }
0x38: {  	s10 =	sld [smem:$0x3FBC]  }
0x39: {  	_ = 	snop;
	(pc) =	sbr.ind lr, $3  }
0x3a: {  	_ = 	snop  }
0x3b: {  	_ = 	snop  }
0x3c: {  	p2 =	seq.s32 s10, $0x1;
	s10 =	sld [smem:$0x3FBB]  }
0x3d: {  	_ =	shalt  }
0x3e: {  	_ =	shalt  }
0x3f: {  	_ =	shalt  }
0x40: {  	_ =	shalt  }
0x41: {  	_ =	shalt  }
0x42: {  	_ =	shalt  }
0x43: {  	_ =	shalt  }
0x44: {  	_ =	shalt  }
0x45: {  	_ =	shalt  }
0x46: {  	_ =	shalt  }
0x47: {  	_ =	shalt  }
0x48: {  	_ =	shalt  }
0x49: {  	_ =	shalt  }
0x4a: {  	_ =	shalt  }
0x4b: {  	_ =	shalt  }
0x4c: {  	_ =	shalt  }
0x4d: {  	_ =	shalt  }
0x4e: {  	_ =	shalt  }
0x4f: {  	_ =	shalt  }
0x50: {  	_ =	shalt  }
0x51: {  	_ =	shalt  }
0x52: {  	_ =	shalt  }
0x53: {  	_ =	shalt  }
0x54: {  	_ =	shalt  }
0x55: {  	_ =	shalt  }
0x56: {  	_ =	shalt  }
0x57: {  	_ =	shalt  }
0x58: {  	_ =	shalt  }
0x59: {  	_ =	shalt  }
0x5a: {  	_ =	shalt  }
0x5b: {  	_ =	shalt  }
0x5c: {  	_ =	shalt  }
0x5d: {  	_ =	shalt  }
0x5e: {  	_ =	shalt  }
0x5f: {  	_ =	shalt  }
0x60: {  	_ =	shalt  }
0x61: {  	_ =	shalt  }
0x62: {  	_ =	shalt  }
0x63: {  	_ =	shalt  }
0x64: {  	_ =	shalt  }
0x65: {  	_ =	shalt  }
0x66: {  	_ =	shalt  }
0x67: {  	_ =	shalt  }
0x68: {  	_ =	shalt  }
0x69: {  	_ =	shalt  }
0x6a: {  	_ =	shalt  }
0x6b: {  	_ =	shalt  }
0x6c: {  	_ =	shalt  }
0x6d: {  	_ =	shalt  }
0x6e: {  	_ =	shalt  }
0x6f: {  	_ =	shalt  }
0x70: {  	_ =	shalt  }
0x71: {  	_ =	shalt  }
0x72: {  	_ =	shalt  }
0x73: {  	_ =	shalt  }
0x74: {  	_ =	shalt  }
0x75: {  	_ =	shalt  }
0x76: {  	_ =	shalt  }
0x77: {  	_ =	shalt  }
0x78: {  	_ =	shalt  }
0x79: {  	_ =	shalt  }
0x7a: {  	_ =	shalt  }
0x7b: {  	_ =	shalt  }
0x7c: {  	_ =	shalt  }
0x7d: {  	_ =	shalt  }
0x7e: {  	_ =	shalt  }
0x7f: {  	_ =	shalt  }
0x80: {  	_ =	shalt  }
0x81: {  	_ =	shalt  }
0x82: {  	_ =	shalt  }
0x83: {  	_ =	shalt  }
0x84: {  	_ =	shalt  }
0x85: {  	_ =	shalt  }
0x86: {  	_ =	shalt  }
0x87: {  	_ =	shalt  }
.Lfunc_end0:
.L_simem_size_0:
called_computation_lowered:
.L_overlay_start_0:
0x88: {  	s2 =	sld [smem:$0x3FD9]  }
0x89: {  	s3 =	sld [smem:$0x3FFE];
	_ =	sdelay $0x1  }
0x8a: {  	s1 =	srdreg.scid  }
0x8b: {  	s0 =	sand.u32 $0x1, s1  }
0x8c: {  	s14 =	sshll.u32 s0, $0xA;
	s2 =	sadd.s32 s3, s2  }
0x8d: {  	s2 =	sadd.s32 s2, s14  }
0x8e: {  	[smem:$0x3FC7] =	sst s2  }
0x8f: {  	_ = 	snop  }
0x90: {  	s2 =	sld [smem:$0x3FD0];
	_ =	sdelay $0x2  }
0x91: {  	s4 =	simm.s32 $0xA;
	s5 =	simm.s32 $0x10;
	s15 =	sld [smem:$0x3FC9]  }
0x92: {  	[smem:s5], [sflag:s4] =	dma.local [hbm:s2], $0x1  }
0x93: {  	_ =	swait.eq [sflag:s4], $0x1  }
0x94: {  	s16 =	sld [smem:$0x10];
	[sflag:s4] =	ssyncset.done $0x0  }
0x95: {  	s17 =	sld [smem:$0x11];
	[sflag:s4] =	ssyncadd.s32 $0xFFFFFFFF  }
0x96: {  	s18 =	sld [smem:$0x12];
	(tm) =	ssettm $0x1  }
0x97: {  	s6 =	sld [smem:$0x3FFB];
	_ =	sdelay $0x3  }
0x98: {  	_ =	strace s6  }
0x99: {  	s6 =	sld [smem:$0x3FFC];
	_ =	sdelay $0x3  }
0x9a: {  	_ =	strace s6  }
0x9b: {  	s6 =	sld [smem:$0x3FFD];
	_ =	sdelay $0x3  }
0x9c: {  	_ =	strace s6  }
0x9d: {  	_ =	strace $0x8FFFFFFF  }
0x9e: {  	s19 =	sld [smem:$0x3FDB];
	_ =	sdelay $0x1  }
0x9f: {  	s7 =	simm.s32 $_scs_section_size  }
0xa0: {  	s8 =	simm.s32 $_size__tile_overlayer_lowered;
	s9 =	simm.s32 $_tile_overlayer_lowered  }
0xa1: {  	s22 =	simm.s32 $0x1BFF;
	s21 =	sshll.u32 s9, $0x1;
	s6 =	sadd.s32 s7, s19  }
0xa2: {  	s10 =	simm.s32 $0x0;
	s20 =	sshll.u32 s8, $0x1;
	s8 =	sadd.s32 s21, s6  }
0xa3: {  	[timem:s10], [sflag:s22] =	dma.local [hbm:s8], s20  }
0xa4: {  	_ =	swait.ge [sflag:s22], s20  }
0xa5: {  	s7 =	ssub.s32 $0x0, s20;
	[sflag:s22] =	ssyncset.done $0x0  }
0xa6: {  	[sflag:s22] =	ssyncadd.s32 s7;
	_ =	sdelay $0x1  }
0xa7: {  	s23 =	simm.s32 $0x1B8B  }
0xa8: {  	_ =	swait.ge [sflag:s23], $0x1  }
0xa9: {  	[sflag:s23] =	ssyncset.done $0x0  }
0xaa: {  	s25 =	simm.s32 $0x1B8E;
	s24 =	sld [smem:$0x3FFE];
	[sflag:s23] =	ssyncadd.s32 $0xFFFFFFFF  }
0xab: {  	s26 =	simm.s32 $execute0_lowered;
	[smem:$0x3FD2] =	sst s25  }
0xac: {  	s8 =	sshll.u32 s26, $0x1;
	_ =	strace $0x80000046;
	[dreg:$0x1] =	wrdreg $0xFFFFFFFF  }
0xad: {  	s28 =	simm.s32 $_size_execute0_lowered;
	s6 =	sadd.s32 s6, s8;
	[dreg:$0x0] =	wrdreg $0x0  }
0xae: {  	s8 =	sshll.u32 s28, $0x1;
	[dreg:$0x2] =	wrdreg s6  }
0xaf: {  	[dreg:$0x3] =	wrdreg s8  }
0xb0: {  	[dreg:$0x4] =	wrdreg $0xC0  }
0xb1: {  	_ =	task [dreg:s10], $0x5FFFF  }
0xb2: {  	[dreg:$0x1] =	wrdreg $0xFFFFFFFF  }
0xb3: {  	[dreg:$0x0] =	wrdreg $0x60  }
0xb4: {  	[dreg:$0x2] =	wrdreg s15  }
0xb5: {  	[dreg:$0x3] =	wrdreg s17  }
0xb6: {  	[dreg:$0x4] =	wrdreg s24  }
0xb7: {  	[dreg:$0x5] =	wrdreg s16  }
0xb8: {  	[dreg:$0x6] =	wrdreg s18  }
0xb9: {  	[dreg:$0x7] =	wrdreg $0x9  }
0xba: {  	_ =	task.clear_ibuf [dreg:s10], $0x8FFFF;
	_ =	strace $0x90000046  }
0xbb: {  	s29 =	simm.s32 $0x9;
	_ =	strace $0x80000048  }
0xbc: {  	_ =	swait.ge [sflag:s29], $0x1  }
0xbd: {  	[sflag:s29] =	ssyncadd.s32 $0xFFFFFFFF  }
0xbe: {  	_ =	strace $0x90000048  }
0xbf: {  	_ =	sfence  }
0xc0: {  	s30 =	sld [smem:$0x0];
	_ =	sdelay $0x2  }
0xc1: {  	s31 =	sshll.u32 s1, $0xD;
	s1 =	sshrl.u32 s1, $0x2  }
0xc2: {  	s3 =	sand.u32 $0x4000, s31;
	s1 =	sadd.s32 s1, s30  }
0xc3: {  	s0 =	sor.u32 s3, s0;
	s1 =	sshll.u32 s1, $0x11  }
0xc4: {  	s0 =	sor.u32 s1, s0  }
0xc5: {  	s0 =	sadd.s32 $0x8F2B, s0  }
0xc6: {  	[sflag:s0] =	ssyncadd.remote.s32 $0x1  }
0xc7: {  	_ =	sfence.sel $0xFFFF  }
0xc8: {  	[dreg:$0x0] =	wrdreg $0xFFFFFFFF;
	(pc) =	sbr.abs _section_cstart, $3  }
0xc9: {  	[dreg:$0x1] =	wrdreg $0xFFFFFFFF  }
0xca: {  	_ =	task.clear_ibuf [dreg:s10], $0x2FFFF;
	_ =	strace $0x9FFFFFFF  }
0xcb: {  	(tm) =	ssettm $0x7FFFFFFF  }
tec
execute0_lowered:
.L_overlay_start_1:
0x0: {  	(tag) =	ssettag $0x1  }
0x1: {  	s1 =	rddreg [dreg:$0x0]  }
0x2: {  	s0 =	rddreg [dreg:$0x1]  }
0x3: {  	s2 =	rddreg [dreg:$0x2]  }
0x4: {  	s4 =	rddreg [dreg:$0x3]  }
0x5: {  	s9 =	rddreg [dreg:$0x4]  }
0x6: {  	s5 =	srdreg.scid;
	s8 =	stileid.u32  }
0x7: {  	s3 =	simm.s32 $0x0;
	s30 =	simm.s32 $0x7800;
	s31 =	simm.s32 $0x8000  }
0x8: {  	s29 =	simm.s32 $0x800;
	s5 =	sand.u32 $0x1, s5;
	s6 =	sshll.u32 s8, $0x1  }
0x9: {  	[smem:$0x7FF] =	sst s3;
	s8 =	sshll.u32 s8, $0xC;
	s2 =	sadd.s32 $0xA00, s2  }
0xa: {  	s6 =	sor.u32 s5, s6;
	s5 =	ssub.s32 $0x2, s5;
	_ =	strace $0x80000047  }
0xb: {  	s7 =	sshll.u32 s6, $0x8;
	s10 =	sshrl.u32 s5, $0x1;
	s11 =	smul.u32 $0xC000, s6  }
0xc: {  	s13 =	smul.u32 $0x60000, s6;
	s8 =	sor.u32 s8, s7;
	s0 =	sadd.s32 s0, s7  }
0xd: {  	s25 =	sand.u32 $0xE300, s8;
	[dreg:$0x6] =	wrdreg s0;
	s8 =	sadd.s32 s4, s11  }
0xe: {  	s11 =	sshrl.u32 s13, $0x3;
	s13 =	sadd.s32 $0xC00, s8;
	[dreg:$0x8] =	wrdreg s8  }
0xf: {  	s6 =	sadd.s32 $0x200, s1;
	s14 =	sadd.s32 $0x1800, s8;
	[dreg:$0xa] =	wrdreg s13  }
0x10: {  	s10 =	ssub.s32 s5, s10;
	s15 =	sadd.s32 $0x2400, s8;
	[dreg:$0xb] =	wrdreg s14  }
0x11: {  	s26 =	sshrl.u32 s25, $0x3;
	s25 =	smax.u32 s10, $0x1;
	[dreg:$0xc] =	wrdreg s15  }
0x12: {  	s5 =	sadd.s32 $0x100, s1;
	s28 =	sadd.s32 s2, s26;
	[dreg:$0x17] =	wrdreg s25  }
0x13: {  	s7 =	simm.s32 $0x15800;
	s0 =	sadd.s32 s9, s26;
	[dreg:$0x1a] =	wrdreg s28  }
0x14: {  	s12 =	sor.u32 $0x10, s26;
	s26 =	sadd.s32 $0x3000, s8;
	[dreg:$0x7] =	wrdreg s0  }
0x15: {  	s10 =	simm.s32 $0x0;
	s2 =	sadd.s32 s2, s12;
	[dreg:$0x18] =	wrdreg s26  }
0x16: {  	s15 =	simm.s32 $0x14800;
	s9 =	sadd.s32 s9, s12;
	[dreg:$0x1b] =	wrdreg s2  }
0x17: {  	s0 =	sadd.s32 s4, s11;
	s28 =	sadd.s32 $0x3C00, s8;
	[dreg:$0x9] =	wrdreg s9  }
0x18: {  	s25 =	simm.s32 $0x17800;
	s16 =	sadd.s32 $0x4800, s0;
	[dreg:$0x19] =	wrdreg s28  }
0x19: {  	s13 =	simm.s32 $0x18800;
	s17 =	sadd.s32 $0x5400, s0;
	[dreg:$0xd] =	wrdreg s16  }
0x1a: {  	s14 =	simm.s32 $0x19000;
	s18 =	sadd.s32 $0x6000, s0;
	[dreg:$0xe] =	wrdreg s17  }
0x1b: {  	s12 =	simm.s32 $0x2000;
	s19 =	sadd.s32 $0x6C00, s0;
	[dreg:$0xf] =	wrdreg s18  }
0x1c: {  	s26 =	simm.s32 $0x7000;
	s20 =	sadd.s32 $0x7800, s0;
	[dreg:$0x10] =	wrdreg s19  }
0x1d: {  	s8 =	simm.s32 $0x16000;
	s21 =	sadd.s32 $0x8400, s0;
	[dreg:$0x11] =	wrdreg s20  }
0x1e: {  	s11 =	simm.s32 $0x400;
	s22 =	sadd.s32 $0x9000, s0;
	[dreg:$0x12] =	wrdreg s21  }
0x1f: {  	s4 =	simm.s32 $0x80;
	s23 =	sadd.s32 $0x9C00, s0;
	[dreg:$0x13] =	wrdreg s22  }
0x20: {  	s24 =	sadd.s32 $0xA800, s0;
	s0 =	sadd.s32 $0xB400, s0;
	[dreg:$0x14] =	wrdreg s23  }
0x21: {  	s9 =	simm.s32 $0x13800;
	s2 =	simm.s32 $0x18000;
	[dreg:$0x15] =	wrdreg s24  }
0x22: {  	v0 =	vlaneseq.u32;
	[dreg:$0x16] =	wrdreg s0;
	s0 =	simm.s32 $0x1800;
	s17 =	simm.s32 $0x2800  }
0x23: {  	vm0 =	vmmov $0xffff;
	v2 =	vshrl.u32 v0, $0x3;
	s18 =	simm.s32 $0x3000;
	s19 =	simm.s32 $0x3800;
	s20 =	simm.s32 $0xD800  }
0x24: {  	v1 =	vand.u32 $0x7, v0;
	v3 =	vor.u32 $0x8, v0;
	v2 =	vmul.u32 $0x8, v2;
	s16 =	simm.s32 $0x15000;
	s23 =	simm.s32 $0x16800;
	s24 =	simm.s32 $0x17000  }
.LBB2_1:
0x25: {  	s21 =	rddreg [dreg:$0x6];
	s22 =	simm.s32 $0x1000  }
0x26: {  	[tilespmem:s22], [sflag:$0xB] =	stream.linear.gather [hbm4b:s21+s3], $0x800, $0x38;
	[tilespmem:$0x19800] =	vst v63  }
0x27: {  	[dreg:$0x1c] =	wrdreg s10;
	s22 =	simm.s32 $0xB  }
0x28: {  	_ =	swait.ge [sflag:s22], $0x800  }
0x29: {  	[sflag:s22] =	ssyncset.done $0x0  }
0x2a: {  	[sflag:s22] =	ssyncadd.s32 $0xFFFFF800  }
0x2b: {  	v4 =	vld [tilespmem:$0x1000];
	_ =	sdelay $0x4  }
0x2c: {  	v5 =	vshrl.u32 v4, $0x3  }
0x2d: {  	v5 =	vmul.u32 $0x30, v5  }
0x2e: {  	v4 =	vand.u32 $0x7, v4  }
0x2f: {  	v4 =	vor.u32 v4, v5  }
0x30: {  	v5 =	vperm.xlane v4, v1;
	_ =	sdelay $0x1  }
0x31: {  	v5 =	vadd.s32 v2, v5;
	_ =	sdelay $0x3  }
0x32: {  	v4 =	vperm.xlane v4, v3  }
0x33: {  	[tilespmem:s0], [sflag:$0x1] =	stream.indirect_vreg.gather [hbm4b:s1+s3], $0x80, v5, vm0, $0xb8;
	[tilespmem:$0x19800] =	vst v63  }
0x34: {  	v4 =	vadd.s32 v2, v4  }
0x35: {  	[tilespmem:s12], [sflag:$0x1] =	stream.indirect_vreg.gather [hbm4b:s5+s3], $0x80, v5, vm0, $0xb8;
	[tilespmem:$0x19800] =	vst v63  }
0x36: {  	_ = 	snop  }
0x37: {  	[tilespmem:s17], [sflag:$0x1] =	stream.indirect_vreg.gather [hbm4b:s6+s3], $0x80, v5, vm0, $0xb8;
	[tilespmem:$0x19800] =	vst v63  }
0x38: {  	_ = 	snop  }
0x39: {  	[tilespmem:s18], [sflag:$0x1] =	stream.indirect_vreg.gather [hbm4b:s1+s3], $0x80, v4, vm0, $0xb8;
	[tilespmem:$0x19800] =	vst v63  }
0x3a: {  	_ = 	snop  }
0x3b: {  	[tilespmem:s19], [sflag:$0x1] =	stream.indirect_vreg.gather [hbm4b:s5+s3], $0x80, v4, vm0, $0xb8;
	[tilespmem:$0x19800] =	vst v63  }
0x3c: {  	s28 =	simm.s32 $0x4000  }
0x3d: {  	[tilespmem:s28], [sflag:$0x1] =	stream.indirect_vreg.gather [hbm4b:s6+s3], $0x80, v4, vm0, $0xb8;
	[tilespmem:$0x19800] =	vst v63  }
0x3e: {  	v4 =	vld [tilespmem:$0x1010];
	_ =	sdelay $0x4  }
0x3f: {  	v5 =	vshrl.u32 v4, $0x3  }
0x40: {  	v5 =	vmul.u32 $0x30, v5  }
0x41: {  	v4 =	vand.u32 $0x7, v4  }
0x42: {  	v4 =	vor.u32 v4, v5  }
0x43: {  	v5 =	vperm.xlane v4, v1;
	_ =	sdelay $0x1  }
0x44: {  	v5 =	vadd.s32 v2, v5;
	_ =	sdelay $0x3  }
0x45: {  	s12 =	simm.s32 $0x4800;
	v4 =	vperm.xlane v4, v3  }
0x46: {  	[tilespmem:s12], [sflag:$0x1] =	stream.indirect_vreg.gather [hbm4b:s1+s3], $0x80, v5, vm0, $0xb8;
	[tilespmem:$0x19800] =	vst v63  }
0x47: {  	s10 =	simm.s32 $0x5000;
	v4 =	vadd.s32 v2, v4  }
0x48: {  	[tilespmem:s10], [sflag:$0x1] =	stream.indirect_vreg.gather [hbm4b:s5+s3], $0x80, v5, vm0, $0xb8;
	[tilespmem:$0x19800] =	vst v63  }
0x49: {  	s28 =	simm.s32 $0x5800  }
0x4a: {  	[tilespmem:s28], [sflag:$0x1] =	stream.indirect_vreg.gather [hbm4b:s6+s3], $0x80, v5, vm0, $0xb8;
	[tilespmem:$0x19800] =	vst v63  }
0x4b: {  	s10 =	simm.s32 $0x6000  }
0x4c: {  	[tilespmem:s10], [sflag:$0x1] =	stream.indirect_vreg.gather [hbm4b:s1+s3], $0x80, v4, vm0, $0xb8;
	[tilespmem:$0x19800] =	vst v63  }
0x4d: {  	s17 =	simm.s32 $0x6800  }
0x4e: {  	[tilespmem:s17], [sflag:$0x1] =	stream.indirect_vreg.gather [hbm4b:s5+s3], $0x80, v4, vm0, $0xb8;
	[tilespmem:$0x19800] =	vst v63  }
0x4f: {  	_ = 	snop  }
0x50: {  	[tilespmem:s26], [sflag:$0x1] =	stream.indirect_vreg.gather [hbm4b:s6+s3], $0x80, v4, vm0, $0xb8;
	[tilespmem:$0x19800] =	vst v63  }
0x51: {  	v4 =	vld [tilespmem:$0x1080];
	_ =	sdelay $0x4  }
0x52: {  	v5 =	vshrl.u32 v4, $0x3  }
0x53: {  	v5 =	vmul.u32 $0x30, v5  }
0x54: {  	v4 =	vand.u32 $0x7, v4  }
0x55: {  	v4 =	vor.u32 v4, v5  }
0x56: {  	v5 =	vperm.xlane v4, v1;
	_ =	sdelay $0x1  }
0x57: {  	v5 =	vadd.s32 v2, v5;
	_ =	sdelay $0x3  }
0x58: {  	v4 =	vperm.xlane v4, v3  }
0x59: {  	[tilespmem:s30], [sflag:$0x2] =	stream.indirect_vreg.gather [hbm4b:s1+s3], $0x80, v5, vm0, $0xb8;
	[tilespmem:$0x19800] =	vst v63  }
0x5a: {  	v4 =	vadd.s32 v2, v4  }
0x5b: {  	[tilespmem:s31], [sflag:$0x2] =	stream.indirect_vreg.gather [hbm4b:s5+s3], $0x80, v5, vm0, $0xb8;
	[tilespmem:$0x19800] =	vst v63  }
0x5c: {  	s18 =	simm.s32 $0x8800  }
0x5d: {  	[tilespmem:s18], [sflag:$0x2] =	stream.indirect_vreg.gather [hbm4b:s6+s3], $0x80, v5, vm0, $0xb8;
	[tilespmem:$0x19800] =	vst v63  }
0x5e: {  	s19 =	simm.s32 $0x9000  }
0x5f: {  	[tilespmem:s19], [sflag:$0x2] =	stream.indirect_vreg.gather [hbm4b:s1+s3], $0x80, v4, vm0, $0xb8;
	[tilespmem:$0x19800] =	vst v63  }
0x60: {  	s21 =	simm.s32 $0x9800  }
0x61: {  	[tilespmem:s21], [sflag:$0x2] =	stream.indirect_vreg.gather [hbm4b:s5+s3], $0x80, v4, vm0, $0xb8;
	[tilespmem:$0x19800] =	vst v63  }
0x62: {  	s22 =	simm.s32 $0xA000  }
0x63: {  	[tilespmem:s22], [sflag:$0x2] =	stream.indirect_vreg.gather [hbm4b:s6+s3], $0x80, v4, vm0, $0xb8;
	[tilespmem:$0x19800] =	vst v63  }
0x64: {  	v4 =	vld [tilespmem:$0x1090];
	_ =	sdelay $0x4  }
0x65: {  	v5 =	vshrl.u32 v4, $0x3  }
0x66: {  	v5 =	vmul.u32 $0x30, v5  }
0x67: {  	v4 =	vand.u32 $0x7, v4  }
0x68: {  	v4 =	vor.u32 v4, v5  }
0x69: {  	v5 =	vperm.xlane v4, v1;
	_ =	sdelay $0x1  }
0x6a: {  	v5 =	vadd.s32 v2, v5;
	_ =	sdelay $0x3  }
0x6b: {  	s26 =	simm.s32 $0xA800;
	v4 =	vperm.xlane v4, v3  }
0x6c: {  	[tilespmem:s26], [sflag:$0x2] =	stream.indirect_vreg.gather [hbm4b:s1+s3], $0x80, v5, vm0, $0xb8;
	[tilespmem:$0x19800] =	vst v63  }
0x6d: {  	s28 =	simm.s32 $0xB000;
	v4 =	vadd.s32 v2, v4  }
0x6e: {  	[tilespmem:s28], [sflag:$0x2] =	stream.indirect_vreg.gather [hbm4b:s5+s3], $0x80, v5, vm0, $0xb8;
	[tilespmem:$0x19800] =	vst v63  }
0x6f: {  	s30 =	simm.s32 $0xB800  }
0x70: {  	[tilespmem:s30], [sflag:$0x2] =	stream.indirect_vreg.gather [hbm4b:s6+s3], $0x80, v5, vm0, $0xb8;
	[tilespmem:$0x19800] =	vst v63  }
0x71: {  	s31 =	simm.s32 $0xC000  }
0x72: {  	[tilespmem:s31], [sflag:$0x2] =	stream.indirect_vreg.gather [hbm4b:s1+s3], $0x80, v4, vm0, $0xb8;
	[tilespmem:$0x19800] =	vst v63  }
0x73: {  	s10 =	simm.s32 $0xC800  }
0x74: {  	[tilespmem:s10], [sflag:$0x2] =	stream.indirect_vreg.gather [hbm4b:s5+s3], $0x80, v4, vm0, $0xb8;
	[tilespmem:$0x19800] =	vst v63  }
0x75: {  	s17 =	simm.s32 $0xD000  }
0x76: {  	[tilespmem:s17], [sflag:$0x2] =	stream.indirect_vreg.gather [hbm4b:s6+s3], $0x80, v4, vm0, $0xb8;
	[tilespmem:$0x19800] =	vst v63  }
0x77: {  	v4 =	vld [tilespmem:$0x1100];
	_ =	sdelay $0x4  }
0x78: {  	v5 =	vshrl.u32 v4, $0x3  }
0x79: {  	v5 =	vmul.u32 $0x30, v5  }
0x7a: {  	v4 =	vand.u32 $0x7, v4  }
0x7b: {  	v4 =	vor.u32 v4, v5  }
0x7c: {  	v5 =	vperm.xlane v4, v1;
	_ =	sdelay $0x1  }
0x7d: {  	v5 =	vadd.s32 v2, v5;
	_ =	sdelay $0x3  }
0x7e: {  	v4 =	vperm.xlane v4, v3  }
0x7f: {  	[tilespmem:s20], [sflag:$0x3] =	stream.indirect_vreg.gather [hbm4b:s1+s3], $0x80, v5, vm0, $0xb8;
	[tilespmem:$0x19800] =	vst v63  }
0x80: {  	s18 =	simm.s32 $0xE000;
	v4 =	vadd.s32 v2, v4  }
0x81: {  	[tilespmem:s18], [sflag:$0x3] =	stream.indirect_vreg.gather [hbm4b:s5+s3], $0x80, v5, vm0, $0xb8;
	[tilespmem:$0x19800] =	vst v63  }
0x82: {  	s19 =	simm.s32 $0xE800  }
0x83: {  	[tilespmem:s19], [sflag:$0x3] =	stream.indirect_vreg.gather [hbm4b:s6+s3], $0x80, v5, vm0, $0xb8;
	[tilespmem:$0x19800] =	vst v63  }
0x84: {  	s20 =	simm.s32 $0xF000  }
0x85: {  	[tilespmem:s20], [sflag:$0x3] =	stream.indirect_vreg.gather [hbm4b:s1+s3], $0x80, v4, vm0, $0xb8;
	[tilespmem:$0x19800] =	vst v63  }
0x86: {  	s21 =	simm.s32 $0xF800  }
0x87: {  	[tilespmem:s21], [sflag:$0x3] =	stream.indirect_vreg.gather [hbm4b:s5+s3], $0x80, v4, vm0, $0xb8;
	[tilespmem:$0x19800] =	vst v63  }
0x88: {  	s22 =	simm.s32 $0x10000  }
0x89: {  	[tilespmem:s22], [sflag:$0x3] =	stream.indirect_vreg.gather [hbm4b:s6+s3], $0x80, v4, vm0, $0xb8;
	[tilespmem:$0x19800] =	vst v63  }
0x8a: {  	v4 =	vld [tilespmem:$0x1110];
	_ =	sdelay $0x4  }
0x8b: {  	v5 =	vshrl.u32 v4, $0x3  }
0x8c: {  	v5 =	vmul.u32 $0x30, v5  }
0x8d: {  	v4 =	vand.u32 $0x7, v4  }
0x8e: {  	v4 =	vor.u32 v4, v5  }
0x8f: {  	v5 =	vperm.xlane v4, v1;
	_ =	sdelay $0x1  }
0x90: {  	v5 =	vadd.s32 v2, v5;
	_ =	sdelay $0x3  }
0x91: {  	s26 =	simm.s32 $0x10800;
	v4 =	vperm.xlane v4, v3  }
0x92: {  	[tilespmem:s26], [sflag:$0x3] =	stream.indirect_vreg.gather [hbm4b:s1+s3], $0x80, v5, vm0, $0xb8;
	[tilespmem:$0x19800] =	vst v63  }
0x93: {  	s28 =	simm.s32 $0x11000;
	v4 =	vadd.s32 v2, v4  }
0x94: {  	[tilespmem:s28], [sflag:$0x3] =	stream.indirect_vreg.gather [hbm4b:s5+s3], $0x80, v5, vm0, $0xb8;
	[tilespmem:$0x19800] =	vst v63  }
0x95: {  	s30 =	simm.s32 $0x11800  }
0x96: {  	[tilespmem:s30], [sflag:$0x3] =	stream.indirect_vreg.gather [hbm4b:s6+s3], $0x80, v5, vm0, $0xb8;
	[tilespmem:$0x19800] =	vst v63  }
0x97: {  	s31 =	simm.s32 $0x12000  }
0x98: {  	[tilespmem:s31], [sflag:$0x3] =	stream.indirect_vreg.gather [hbm4b:s1+s3], $0x80, v4, vm0, $0xb8;
	[tilespmem:$0x19800] =	vst v63  }
0x99: {  	s10 =	simm.s32 $0x12800  }
0x9a: {  	[tilespmem:s10], [sflag:$0x3] =	stream.indirect_vreg.gather [hbm4b:s5+s3], $0x80, v4, vm0, $0xb8;
	[tilespmem:$0x19800] =	vst v63  }
0x9b: {  	s17 =	simm.s32 $0x13000  }
0x9c: {  	[tilespmem:s17], [sflag:$0x3] =	stream.indirect_vreg.gather [hbm4b:s6+s3], $0x80, v4, vm0, $0xb8;
	[tilespmem:$0x19800] =	vst v63  }
0x9d: {  	v4 =	vld [tilespmem:$0x1180];
	_ =	sdelay $0x4  }
0x9e: {  	v5 =	vshrl.u32 v4, $0x3  }
0x9f: {  	v5 =	vmul.u32 $0x30, v5  }
0xa0: {  	v4 =	vand.u32 $0x7, v4  }
0xa1: {  	v4 =	vor.u32 v4, v5  }
0xa2: {  	v5 =	vperm.xlane v4, v1;
	_ =	sdelay $0x1  }
0xa3: {  	v5 =	vadd.s32 v2, v5;
	_ =	sdelay $0x3  }
0xa4: {  	v4 =	vperm.xlane v4, v3  }
0xa5: {  	[tilespmem:s9], [sflag:$0x4] =	stream.indirect_vreg.gather [hbm4b:s1+s3], $0x80, v5, vm0, $0xb8;
	[tilespmem:$0x19800] =	vst v63  }
0xa6: {  	s18 =	simm.s32 $0x14000;
	v4 =	vadd.s32 v2, v4  }
0xa7: {  	[tilespmem:s18], [sflag:$0x4] =	stream.indirect_vreg.gather [hbm4b:s5+s3], $0x80, v5, vm0, $0xb8;
	[tilespmem:$0x19800] =	vst v63  }
0xa8: {  	_ = 	snop  }
0xa9: {  	[tilespmem:s15], [sflag:$0x4] =	stream.indirect_vreg.gather [hbm4b:s6+s3], $0x80, v5, vm0, $0xb8;
	[tilespmem:$0x19800] =	vst v63  }
0xaa: {  	_ = 	snop  }
0xab: {  	[tilespmem:s16], [sflag:$0x4] =	stream.indirect_vreg.gather [hbm4b:s1+s3], $0x80, v4, vm0, $0xb8;
	[tilespmem:$0x19800] =	vst v63  }
0xac: {  	_ = 	snop  }
0xad: {  	[tilespmem:s7], [sflag:$0x4] =	stream.indirect_vreg.gather [hbm4b:s5+s3], $0x80, v4, vm0, $0xb8;
	[tilespmem:$0x19800] =	vst v63  }
0xae: {  	_ = 	snop  }
0xaf: {  	[tilespmem:s8], [sflag:$0x4] =	stream.indirect_vreg.gather [hbm4b:s6+s3], $0x80, v4, vm0, $0xb8;
	[tilespmem:$0x19800] =	vst v63  }
0xb0: {  	v4 =	vld [tilespmem:$0x1190];
	_ =	sdelay $0x4  }
0xb1: {  	v5 =	vshrl.u32 v4, $0x3  }
0xb2: {  	v5 =	vmul.u32 $0x30, v5  }
0xb3: {  	v4 =	vand.u32 $0x7, v4  }
0xb4: {  	v4 =	vor.u32 v4, v5  }
0xb5: {  	v5 =	vperm.xlane v4, v1;
	_ =	sdelay $0x1  }
0xb6: {  	v5 =	vadd.s32 v2, v5;
	_ =	sdelay $0x3  }
0xb7: {  	v4 =	vperm.xlane v4, v3  }
0xb8: {  	[tilespmem:s23], [sflag:$0x4] =	stream.indirect_vreg.gather [hbm4b:s1+s3], $0x80, v5, vm0, $0xb8;
	[tilespmem:$0x19800] =	vst v63  }
0xb9: {  	v4 =	vadd.s32 v2, v4  }
0xba: {  	[tilespmem:s24], [sflag:$0x4] =	stream.indirect_vreg.gather [hbm4b:s5+s3], $0x80, v5, vm0, $0xb8;
	[tilespmem:$0x19800] =	vst v63  }
0xbb: {  	_ = 	snop  }
0xbc: {  	[tilespmem:s25], [sflag:$0x4] =	stream.indirect_vreg.gather [hbm4b:s6+s3], $0x80, v5, vm0, $0xb8;
	[tilespmem:$0x19800] =	vst v63  }
0xbd: {  	_ = 	snop  }
0xbe: {  	[tilespmem:s2], [sflag:$0x4] =	stream.indirect_vreg.gather [hbm4b:s1+s3], $0x80, v4, vm0, $0xb8;
	[tilespmem:$0x19800] =	vst v63  }
0xbf: {  	_ = 	snop  }
0xc0: {  	[tilespmem:s13], [sflag:$0x4] =	stream.indirect_vreg.gather [hbm4b:s5+s3], $0x80, v4, vm0, $0xb8;
	[tilespmem:$0x19800] =	vst v63  }
0xc1: {  	_ = 	snop  }
0xc2: {  	[tilespmem:s14], [sflag:$0x4] =	stream.indirect_vreg.gather [hbm4b:s6+s3], $0x80, v4, vm0, $0xb8;
	[tilespmem:$0x19800] =	vst v63  }
0xc3: {  	s19 =	rddreg [dreg:$0x1a]  }
0xc4: {  	[tilespmem:s3], [sflag:$0x9] =	stream.linear.gather [hbm4b:s19+s3], $0x80, $0x38;
	[tilespmem:$0x19800] =	vst v63  }
0xc5: {  	s20 =	sadd.s32 $0x80, s19;
	s22 =	simm.s32 $0x100  }
0xc6: {  	[tilespmem:s22], [sflag:$0x9] =	stream.linear.gather [hbm4b:s20+s3], $0x80, $0x38;
	[tilespmem:$0x19800] =	vst v63  }
0xc7: {  	s23 =	sadd.s32 $0x100, s19;
	s24 =	simm.s32 $0x200  }
0xc8: {  	[tilespmem:s24], [sflag:$0x9] =	stream.linear.gather [hbm4b:s23+s3], $0x80, $0x38;
	[tilespmem:$0x19800] =	vst v63  }
0xc9: {  	s26 =	simm.s32 $0x300;
	s25 =	sadd.s32 $0x180, s19  }
0xca: {  	[tilespmem:s26], [sflag:$0x9] =	stream.linear.gather [hbm4b:s25+s3], $0x80, $0x38;
	[tilespmem:$0x19800] =	vst v63  }
0xcb: {  	s28 =	sadd.s32 $0x200, s19  }
0xcc: {  	[tilespmem:s11], [sflag:$0x9] =	stream.linear.gather [hbm4b:s28+s3], $0x80, $0x38;
	[tilespmem:$0x19800] =	vst v63  }
0xcd: {  	s30 =	sadd.s32 $0x280, s19;
	s31 =	simm.s32 $0x500  }
0xce: {  	[tilespmem:s31], [sflag:$0x9] =	stream.linear.gather [hbm4b:s30+s3], $0x80, $0x38;
	[tilespmem:$0x19800] =	vst v63  }
0xcf: {  	s7 =	simm.s32 $0x600;
	s2 =	sadd.s32 $0x300, s19  }
0xd0: {  	[tilespmem:s7], [sflag:$0x9] =	stream.linear.gather [hbm4b:s2+s3], $0x80, $0x38;
	[tilespmem:$0x19800] =	vst v63  }
0xd1: {  	s9 =	simm.s32 $0x700;
	s8 =	sadd.s32 $0x380, s19  }
0xd2: {  	[tilespmem:s9], [sflag:$0x9] =	stream.linear.gather [hbm4b:s8+s3], $0x80, $0x38;
	[tilespmem:$0x19800] =	vst v63  }
0xd3: {  	s10 =	rddreg [dreg:$0x1b]  }
0xd4: {  	[tilespmem:s4], [sflag:$0x9] =	stream.linear.gather [hbm4b:s10+s3], $0x80, $0x38;
	[tilespmem:$0x19800] =	vst v63  }
0xd5: {  	s13 =	simm.s32 $0x180;
	s11 =	sadd.s32 $0x80, s10  }
0xd6: {  	[tilespmem:s13], [sflag:$0x9] =	stream.linear.gather [hbm4b:s11+s3], $0x80, $0x38;
	[tilespmem:$0x19800] =	vst v63  }
0xd7: {  	s15 =	simm.s32 $0x280;
	s14 =	sadd.s32 $0x100, s10  }
0xd8: {  	[tilespmem:s15], [sflag:$0x9] =	stream.linear.gather [hbm4b:s14+s3], $0x80, $0x38;
	[tilespmem:$0x19800] =	vst v63  }
0xd9: {  	s17 =	simm.s32 $0x380;
	s16 =	sadd.s32 $0x180, s10  }
0xda: {  	[tilespmem:s17], [sflag:$0x9] =	stream.linear.gather [hbm4b:s16+s3], $0x80, $0x38;
	[tilespmem:$0x19800] =	vst v63  }
0xdb: {  	s18 =	sadd.s32 $0x200, s10;
	s19 =	simm.s32 $0x480  }
0xdc: {  	[tilespmem:s19], [sflag:$0x9] =	stream.linear.gather [hbm4b:s18+s3], $0x80, $0x38;
	[tilespmem:$0x19800] =	vst v63  }
0xdd: {  	s20 =	sadd.s32 $0x280, s10;
	s22 =	simm.s32 $0x580  }
0xde: {  	[tilespmem:s22], [sflag:$0x9] =	stream.linear.gather [hbm4b:s20+s3], $0x80, $0x38;
	[tilespmem:$0x19800] =	vst v63  }
0xdf: {  	s23 =	sadd.s32 $0x300, s10;
	s24 =	simm.s32 $0x680  }
0xe0: {  	[tilespmem:s24], [sflag:$0x9] =	stream.linear.gather [hbm4b:s23+s3], $0x80, $0x38;
	[tilespmem:$0x19800] =	vst v63  }
0xe1: {  	s25 =	sadd.s32 $0x380, s10;
	s26 =	simm.s32 $0x780;
	s28 =	simm.s32 $0x9  }
0xe2: {  	[tilespmem:s26], [sflag:$0x9] =	stream.linear.gather [hbm4b:s25+s3], $0x80, $0x38;
	[tilespmem:$0x19800] =	vst v63  }
0xe3: {  	_ =	swait.ge [sflag:s28], $0x400  }
0xe4: {  	[sflag:s28] =	ssyncset.done $0x0  }
0xe5: {  	[sflag:s28] =	ssyncadd.s32 $0xFFFFFC00  }
0xe6: {  	_ =	swait.ge [sflag:s28], $0x400  }
0xe7: {  	s30 =	sand.u32 $0x70, s3;
	s31 =	sand.u32 $0x700, s3;
	[sflag:s28] =	ssyncset.done $0x0  }
0xe8: {  	s23 =	sor.u32 s30, s31;
	[sflag:s28] =	ssyncadd.s32 $0xFFFFFC00  }
0xe9: {  	v4 =	vld [tilespmem:s23+$0x0];
	_ =	sdelay $0x4  }
0xea: {  	s0 =	simm.s32 $0x400  }
0xeb: {  	s21 =	simm.s32 $0x10;
	s2 =	simm.s32 $0x80;
	s22 =	simm.s32 $0x20  }
0xec: {  	v5 =	vor.u32 s3, v0;
	s24 =	sand.u32 $0x70, s21;
	s25 =	sand.u32 $0x700, s22;
	s23 =	simm.s32 $0x20  }
.LBB2_2:
0xed: {  	p0 =	sne.s32 s23, $0x3F0;
	s24 =	sor.u32 s24, s25;
	[tilespmem:v4+s29+$0x0] =	vst.idx.msk $0xffff, v5;
	s26 =	smov.u32 s21  }
0xee: {  	s21 =	smov.u32 s23;
	v4 =	vld [tilespmem:s24+$0x0];
	_ =	sdelay $0x2  }
.Ltmp0:
0xef: {  	(pc) =	sbr.rel @p0 .LBB2_2-.Ltmp0, $3  }
0xf0: {  	_ =	sdelay $0x1  }
0xf1: {  	s22 =	sadd.s32 $0x20, s22  }
0xf2: {  	s23 =	sadd.s32 $0x10, s23;
	s24 =	sand.u32 $0x70, s21;
	s25 =	sand.u32 $0x700, s22;
	v5 =	vor.u32 s26, v0  }
0xf3: {  	_ =	sdelay $0x3  }
0xf4: {  	s22 =	sor.u32 s24, s25;
	[tilespmem:v4+s29+$0x0] =	vst.idx.msk $0xffff, v5  }
0xf5: {  	v4 =	vld [tilespmem:s22+$0x0];
	_ =	sdelay $0x5  }
0xf6: {  	s26 =	simm.s32 $0x0  }
0xf7: {  	v5 =	vor.u32 s21, v0;
	s30 =	sand.u32 $0x70, s26;
	s31 =	sand.u32 $0x700, s26  }
0xf8: {  	s28 =	rddreg [dreg:$0x7];
	s21 =	sor.u32 s30, s31;
	[tilespmem:v4+s29+$0x0] =	vst.idx.msk $0xffff, v5  }
0xf9: {  	[hbm4b:s28+s2] =	stream.strided.scatter [tilespmem:s29], [sflag:$0xA], $0x400, s0, s2, $0x38;
	[tilespmem:$0x19800] =	vst v63  }
0xfa: {  	v4 =	vld [tilespmem:s21+$0x80];
	_ =	sdelay $0x4  }
0xfb: {  	v4 =	vadd.s32 $0x400, v4;
	_ =	sdelay $0x2  }
0xfc: {  	s22 =	simm.s32 $0x20;
	s21 =	simm.s32 $0x10  }
0xfd: {  	s23 =	simm.s32 $0x20;
	s25 =	sand.u32 $0x700, s22;
	v5 =	vor.u32 s26, v0;
	s24 =	sand.u32 $0x70, s21  }
.LBB2_4:
0xfe: {  	p0 =	sne.s32 s23, $0x3F0;
	s24 =	sor.u32 s24, s25;
	[tilespmem:v4+s29+$0x0] =	vst.idx.msk $0xffff, v5;
	s26 =	smov.u32 s21  }
0xff: {  	s21 =	smov.u32 s23;
	v4 =	vld [tilespmem:s24+$0x80];
	_ =	sdelay $0x4  }
.Ltmp1:
0x100: {  	v4 =	vadd.s32 $0x400, v4;
	(pc) =	sbr.rel @p0 .LBB2_4-.Ltmp1, $3  }
0x101: {  	_ =	sdelay $0x1  }
0x102: {  	s22 =	sadd.s32 $0x20, s22  }
0x103: {  	s23 =	sadd.s32 $0x10, s23;
	s24 =	sand.u32 $0x70, s21;
	s25 =	sand.u32 $0x700, s22;
	v5 =	vor.u32 s26, v0  }
0x104: {  	_ =	sdelay $0x3  }
0x105: {  	s22 =	sor.u32 s24, s25;
	[tilespmem:v4+s29+$0x0] =	vst.idx.msk $0xffff, v5  }
0x106: {  	v4 =	vld [tilespmem:s22+$0x80];
	_ =	sdelay $0x4  }
0x107: {  	v4 =	vadd.s32 $0x400, v4;
	_ =	sdelay $0x3  }
0x108: {  	v5 =	vor.u32 s21, v0  }
0x109: {  	s28 =	rddreg [dreg:$0x9];
	s4 =	simm.s32 $0xC00;
	s26 =	simm.s32 $0x1;
	[tilespmem:v4+s29+$0x0] =	vst.idx.msk $0xffff, v5  }
0x10a: {  	[hbm4b:s28+s2] =	stream.strided.scatter [tilespmem:s4], [sflag:$0xA], $0x400, s0, s2, $0x38;
	[tilespmem:$0x19800] =	vst v63  }
0x10b: {  	_ =	swait.ge [sflag:s26], $0x6000  }
0x10c: {  	s19 =	simm.s32 $0x5;
	[sflag:s26] =	ssyncset.done $0x0  }
0x10d: {  	s28 =	simm.s32 $0x1800;
	s2 =	rddreg [dreg:$0x8];
	[sflag:s26] =	ssyncadd.s32 $0xFFFFA000  }
0x10e: {  	[hbm4b:s2+s3] =	stream.linear.scatter [tilespmem:s28], [sflag:$0x5], $0x6000, $0x38;
	[tilespmem:$0x19800] =	vst v63  }
0x10f: {  	_ =	swait.ge [sflag:s19], $0x6000  }
0x110: {  	[sflag:s19] =	ssyncset.done $0x0  }
0x111: {  	[sflag:s19] =	ssyncadd.s32 $0xFFFFA000  }
0x112: {  	v4 =	vld [tilespmem:$0x1200];
	_ =	sdelay $0x4  }
0x113: {  	v5 =	vshrl.u32 v4, $0x3  }
0x114: {  	v5 =	vmul.u32 $0x30, v5  }
0x115: {  	v4 =	vand.u32 $0x7, v4  }
0x116: {  	v4 =	vor.u32 v4, v5  }
0x117: {  	v5 =	vperm.xlane v4, v1;
	_ =	sdelay $0x1  }
0x118: {  	v5 =	vadd.s32 v2, v5;
	_ =	sdelay $0x3  }
0x119: {  	v4 =	vperm.xlane v4, v3  }
0x11a: {  	[tilespmem:s28], [sflag:$0x1] =	stream.indirect_vreg.gather [hbm4b:s1+s3], $0x80, v5, vm0, $0xb8;
	[tilespmem:$0x19800] =	vst v63  }
0x11b: {  	s8 =	simm.s32 $0x2000;
	v4 =	vadd.s32 v2, v4  }
0x11c: {  	[tilespmem:s8], [sflag:$0x1] =	stream.indirect_vreg.gather [hbm4b:s5+s3], $0x80, v5, vm0, $0xb8;
	[tilespmem:$0x19800] =	vst v63  }
0x11d: {  	s13 =	simm.s32 $0x2800  }
0x11e: {  	[tilespmem:s13], [sflag:$0x1] =	stream.indirect_vreg.gather [hbm4b:s6+s3], $0x80, v5, vm0, $0xb8;
	[tilespmem:$0x19800] =	vst v63  }
0x11f: {  	s14 =	simm.s32 $0x3000  }
0x120: {  	[tilespmem:s14], [sflag:$0x1] =	stream.indirect_vreg.gather [hbm4b:s1+s3], $0x80, v4, vm0, $0xb8;
	[tilespmem:$0x19800] =	vst v63  }
0x121: {  	s15 =	simm.s32 $0x3800  }
0x122: {  	[tilespmem:s15], [sflag:$0x1] =	stream.indirect_vreg.gather [hbm4b:s5+s3], $0x80, v4, vm0, $0xb8;
	[tilespmem:$0x19800] =	vst v63  }
0x123: {  	s7 =	simm.s32 $0x4000  }
0x124: {  	[tilespmem:s7], [sflag:$0x1] =	stream.indirect_vreg.gather [hbm4b:s6+s3], $0x80, v4, vm0, $0xb8;
	[tilespmem:$0x19800] =	vst v63  }
0x125: {  	v4 =	vld [tilespmem:$0x1210];
	_ =	sdelay $0x4  }
0x126: {  	v5 =	vshrl.u32 v4, $0x3  }
0x127: {  	v5 =	vmul.u32 $0x30, v5  }
0x128: {  	v4 =	vand.u32 $0x7, v4  }
0x129: {  	v4 =	vor.u32 v4, v5  }
0x12a: {  	v5 =	vperm.xlane v4, v1;
	_ =	sdelay $0x1  }
0x12b: {  	v5 =	vadd.s32 v2, v5;
	_ =	sdelay $0x3  }
0x12c: {  	v4 =	vperm.xlane v4, v3  }
0x12d: {  	[tilespmem:s12], [sflag:$0x1] =	stream.indirect_vreg.gather [hbm4b:s1+s3], $0x80, v5, vm0, $0xb8;
	[tilespmem:$0x19800] =	vst v63  }
0x12e: {  	s10 =	simm.s32 $0x5000;
	v4 =	vadd.s32 v2, v4  }
0x12f: {  	[tilespmem:s10], [sflag:$0x1] =	stream.indirect_vreg.gather [hbm4b:s5+s3], $0x80, v5, vm0, $0xb8;
	[tilespmem:$0x19800] =	vst v63  }
0x130: {  	s0 =	simm.s32 $0x5800  }
0x131: {  	[tilespmem:s0], [sflag:$0x1] =	stream.indirect_vreg.gather [hbm4b:s6+s3], $0x80, v5, vm0, $0xb8;
	[tilespmem:$0x19800] =	vst v63  }
0x132: {  	s2 =	simm.s32 $0x6000  }
0x133: {  	[tilespmem:s2], [sflag:$0x1] =	stream.indirect_vreg.gather [hbm4b:s1+s3], $0x80, v4, vm0, $0xb8;
	[tilespmem:$0x19800] =	vst v63  }
0x134: {  	s4 =	simm.s32 $0x6800  }
0x135: {  	[tilespmem:s4], [sflag:$0x1] =	stream.indirect_vreg.gather [hbm4b:s5+s3], $0x80, v4, vm0, $0xb8;
	[tilespmem:$0x19800] =	vst v63  }
0x136: {  	s9 =	simm.s32 $0x7000;
	s31 =	simm.s32 $0x2  }
0x137: {  	[tilespmem:s9], [sflag:$0x1] =	stream.indirect_vreg.gather [hbm4b:s6+s3], $0x80, v4, vm0, $0xb8;
	[tilespmem:$0x19800] =	vst v63  }
0x138: {  	_ =	swait.ge [sflag:s31], $0x6000  }
0x139: {  	s30 =	simm.s32 $0x7800;
	[sflag:s31] =	ssyncset.done $0x0  }
0x13a: {  	s17 =	simm.s32 $0x6;
	s11 =	rddreg [dreg:$0xa];
	[sflag:s31] =	ssyncadd.s32 $0xFFFFA000  }
0x13b: {  	[hbm4b:s11+s3] =	stream.linear.scatter [tilespmem:s30], [sflag:$0x6], $0x6000, $0x38;
	[tilespmem:$0x19800] =	vst v63  }
0x13c: {  	_ =	swait.ge [sflag:s17], $0x6000  }
0x13d: {  	[sflag:s17] =	ssyncset.done $0x0  }
0x13e: {  	[sflag:s17] =	ssyncadd.s32 $0xFFFFA000  }
0x13f: {  	v4 =	vld [tilespmem:$0x1280];
	_ =	sdelay $0x4  }
0x140: {  	v5 =	vshrl.u32 v4, $0x3  }
0x141: {  	v5 =	vmul.u32 $0x30, v5  }
0x142: {  	v4 =	vand.u32 $0x7, v4  }
0x143: {  	v4 =	vor.u32 v4, v5  }
0x144: {  	v5 =	vperm.xlane v4, v1;
	_ =	sdelay $0x1  }
0x145: {  	v5 =	vadd.s32 v2, v5;
	_ =	sdelay $0x3  }
0x146: {  	v4 =	vperm.xlane v4, v3  }
0x147: {  	[tilespmem:s30], [sflag:$0x2] =	stream.indirect_vreg.gather [hbm4b:s1+s3], $0x80, v5, vm0, $0xb8;
	[tilespmem:$0x19800] =	vst v63  }
0x148: {  	s16 =	simm.s32 $0x8000;
	v4 =	vadd.s32 v2, v4  }
0x149: {  	[tilespmem:s16], [sflag:$0x2] =	stream.indirect_vreg.gather [hbm4b:s5+s3], $0x80, v5, vm0, $0xb8;
	[tilespmem:$0x19800] =	vst v63  }
0x14a: {  	s23 =	simm.s32 $0x8800  }
0x14b: {  	[tilespmem:s23], [sflag:$0x2] =	stream.indirect_vreg.gather [hbm4b:s6+s3], $0x80, v5, vm0, $0xb8;
	[tilespmem:$0x19800] =	vst v63  }
0x14c: {  	s24 =	simm.s32 $0x9000  }
0x14d: {  	[tilespmem:s24], [sflag:$0x2] =	stream.indirect_vreg.gather [hbm4b:s1+s3], $0x80, v4, vm0, $0xb8;
	[tilespmem:$0x19800] =	vst v63  }
0x14e: {  	s25 =	simm.s32 $0x9800  }
0x14f: {  	[tilespmem:s25], [sflag:$0x2] =	stream.indirect_vreg.gather [hbm4b:s5+s3], $0x80, v4, vm0, $0xb8;
	[tilespmem:$0x19800] =	vst v63  }
0x150: {  	s12 =	simm.s32 $0xA000  }
0x151: {  	[tilespmem:s12], [sflag:$0x2] =	stream.indirect_vreg.gather [hbm4b:s6+s3], $0x80, v4, vm0, $0xb8;
	[tilespmem:$0x19800] =	vst v63  }
0x152: {  	v4 =	vld [tilespmem:$0x1290];
	_ =	sdelay $0x4  }
0x153: {  	v5 =	vshrl.u32 v4, $0x3  }
0x154: {  	v5 =	vmul.u32 $0x30, v5  }
0x155: {  	v4 =	vand.u32 $0x7, v4  }
0x156: {  	v4 =	vor.u32 v4, v5  }
0x157: {  	v5 =	vperm.xlane v4, v1;
	_ =	sdelay $0x1  }
0x158: {  	v5 =	vadd.s32 v2, v5;
	_ =	sdelay $0x3  }
0x159: {  	s18 =	simm.s32 $0xA800;
	v4 =	vperm.xlane v4, v3  }
0x15a: {  	[tilespmem:s18], [sflag:$0x2] =	stream.indirect_vreg.gather [hbm4b:s1+s3], $0x80, v5, vm0, $0xb8;
	[tilespmem:$0x19800] =	vst v63  }
0x15b: {  	s20 =	simm.s32 $0xB000;
	v4 =	vadd.s32 v2, v4  }
0x15c: {  	[tilespmem:s20], [sflag:$0x2] =	stream.indirect_vreg.gather [hbm4b:s5+s3], $0x80, v5, vm0, $0xb8;
	[tilespmem:$0x19800] =	vst v63  }
0x15d: {  	s21 =	simm.s32 $0xB800  }
0x15e: {  	[tilespmem:s21], [sflag:$0x2] =	stream.indirect_vreg.gather [hbm4b:s6+s3], $0x80, v5, vm0, $0xb8;
	[tilespmem:$0x19800] =	vst v63  }
0x15f: {  	s22 =	simm.s32 $0xC000  }
0x160: {  	[tilespmem:s22], [sflag:$0x2] =	stream.indirect_vreg.gather [hbm4b:s1+s3], $0x80, v4, vm0, $0xb8;
	[tilespmem:$0x19800] =	vst v63  }
0x161: {  	s9 =	simm.s32 $0xC800  }
0x162: {  	[tilespmem:s9], [sflag:$0x2] =	stream.indirect_vreg.gather [hbm4b:s5+s3], $0x80, v4, vm0, $0xb8;
	[tilespmem:$0x19800] =	vst v63  }
0x163: {  	s11 =	simm.s32 $0xD000;
	s18 =	simm.s32 $0x3  }
0x164: {  	[tilespmem:s11], [sflag:$0x2] =	stream.indirect_vreg.gather [hbm4b:s6+s3], $0x80, v4, vm0, $0xb8;
	[tilespmem:$0x19800] =	vst v63  }
0x165: {  	_ =	swait.ge [sflag:s18], $0x6000  }
0x166: {  	s4 =	simm.s32 $0x7;
	[sflag:s18] =	ssyncset.done $0x0  }
0x167: {  	s20 =	simm.s32 $0xD800;
	s12 =	rddreg [dreg:$0xb];
	[sflag:s18] =	ssyncadd.s32 $0xFFFFA000  }
0x168: {  	[hbm4b:s12+s3] =	stream.linear.scatter [tilespmem:s20], [sflag:$0x7], $0x6000, $0x38;
	[tilespmem:$0x19800] =	vst v63  }
0x169: {  	_ =	swait.ge [sflag:s4], $0x6000  }
0x16a: {  	[sflag:s4] =	ssyncset.done $0x0  }
0x16b: {  	[sflag:s4] =	ssyncadd.s32 $0xFFFFA000  }
0x16c: {  	v4 =	vld [tilespmem:$0x1300];
	_ =	sdelay $0x4  }
0x16d: {  	v5 =	vshrl.u32 v4, $0x3  }
0x16e: {  	v5 =	vmul.u32 $0x30, v5  }
0x16f: {  	v4 =	vand.u32 $0x7, v4  }
0x170: {  	v4 =	vor.u32 v4, v5  }
0x171: {  	v5 =	vperm.xlane v4, v1;
	_ =	sdelay $0x1  }
0x172: {  	v5 =	vadd.s32 v2, v5;
	_ =	sdelay $0x3  }
0x173: {  	v4 =	vperm.xlane v4, v3  }
0x174: {  	[tilespmem:s20], [sflag:$0x3] =	stream.indirect_vreg.gather [hbm4b:s1+s3], $0x80, v5, vm0, $0xb8;
	[tilespmem:$0x19800] =	vst v63  }
0x175: {  	s9 =	simm.s32 $0xE000;
	v4 =	vadd.s32 v2, v4  }
0x176: {  	[tilespmem:s9], [sflag:$0x3] =	stream.indirect_vreg.gather [hbm4b:s5+s3], $0x80, v5, vm0, $0xb8;
	[tilespmem:$0x19800] =	vst v63  }
0x177: {  	s22 =	simm.s32 $0xE800  }
0x178: {  	[tilespmem:s22], [sflag:$0x3] =	stream.indirect_vreg.gather [hbm4b:s6+s3], $0x80, v5, vm0, $0xb8;
	[tilespmem:$0x19800] =	vst v63  }
0x179: {  	s11 =	simm.s32 $0xF000  }
0x17a: {  	[tilespmem:s11], [sflag:$0x3] =	stream.indirect_vreg.gather [hbm4b:s1+s3], $0x80, v4, vm0, $0xb8;
	[tilespmem:$0x19800] =	vst v63  }
0x17b: {  	s12 =	simm.s32 $0xF800  }
0x17c: {  	[tilespmem:s12], [sflag:$0x3] =	stream.indirect_vreg.gather [hbm4b:s5+s3], $0x80, v4, vm0, $0xb8;
	[tilespmem:$0x19800] =	vst v63  }
0x17d: {  	s21 =	simm.s32 $0x10000  }
0x17e: {  	[tilespmem:s21], [sflag:$0x3] =	stream.indirect_vreg.gather [hbm4b:s6+s3], $0x80, v4, vm0, $0xb8;
	[tilespmem:$0x19800] =	vst v63  }
0x17f: {  	v4 =	vld [tilespmem:$0x1310];
	_ =	sdelay $0x4  }
0x180: {  	v5 =	vshrl.u32 v4, $0x3  }
0x181: {  	v5 =	vmul.u32 $0x30, v5  }
0x182: {  	v4 =	vand.u32 $0x7, v4  }
0x183: {  	v4 =	vor.u32 v4, v5  }
0x184: {  	v5 =	vperm.xlane v4, v1;
	_ =	sdelay $0x1  }
0x185: {  	v5 =	vadd.s32 v2, v5;
	_ =	sdelay $0x3  }
0x186: {  	s22 =	simm.s32 $0x10800;
	v4 =	vperm.xlane v4, v3  }
0x187: {  	[tilespmem:s22], [sflag:$0x3] =	stream.indirect_vreg.gather [hbm4b:s1+s3], $0x80, v5, vm0, $0xb8;
	[tilespmem:$0x19800] =	vst v63  }
0x188: {  	s11 =	simm.s32 $0x11000;
	v4 =	vadd.s32 v2, v4  }
0x189: {  	[tilespmem:s11], [sflag:$0x3] =	stream.indirect_vreg.gather [hbm4b:s5+s3], $0x80, v5, vm0, $0xb8;
	[tilespmem:$0x19800] =	vst v63  }
0x18a: {  	s12 =	simm.s32 $0x11800  }
0x18b: {  	[tilespmem:s12], [sflag:$0x3] =	stream.indirect_vreg.gather [hbm4b:s6+s3], $0x80, v5, vm0, $0xb8;
	[tilespmem:$0x19800] =	vst v63  }
0x18c: {  	s21 =	simm.s32 $0x12000  }
0x18d: {  	[tilespmem:s21], [sflag:$0x3] =	stream.indirect_vreg.gather [hbm4b:s1+s3], $0x80, v4, vm0, $0xb8;
	[tilespmem:$0x19800] =	vst v63  }
0x18e: {  	s22 =	simm.s32 $0x12800  }
0x18f: {  	[tilespmem:s22], [sflag:$0x3] =	stream.indirect_vreg.gather [hbm4b:s5+s3], $0x80, v4, vm0, $0xb8;
	[tilespmem:$0x19800] =	vst v63  }
0x190: {  	s11 =	simm.s32 $0x13000  }
0x191: {  	[tilespmem:s11], [sflag:$0x3] =	stream.indirect_vreg.gather [hbm4b:s6+s3], $0x80, v4, vm0, $0xb8;
	[tilespmem:$0x19800] =	vst v63  }
0x192: {  	s11 =	simm.s32 $0x4  }
0x193: {  	_ =	swait.ge [sflag:s11], $0x6000  }
0x194: {  	[sflag:s11] =	ssyncset.done $0x0  }
0x195: {  	s9 =	simm.s32 $0x13800;
	s12 =	rddreg [dreg:$0xc];
	[sflag:s11] =	ssyncadd.s32 $0xFFFFA000  }
0x196: {  	[hbm4b:s12+s3] =	stream.linear.scatter [tilespmem:s9], [sflag:$0x8], $0x6000, $0x38;
	[tilespmem:$0x19800] =	vst v63  }
0x197: {  	s12 =	simm.s32 $0x8  }
0x198: {  	_ =	swait.ge [sflag:s12], $0x6000  }
0x199: {  	[sflag:s12] =	ssyncset.done $0x0  }
0x19a: {  	[sflag:s12] =	ssyncadd.s32 $0xFFFFA000  }
0x19b: {  	v4 =	vld [tilespmem:$0x1380];
	_ =	sdelay $0x4  }
0x19c: {  	v5 =	vshrl.u32 v4, $0x3  }
0x19d: {  	v5 =	vmul.u32 $0x30, v5  }
0x19e: {  	v4 =	vand.u32 $0x7, v4  }
0x19f: {  	v4 =	vor.u32 v4, v5  }
0x1a0: {  	v5 =	vperm.xlane v4, v1;
	_ =	sdelay $0x1  }
0x1a1: {  	v5 =	vadd.s32 v2, v5;
	_ =	sdelay $0x3  }
0x1a2: {  	v4 =	vperm.xlane v4, v3  }
0x1a3: {  	[tilespmem:s9], [sflag:$0x4] =	stream.indirect_vreg.gather [hbm4b:s1+s3], $0x80, v5, vm0, $0xb8;
	[tilespmem:$0x19800] =	vst v63  }
0x1a4: {  	s21 =	simm.s32 $0x14000;
	v4 =	vadd.s32 v2, v4  }
0x1a5: {  	[tilespmem:s21], [sflag:$0x4] =	stream.indirect_vreg.gather [hbm4b:s5+s3], $0x80, v5, vm0, $0xb8;
	[tilespmem:$0x19800] =	vst v63  }
0x1a6: {  	s21 =	simm.s32 $0x14800  }
0x1a7: {  	[tilespmem:s21], [sflag:$0x4] =	stream.indirect_vreg.gather [hbm4b:s6+s3], $0x80, v5, vm0, $0xb8;
	[tilespmem:$0x19800] =	vst v63  }
0x1a8: {  	s21 =	simm.s32 $0x15000  }
0x1a9: {  	[tilespmem:s21], [sflag:$0x4] =	stream.indirect_vreg.gather [hbm4b:s1+s3], $0x80, v4, vm0, $0xb8;
	[tilespmem:$0x19800] =	vst v63  }
0x1aa: {  	s21 =	simm.s32 $0x15800  }
0x1ab: {  	[tilespmem:s21], [sflag:$0x4] =	stream.indirect_vreg.gather [hbm4b:s5+s3], $0x80, v4, vm0, $0xb8;
	[tilespmem:$0x19800] =	vst v63  }
0x1ac: {  	s21 =	simm.s32 $0x16000  }
0x1ad: {  	[tilespmem:s21], [sflag:$0x4] =	stream.indirect_vreg.gather [hbm4b:s6+s3], $0x80, v4, vm0, $0xb8;
	[tilespmem:$0x19800] =	vst v63  }
0x1ae: {  	v4 =	vld [tilespmem:$0x1390];
	_ =	sdelay $0x4  }
0x1af: {  	v5 =	vshrl.u32 v4, $0x3  }
0x1b0: {  	v5 =	vmul.u32 $0x30, v5  }
0x1b1: {  	v4 =	vand.u32 $0x7, v4  }
0x1b2: {  	v4 =	vor.u32 v4, v5  }
0x1b3: {  	v5 =	vperm.xlane v4, v1;
	_ =	sdelay $0x1  }
0x1b4: {  	v5 =	vadd.s32 v2, v5;
	_ =	sdelay $0x3  }
0x1b5: {  	s21 =	simm.s32 $0x16800;
	v4 =	vperm.xlane v4, v3  }
0x1b6: {  	[tilespmem:s21], [sflag:$0x4] =	stream.indirect_vreg.gather [hbm4b:s1+s3], $0x80, v5, vm0, $0xb8;
	[tilespmem:$0x19800] =	vst v63  }
0x1b7: {  	v4 =	vadd.s32 v2, v4;
	s21 =	simm.s32 $0x17000  }
0x1b8: {  	[tilespmem:s21], [sflag:$0x4] =	stream.indirect_vreg.gather [hbm4b:s5+s3], $0x80, v5, vm0, $0xb8;
	[tilespmem:$0x19800] =	vst v63  }
0x1b9: {  	s21 =	simm.s32 $0x17800  }
0x1ba: {  	[tilespmem:s21], [sflag:$0x4] =	stream.indirect_vreg.gather [hbm4b:s6+s3], $0x80, v5, vm0, $0xb8;
	[tilespmem:$0x19800] =	vst v63  }
0x1bb: {  	s21 =	simm.s32 $0x18000  }
0x1bc: {  	[tilespmem:s21], [sflag:$0x4] =	stream.indirect_vreg.gather [hbm4b:s1+s3], $0x80, v4, vm0, $0xb8;
	[tilespmem:$0x19800] =	vst v63  }
0x1bd: {  	s21 =	simm.s32 $0x18800  }
0x1be: {  	[tilespmem:s21], [sflag:$0x4] =	stream.indirect_vreg.gather [hbm4b:s5+s3], $0x80, v4, vm0, $0xb8;
	[tilespmem:$0x19800] =	vst v63  }
0x1bf: {  	s21 =	simm.s32 $0x19000  }
0x1c0: {  	[tilespmem:s21], [sflag:$0x4] =	stream.indirect_vreg.gather [hbm4b:s6+s3], $0x80, v4, vm0, $0xb8;
	[tilespmem:$0x19800] =	vst v63  }
0x1c1: {  	_ =	swait.ge [sflag:s26], $0x6000  }
0x1c2: {  	[sflag:s26] =	ssyncset.done $0x0  }
0x1c3: {  	s21 =	rddreg [dreg:$0x18];
	[sflag:s26] =	ssyncadd.s32 $0xFFFFA000  }
0x1c4: {  	[hbm4b:s21+s3] =	stream.linear.scatter [tilespmem:s28], [sflag:$0x5], $0x6000, $0x38;
	[tilespmem:$0x19800] =	vst v63  }
0x1c5: {  	_ =	swait.ge [sflag:s19], $0x6000  }
0x1c6: {  	[sflag:s19] =	ssyncset.done $0x0  }
0x1c7: {  	[sflag:s19] =	ssyncadd.s32 $0xFFFFA000  }
0x1c8: {  	v4 =	vld [tilespmem:$0x1400];
	_ =	sdelay $0x4  }
0x1c9: {  	v5 =	vshrl.u32 v4, $0x3  }
0x1ca: {  	v5 =	vmul.u32 $0x30, v5  }
0x1cb: {  	v4 =	vand.u32 $0x7, v4  }
0x1cc: {  	v4 =	vor.u32 v4, v5  }
0x1cd: {  	v5 =	vperm.xlane v4, v1;
	_ =	sdelay $0x1  }
0x1ce: {  	v5 =	vadd.s32 v2, v5;
	_ =	sdelay $0x3  }
0x1cf: {  	v4 =	vperm.xlane v4, v3  }
0x1d0: {  	[tilespmem:s28], [sflag:$0x1] =	stream.indirect_vreg.gather [hbm4b:s1+s3], $0x80, v5, vm0, $0xb8;
	[tilespmem:$0x19800] =	vst v63  }
0x1d1: {  	v4 =	vadd.s32 v2, v4  }
0x1d2: {  	[tilespmem:s8], [sflag:$0x1] =	stream.indirect_vreg.gather [hbm4b:s5+s3], $0x80, v5, vm0, $0xb8;
	[tilespmem:$0x19800] =	vst v63  }
0x1d3: {  	_ = 	snop  }
0x1d4: {  	[tilespmem:s13], [sflag:$0x1] =	stream.indirect_vreg.gather [hbm4b:s6+s3], $0x80, v5, vm0, $0xb8;
	[tilespmem:$0x19800] =	vst v63  }
0x1d5: {  	_ = 	snop  }
0x1d6: {  	[tilespmem:s14], [sflag:$0x1] =	stream.indirect_vreg.gather [hbm4b:s1+s3], $0x80, v4, vm0, $0xb8;
	[tilespmem:$0x19800] =	vst v63  }
0x1d7: {  	_ = 	snop  }
0x1d8: {  	[tilespmem:s15], [sflag:$0x1] =	stream.indirect_vreg.gather [hbm4b:s5+s3], $0x80, v4, vm0, $0xb8;
	[tilespmem:$0x19800] =	vst v63  }
0x1d9: {  	_ = 	snop  }
0x1da: {  	[tilespmem:s7], [sflag:$0x1] =	stream.indirect_vreg.gather [hbm4b:s6+s3], $0x80, v4, vm0, $0xb8;
	[tilespmem:$0x19800] =	vst v63  }
0x1db: {  	v4 =	vld [tilespmem:$0x1410];
	_ =	sdelay $0x4  }
0x1dc: {  	v5 =	vshrl.u32 v4, $0x3  }
0x1dd: {  	v5 =	vmul.u32 $0x30, v5  }
0x1de: {  	v4 =	vand.u32 $0x7, v4  }
0x1df: {  	v4 =	vor.u32 v4, v5  }
0x1e0: {  	v5 =	vperm.xlane v4, v1;
	_ =	sdelay $0x1  }
0x1e1: {  	v5 =	vadd.s32 v2, v5;
	_ =	sdelay $0x3  }
0x1e2: {  	s22 =	simm.s32 $0x4800;
	v4 =	vperm.xlane v4, v3  }
0x1e3: {  	[tilespmem:s22], [sflag:$0x1] =	stream.indirect_vreg.gather [hbm4b:s1+s3], $0x80, v5, vm0, $0xb8;
	[tilespmem:$0x19800] =	vst v63  }
0x1e4: {  	v4 =	vadd.s32 v2, v4  }
0x1e5: {  	[tilespmem:s10], [sflag:$0x1] =	stream.indirect_vreg.gather [hbm4b:s5+s3], $0x80, v5, vm0, $0xb8;
	[tilespmem:$0x19800] =	vst v63  }
0x1e6: {  	_ = 	snop  }
0x1e7: {  	[tilespmem:s0], [sflag:$0x1] =	stream.indirect_vreg.gather [hbm4b:s6+s3], $0x80, v5, vm0, $0xb8;
	[tilespmem:$0x19800] =	vst v63  }
0x1e8: {  	_ = 	snop  }
0x1e9: {  	[tilespmem:s2], [sflag:$0x1] =	stream.indirect_vreg.gather [hbm4b:s1+s3], $0x80, v4, vm0, $0xb8;
	[tilespmem:$0x19800] =	vst v63  }
0x1ea: {  	s2 =	simm.s32 $0x6800  }
0x1eb: {  	[tilespmem:s2], [sflag:$0x1] =	stream.indirect_vreg.gather [hbm4b:s5+s3], $0x80, v4, vm0, $0xb8;
	[tilespmem:$0x19800] =	vst v63  }
0x1ec: {  	s21 =	simm.s32 $0x7000  }
0x1ed: {  	[tilespmem:s21], [sflag:$0x1] =	stream.indirect_vreg.gather [hbm4b:s6+s3], $0x80, v4, vm0, $0xb8;
	[tilespmem:$0x19800] =	vst v63  }
0x1ee: {  	_ =	swait.ge [sflag:s31], $0x6000  }
0x1ef: {  	[sflag:s31] =	ssyncset.done $0x0  }
0x1f0: {  	s10 =	rddreg [dreg:$0x19];
	[sflag:s31] =	ssyncadd.s32 $0xFFFFA000  }
0x1f1: {  	[hbm4b:s10+s3] =	stream.linear.scatter [tilespmem:s30], [sflag:$0x6], $0x6000, $0x38;
	[tilespmem:$0x19800] =	vst v63  }
0x1f2: {  	_ =	swait.ge [sflag:s17], $0x6000  }
0x1f3: {  	[sflag:s17] =	ssyncset.done $0x0  }
0x1f4: {  	[sflag:s17] =	ssyncadd.s32 $0xFFFFA000  }
0x1f5: {  	v4 =	vld [tilespmem:$0x1480];
	_ =	sdelay $0x4  }
0x1f6: {  	v5 =	vshrl.u32 v4, $0x3  }
0x1f7: {  	v5 =	vmul.u32 $0x30, v5  }
0x1f8: {  	v4 =	vand.u32 $0x7, v4  }
0x1f9: {  	v4 =	vor.u32 v4, v5  }
0x1fa: {  	v5 =	vperm.xlane v4, v1;
	_ =	sdelay $0x1  }
0x1fb: {  	v5 =	vadd.s32 v2, v5;
	_ =	sdelay $0x3  }
0x1fc: {  	v4 =	vperm.xlane v4, v3  }
0x1fd: {  	[tilespmem:s30], [sflag:$0x2] =	stream.indirect_vreg.gather [hbm4b:s1+s3], $0x80, v5, vm0, $0xb8;
	[tilespmem:$0x19800] =	vst v63  }
0x1fe: {  	v4 =	vadd.s32 v2, v4  }
0x1ff: {  	[tilespmem:s16], [sflag:$0x2] =	stream.indirect_vreg.gather [hbm4b:s5+s3], $0x80, v5, vm0, $0xb8;
	[tilespmem:$0x19800] =	vst v63  }
0x200: {  	_ = 	snop  }
0x201: {  	[tilespmem:s23], [sflag:$0x2] =	stream.indirect_vreg.gather [hbm4b:s6+s3], $0x80, v5, vm0, $0xb8;
	[tilespmem:$0x19800] =	vst v63  }
0x202: {  	_ = 	snop  }
0x203: {  	[tilespmem:s24], [sflag:$0x2] =	stream.indirect_vreg.gather [hbm4b:s1+s3], $0x80, v4, vm0, $0xb8;
	[tilespmem:$0x19800] =	vst v63  }
0x204: {  	_ = 	snop  }
0x205: {  	[tilespmem:s25], [sflag:$0x2] =	stream.indirect_vreg.gather [hbm4b:s5+s3], $0x80, v4, vm0, $0xb8;
	[tilespmem:$0x19800] =	vst v63  }
0x206: {  	s21 =	simm.s32 $0xA000  }
0x207: {  	[tilespmem:s21], [sflag:$0x2] =	stream.indirect_vreg.gather [hbm4b:s6+s3], $0x80, v4, vm0, $0xb8;
	[tilespmem:$0x19800] =	vst v63  }
0x208: {  	v4 =	vld [tilespmem:$0x1490];
	_ =	sdelay $0x4  }
0x209: {  	v5 =	vshrl.u32 v4, $0x3  }
0x20a: {  	v5 =	vmul.u32 $0x30, v5  }
0x20b: {  	v4 =	vand.u32 $0x7, v4  }
0x20c: {  	v4 =	vor.u32 v4, v5  }
0x20d: {  	v5 =	vperm.xlane v4, v1;
	_ =	sdelay $0x1  }
0x20e: {  	v5 =	vadd.s32 v2, v5;
	_ =	sdelay $0x3  }
0x20f: {  	s10 =	simm.s32 $0xA800;
	v4 =	vperm.xlane v4, v3  }
0x210: {  	[tilespmem:s10], [sflag:$0x2] =	stream.indirect_vreg.gather [hbm4b:s1+s3], $0x80, v5, vm0, $0xb8;
	[tilespmem:$0x19800] =	vst v63  }
0x211: {  	s21 =	simm.s32 $0xB000;
	v4 =	vadd.s32 v2, v4  }
0x212: {  	[tilespmem:s21], [sflag:$0x2] =	stream.indirect_vreg.gather [hbm4b:s5+s3], $0x80, v5, vm0, $0xb8;
	[tilespmem:$0x19800] =	vst v63  }
0x213: {  	s10 =	simm.s32 $0xB800  }
0x214: {  	[tilespmem:s10], [sflag:$0x2] =	stream.indirect_vreg.gather [hbm4b:s6+s3], $0x80, v5, vm0, $0xb8;
	[tilespmem:$0x19800] =	vst v63  }
0x215: {  	s21 =	simm.s32 $0xC000  }
0x216: {  	[tilespmem:s21], [sflag:$0x2] =	stream.indirect_vreg.gather [hbm4b:s1+s3], $0x80, v4, vm0, $0xb8;
	[tilespmem:$0x19800] =	vst v63  }
0x217: {  	s10 =	simm.s32 $0xC800  }
0x218: {  	[tilespmem:s10], [sflag:$0x2] =	stream.indirect_vreg.gather [hbm4b:s5+s3], $0x80, v4, vm0, $0xb8;
	[tilespmem:$0x19800] =	vst v63  }
0x219: {  	s21 =	simm.s32 $0xD000  }
0x21a: {  	[tilespmem:s21], [sflag:$0x2] =	stream.indirect_vreg.gather [hbm4b:s6+s3], $0x80, v4, vm0, $0xb8;
	[tilespmem:$0x19800] =	vst v63  }
0x21b: {  	_ =	swait.ge [sflag:s18], $0x6000  }
0x21c: {  	[sflag:s18] =	ssyncset.done $0x0  }
0x21d: {  	s10 =	rddreg [dreg:$0xd];
	[sflag:s18] =	ssyncadd.s32 $0xFFFFA000  }
0x21e: {  	[hbm4b:s10+s3] =	stream.linear.scatter [tilespmem:s20], [sflag:$0x7], $0x6000, $0x38;
	[tilespmem:$0x19800] =	vst v63  }
0x21f: {  	_ =	swait.ge [sflag:s4], $0x6000  }
0x220: {  	[sflag:s4] =	ssyncset.done $0x0  }
0x221: {  	[sflag:s4] =	ssyncadd.s32 $0xFFFFA000  }
0x222: {  	v4 =	vld [tilespmem:$0x1500];
	_ =	sdelay $0x4  }
0x223: {  	v5 =	vshrl.u32 v4, $0x3  }
0x224: {  	v5 =	vmul.u32 $0x30, v5  }
0x225: {  	v4 =	vand.u32 $0x7, v4  }
0x226: {  	v4 =	vor.u32 v4, v5  }
0x227: {  	v5 =	vperm.xlane v4, v1;
	_ =	sdelay $0x1  }
0x228: {  	v5 =	vadd.s32 v2, v5;
	_ =	sdelay $0x3  }
0x229: {  	v4 =	vperm.xlane v4, v3  }
0x22a: {  	[tilespmem:s20], [sflag:$0x3] =	stream.indirect_vreg.gather [hbm4b:s1+s3], $0x80, v5, vm0, $0xb8;
	[tilespmem:$0x19800] =	vst v63  }
0x22b: {  	s21 =	simm.s32 $0xE000;
	v4 =	vadd.s32 v2, v4  }
0x22c: {  	[tilespmem:s21], [sflag:$0x3] =	stream.indirect_vreg.gather [hbm4b:s5+s3], $0x80, v5, vm0, $0xb8;
	[tilespmem:$0x19800] =	vst v63  }
0x22d: {  	s10 =	simm.s32 $0xE800  }
0x22e: {  	[tilespmem:s10], [sflag:$0x3] =	stream.indirect_vreg.gather [hbm4b:s6+s3], $0x80, v5, vm0, $0xb8;
	[tilespmem:$0x19800] =	vst v63  }
0x22f: {  	s21 =	simm.s32 $0xF000  }
0x230: {  	[tilespmem:s21], [sflag:$0x3] =	stream.indirect_vreg.gather [hbm4b:s1+s3], $0x80, v4, vm0, $0xb8;
	[tilespmem:$0x19800] =	vst v63  }
0x231: {  	s10 =	simm.s32 $0xF800  }
0x232: {  	[tilespmem:s10], [sflag:$0x3] =	stream.indirect_vreg.gather [hbm4b:s5+s3], $0x80, v4, vm0, $0xb8;
	[tilespmem:$0x19800] =	vst v63  }
0x233: {  	s21 =	simm.s32 $0x10000  }
0x234: {  	[tilespmem:s21], [sflag:$0x3] =	stream.indirect_vreg.gather [hbm4b:s6+s3], $0x80, v4, vm0, $0xb8;
	[tilespmem:$0x19800] =	vst v63  }
0x235: {  	v4 =	vld [tilespmem:$0x1510];
	_ =	sdelay $0x4  }
0x236: {  	v5 =	vshrl.u32 v4, $0x3  }
0x237: {  	v5 =	vmul.u32 $0x30, v5  }
0x238: {  	v4 =	vand.u32 $0x7, v4  }
0x239: {  	v4 =	vor.u32 v4, v5  }
0x23a: {  	v5 =	vperm.xlane v4, v1;
	_ =	sdelay $0x1  }
0x23b: {  	v5 =	vadd.s32 v2, v5;
	_ =	sdelay $0x3  }
0x23c: {  	s10 =	simm.s32 $0x10800;
	v4 =	vperm.xlane v4, v3  }
0x23d: {  	[tilespmem:s10], [sflag:$0x3] =	stream.indirect_vreg.gather [hbm4b:s1+s3], $0x80, v5, vm0, $0xb8;
	[tilespmem:$0x19800] =	vst v63  }
0x23e: {  	s21 =	simm.s32 $0x11000;
	v4 =	vadd.s32 v2, v4  }
0x23f: {  	[tilespmem:s21], [sflag:$0x3] =	stream.indirect_vreg.gather [hbm4b:s5+s3], $0x80, v5, vm0, $0xb8;
	[tilespmem:$0x19800] =	vst v63  }
0x240: {  	s10 =	simm.s32 $0x11800  }
0x241: {  	[tilespmem:s10], [sflag:$0x3] =	stream.indirect_vreg.gather [hbm4b:s6+s3], $0x80, v5, vm0, $0xb8;
	[tilespmem:$0x19800] =	vst v63  }
0x242: {  	s21 =	simm.s32 $0x12000  }
0x243: {  	[tilespmem:s21], [sflag:$0x3] =	stream.indirect_vreg.gather [hbm4b:s1+s3], $0x80, v4, vm0, $0xb8;
	[tilespmem:$0x19800] =	vst v63  }
0x244: {  	s10 =	simm.s32 $0x12800  }
0x245: {  	[tilespmem:s10], [sflag:$0x3] =	stream.indirect_vreg.gather [hbm4b:s5+s3], $0x80, v4, vm0, $0xb8;
	[tilespmem:$0x19800] =	vst v63  }
0x246: {  	s21 =	simm.s32 $0x13000  }
0x247: {  	[tilespmem:s21], [sflag:$0x3] =	stream.indirect_vreg.gather [hbm4b:s6+s3], $0x80, v4, vm0, $0xb8;
	[tilespmem:$0x19800] =	vst v63  }
0x248: {  	_ =	swait.ge [sflag:s11], $0x6000  }
0x249: {  	[sflag:s11] =	ssyncset.done $0x0  }
0x24a: {  	s10 =	rddreg [dreg:$0xe];
	[sflag:s11] =	ssyncadd.s32 $0xFFFFA000  }
0x24b: {  	[hbm4b:s10+s3] =	stream.linear.scatter [tilespmem:s9], [sflag:$0x8], $0x6000, $0x38;
	[tilespmem:$0x19800] =	vst v63  }
0x24c: {  	_ =	swait.ge [sflag:s12], $0x6000  }
0x24d: {  	[sflag:s12] =	ssyncset.done $0x0  }
0x24e: {  	[sflag:s12] =	ssyncadd.s32 $0xFFFFA000  }
0x24f: {  	v4 =	vld [tilespmem:$0x1580];
	_ =	sdelay $0x4  }
0x250: {  	v5 =	vshrl.u32 v4, $0x3  }
0x251: {  	v5 =	vmul.u32 $0x30, v5  }
0x252: {  	v4 =	vand.u32 $0x7, v4  }
0x253: {  	v4 =	vor.u32 v4, v5  }
0x254: {  	v5 =	vperm.xlane v4, v1;
	_ =	sdelay $0x1  }
0x255: {  	v5 =	vadd.s32 v2, v5;
	_ =	sdelay $0x3  }
0x256: {  	v4 =	vperm.xlane v4, v3  }
0x257: {  	[tilespmem:s9], [sflag:$0x4] =	stream.indirect_vreg.gather [hbm4b:s1+s3], $0x80, v5, vm0, $0xb8;
	[tilespmem:$0x19800] =	vst v63  }
0x258: {  	s21 =	simm.s32 $0x14000;
	v4 =	vadd.s32 v2, v4  }
0x259: {  	[tilespmem:s21], [sflag:$0x4] =	stream.indirect_vreg.gather [hbm4b:s5+s3], $0x80, v5, vm0, $0xb8;
	[tilespmem:$0x19800] =	vst v63  }
0x25a: {  	s10 =	simm.s32 $0x14800  }
0x25b: {  	[tilespmem:s10], [sflag:$0x4] =	stream.indirect_vreg.gather [hbm4b:s6+s3], $0x80, v5, vm0, $0xb8;
	[tilespmem:$0x19800] =	vst v63  }
0x25c: {  	s21 =	simm.s32 $0x15000  }
0x25d: {  	[tilespmem:s21], [sflag:$0x4] =	stream.indirect_vreg.gather [hbm4b:s1+s3], $0x80, v4, vm0, $0xb8;
	[tilespmem:$0x19800] =	vst v63  }
0x25e: {  	s10 =	simm.s32 $0x15800  }
0x25f: {  	[tilespmem:s10], [sflag:$0x4] =	stream.indirect_vreg.gather [hbm4b:s5+s3], $0x80, v4, vm0, $0xb8;
	[tilespmem:$0x19800] =	vst v63  }
0x260: {  	s21 =	simm.s32 $0x16000  }
0x261: {  	[tilespmem:s21], [sflag:$0x4] =	stream.indirect_vreg.gather [hbm4b:s6+s3], $0x80, v4, vm0, $0xb8;
	[tilespmem:$0x19800] =	vst v63  }
0x262: {  	v4 =	vld [tilespmem:$0x1590];
	_ =	sdelay $0x4  }
0x263: {  	v5 =	vshrl.u32 v4, $0x3  }
0x264: {  	v5 =	vmul.u32 $0x30, v5  }
0x265: {  	v4 =	vand.u32 $0x7, v4  }
0x266: {  	v4 =	vor.u32 v4, v5  }
0x267: {  	v5 =	vperm.xlane v4, v1;
	_ =	sdelay $0x1  }
0x268: {  	v5 =	vadd.s32 v2, v5;
	_ =	sdelay $0x3  }
0x269: {  	s10 =	simm.s32 $0x16800;
	v4 =	vperm.xlane v4, v3  }
0x26a: {  	[tilespmem:s10], [sflag:$0x4] =	stream.indirect_vreg.gather [hbm4b:s1+s3], $0x80, v5, vm0, $0xb8;
	[tilespmem:$0x19800] =	vst v63  }
0x26b: {  	s21 =	simm.s32 $0x17000;
	v4 =	vadd.s32 v2, v4  }
0x26c: {  	[tilespmem:s21], [sflag:$0x4] =	stream.indirect_vreg.gather [hbm4b:s5+s3], $0x80, v5, vm0, $0xb8;
	[tilespmem:$0x19800] =	vst v63  }
0x26d: {  	s10 =	simm.s32 $0x17800  }
0x26e: {  	[tilespmem:s10], [sflag:$0x4] =	stream.indirect_vreg.gather [hbm4b:s6+s3], $0x80, v5, vm0, $0xb8;
	[tilespmem:$0x19800] =	vst v63  }
0x26f: {  	s21 =	simm.s32 $0x18000  }
0x270: {  	[tilespmem:s21], [sflag:$0x4] =	stream.indirect_vreg.gather [hbm4b:s1+s3], $0x80, v4, vm0, $0xb8;
	[tilespmem:$0x19800] =	vst v63  }
0x271: {  	s10 =	simm.s32 $0x18800  }
0x272: {  	[tilespmem:s10], [sflag:$0x4] =	stream.indirect_vreg.gather [hbm4b:s5+s3], $0x80, v4, vm0, $0xb8;
	[tilespmem:$0x19800] =	vst v63  }
0x273: {  	s21 =	simm.s32 $0x19000  }
0x274: {  	[tilespmem:s21], [sflag:$0x4] =	stream.indirect_vreg.gather [hbm4b:s6+s3], $0x80, v4, vm0, $0xb8;
	[tilespmem:$0x19800] =	vst v63  }
0x275: {  	_ =	swait.ge [sflag:s26], $0x6000  }
0x276: {  	[sflag:s26] =	ssyncset.done $0x0  }
0x277: {  	s10 =	rddreg [dreg:$0xf];
	[sflag:s26] =	ssyncadd.s32 $0xFFFFA000  }
0x278: {  	[hbm4b:s10+s3] =	stream.linear.scatter [tilespmem:s28], [sflag:$0x5], $0x6000, $0x38;
	[tilespmem:$0x19800] =	vst v63  }
0x279: {  	_ =	swait.ge [sflag:s19], $0x6000  }
0x27a: {  	[sflag:s19] =	ssyncset.done $0x0  }
0x27b: {  	[sflag:s19] =	ssyncadd.s32 $0xFFFFA000  }
0x27c: {  	v4 =	vld [tilespmem:$0x1600];
	_ =	sdelay $0x4  }
0x27d: {  	v5 =	vshrl.u32 v4, $0x3  }
0x27e: {  	v5 =	vmul.u32 $0x30, v5  }
0x27f: {  	v4 =	vand.u32 $0x7, v4  }
0x280: {  	v4 =	vor.u32 v4, v5  }
0x281: {  	v5 =	vperm.xlane v4, v1;
	_ =	sdelay $0x1  }
0x282: {  	v5 =	vadd.s32 v2, v5;
	_ =	sdelay $0x3  }
0x283: {  	v4 =	vperm.xlane v4, v3  }
0x284: {  	[tilespmem:s28], [sflag:$0x1] =	stream.indirect_vreg.gather [hbm4b:s1+s3], $0x80, v5, vm0, $0xb8;
	[tilespmem:$0x19800] =	vst v63  }
0x285: {  	v4 =	vadd.s32 v2, v4  }
0x286: {  	[tilespmem:s8], [sflag:$0x1] =	stream.indirect_vreg.gather [hbm4b:s5+s3], $0x80, v5, vm0, $0xb8;
	[tilespmem:$0x19800] =	vst v63  }
0x287: {  	_ = 	snop  }
0x288: {  	[tilespmem:s13], [sflag:$0x1] =	stream.indirect_vreg.gather [hbm4b:s6+s3], $0x80, v5, vm0, $0xb8;
	[tilespmem:$0x19800] =	vst v63  }
0x289: {  	_ = 	snop  }
0x28a: {  	[tilespmem:s14], [sflag:$0x1] =	stream.indirect_vreg.gather [hbm4b:s1+s3], $0x80, v4, vm0, $0xb8;
	[tilespmem:$0x19800] =	vst v63  }
0x28b: {  	_ = 	snop  }
0x28c: {  	[tilespmem:s15], [sflag:$0x1] =	stream.indirect_vreg.gather [hbm4b:s5+s3], $0x80, v4, vm0, $0xb8;
	[tilespmem:$0x19800] =	vst v63  }
0x28d: {  	_ = 	snop  }
0x28e: {  	[tilespmem:s7], [sflag:$0x1] =	stream.indirect_vreg.gather [hbm4b:s6+s3], $0x80, v4, vm0, $0xb8;
	[tilespmem:$0x19800] =	vst v63  }
0x28f: {  	v4 =	vld [tilespmem:$0x1610];
	_ =	sdelay $0x4  }
0x290: {  	v5 =	vshrl.u32 v4, $0x3  }
0x291: {  	v5 =	vmul.u32 $0x30, v5  }
0x292: {  	v4 =	vand.u32 $0x7, v4  }
0x293: {  	v4 =	vor.u32 v4, v5  }
0x294: {  	v5 =	vperm.xlane v4, v1;
	_ =	sdelay $0x1  }
0x295: {  	v5 =	vadd.s32 v2, v5;
	_ =	sdelay $0x3  }
0x296: {  	v4 =	vperm.xlane v4, v3  }
0x297: {  	[tilespmem:s22], [sflag:$0x1] =	stream.indirect_vreg.gather [hbm4b:s1+s3], $0x80, v5, vm0, $0xb8;
	[tilespmem:$0x19800] =	vst v63  }
0x298: {  	s13 =	simm.s32 $0x5000;
	v4 =	vadd.s32 v2, v4  }
0x299: {  	[tilespmem:s13], [sflag:$0x1] =	stream.indirect_vreg.gather [hbm4b:s5+s3], $0x80, v5, vm0, $0xb8;
	[tilespmem:$0x19800] =	vst v63  }
0x29a: {  	s14 =	simm.s32 $0x5800  }
0x29b: {  	[tilespmem:s14], [sflag:$0x1] =	stream.indirect_vreg.gather [hbm4b:s6+s3], $0x80, v5, vm0, $0xb8;
	[tilespmem:$0x19800] =	vst v63  }
0x29c: {  	s15 =	simm.s32 $0x6000  }
0x29d: {  	[tilespmem:s15], [sflag:$0x1] =	stream.indirect_vreg.gather [hbm4b:s1+s3], $0x80, v4, vm0, $0xb8;
	[tilespmem:$0x19800] =	vst v63  }
0x29e: {  	_ = 	snop  }
0x29f: {  	[tilespmem:s2], [sflag:$0x1] =	stream.indirect_vreg.gather [hbm4b:s5+s3], $0x80, v4, vm0, $0xb8;
	[tilespmem:$0x19800] =	vst v63  }
0x2a0: {  	s21 =	simm.s32 $0x7000  }
0x2a1: {  	[tilespmem:s21], [sflag:$0x1] =	stream.indirect_vreg.gather [hbm4b:s6+s3], $0x80, v4, vm0, $0xb8;
	[tilespmem:$0x19800] =	vst v63  }
0x2a2: {  	_ =	swait.ge [sflag:s31], $0x6000  }
0x2a3: {  	[sflag:s31] =	ssyncset.done $0x0  }
0x2a4: {  	s22 =	rddreg [dreg:$0x10];
	[sflag:s31] =	ssyncadd.s32 $0xFFFFA000  }
0x2a5: {  	[hbm4b:s22+s3] =	stream.linear.scatter [tilespmem:s30], [sflag:$0x6], $0x6000, $0x38;
	[tilespmem:$0x19800] =	vst v63  }
0x2a6: {  	_ =	swait.ge [sflag:s17], $0x6000  }
0x2a7: {  	[sflag:s17] =	ssyncset.done $0x0  }
0x2a8: {  	[sflag:s17] =	ssyncadd.s32 $0xFFFFA000  }
0x2a9: {  	v4 =	vld [tilespmem:$0x1680];
	_ =	sdelay $0x4  }
0x2aa: {  	v5 =	vshrl.u32 v4, $0x3  }
0x2ab: {  	v5 =	vmul.u32 $0x30, v5  }
0x2ac: {  	v4 =	vand.u32 $0x7, v4  }
0x2ad: {  	v4 =	vor.u32 v4, v5  }
0x2ae: {  	v5 =	vperm.xlane v4, v1;
	_ =	sdelay $0x1  }
0x2af: {  	v5 =	vadd.s32 v2, v5;
	_ =	sdelay $0x3  }
0x2b0: {  	v4 =	vperm.xlane v4, v3  }
0x2b1: {  	[tilespmem:s30], [sflag:$0x2] =	stream.indirect_vreg.gather [hbm4b:s1+s3], $0x80, v5, vm0, $0xb8;
	[tilespmem:$0x19800] =	vst v63  }
0x2b2: {  	v4 =	vadd.s32 v2, v4  }
0x2b3: {  	[tilespmem:s16], [sflag:$0x2] =	stream.indirect_vreg.gather [hbm4b:s5+s3], $0x80, v5, vm0, $0xb8;
	[tilespmem:$0x19800] =	vst v63  }
0x2b4: {  	_ = 	snop  }
0x2b5: {  	[tilespmem:s23], [sflag:$0x2] =	stream.indirect_vreg.gather [hbm4b:s6+s3], $0x80, v5, vm0, $0xb8;
	[tilespmem:$0x19800] =	vst v63  }
0x2b6: {  	_ = 	snop  }
0x2b7: {  	[tilespmem:s24], [sflag:$0x2] =	stream.indirect_vreg.gather [hbm4b:s1+s3], $0x80, v4, vm0, $0xb8;
	[tilespmem:$0x19800] =	vst v63  }
0x2b8: {  	_ = 	snop  }
0x2b9: {  	[tilespmem:s25], [sflag:$0x2] =	stream.indirect_vreg.gather [hbm4b:s5+s3], $0x80, v4, vm0, $0xb8;
	[tilespmem:$0x19800] =	vst v63  }
0x2ba: {  	s28 =	simm.s32 $0xA000  }
0x2bb: {  	[tilespmem:s28], [sflag:$0x2] =	stream.indirect_vreg.gather [hbm4b:s6+s3], $0x80, v4, vm0, $0xb8;
	[tilespmem:$0x19800] =	vst v63  }
0x2bc: {  	v4 =	vld [tilespmem:$0x1690];
	_ =	sdelay $0x4  }
0x2bd: {  	v5 =	vshrl.u32 v4, $0x3  }
0x2be: {  	v5 =	vmul.u32 $0x30, v5  }
0x2bf: {  	v4 =	vand.u32 $0x7, v4  }
0x2c0: {  	v4 =	vor.u32 v4, v5  }
0x2c1: {  	v5 =	vperm.xlane v4, v1;
	_ =	sdelay $0x1  }
0x2c2: {  	v5 =	vadd.s32 v2, v5;
	_ =	sdelay $0x3  }
0x2c3: {  	s7 =	simm.s32 $0xA800;
	v4 =	vperm.xlane v4, v3  }
0x2c4: {  	[tilespmem:s7], [sflag:$0x2] =	stream.indirect_vreg.gather [hbm4b:s1+s3], $0x80, v5, vm0, $0xb8;
	[tilespmem:$0x19800] =	vst v63  }
0x2c5: {  	s8 =	simm.s32 $0xB000;
	v4 =	vadd.s32 v2, v4  }
0x2c6: {  	[tilespmem:s8], [sflag:$0x2] =	stream.indirect_vreg.gather [hbm4b:s5+s3], $0x80, v5, vm0, $0xb8;
	[tilespmem:$0x19800] =	vst v63  }
0x2c7: {  	s10 =	simm.s32 $0xB800  }
0x2c8: {  	[tilespmem:s10], [sflag:$0x2] =	stream.indirect_vreg.gather [hbm4b:s6+s3], $0x80, v5, vm0, $0xb8;
	[tilespmem:$0x19800] =	vst v63  }
0x2c9: {  	s13 =	simm.s32 $0xC000  }
0x2ca: {  	[tilespmem:s13], [sflag:$0x2] =	stream.indirect_vreg.gather [hbm4b:s1+s3], $0x80, v4, vm0, $0xb8;
	[tilespmem:$0x19800] =	vst v63  }
0x2cb: {  	s14 =	simm.s32 $0xC800  }
0x2cc: {  	[tilespmem:s14], [sflag:$0x2] =	stream.indirect_vreg.gather [hbm4b:s5+s3], $0x80, v4, vm0, $0xb8;
	[tilespmem:$0x19800] =	vst v63  }
0x2cd: {  	s15 =	simm.s32 $0xD000  }
0x2ce: {  	[tilespmem:s15], [sflag:$0x2] =	stream.indirect_vreg.gather [hbm4b:s6+s3], $0x80, v4, vm0, $0xb8;
	[tilespmem:$0x19800] =	vst v63  }
0x2cf: {  	_ =	swait.ge [sflag:s18], $0x6000  }
0x2d0: {  	[sflag:s18] =	ssyncset.done $0x0  }
0x2d1: {  	s16 =	rddreg [dreg:$0x11];
	[sflag:s18] =	ssyncadd.s32 $0xFFFFA000  }
0x2d2: {  	[hbm4b:s16+s3] =	stream.linear.scatter [tilespmem:s20], [sflag:$0x7], $0x6000, $0x38;
	[tilespmem:$0x19800] =	vst v63  }
0x2d3: {  	_ =	swait.ge [sflag:s4], $0x6000  }
0x2d4: {  	[sflag:s4] =	ssyncset.done $0x0  }
0x2d5: {  	[sflag:s4] =	ssyncadd.s32 $0xFFFFA000  }
0x2d6: {  	v4 =	vld [tilespmem:$0x1700];
	_ =	sdelay $0x4  }
0x2d7: {  	v5 =	vshrl.u32 v4, $0x3  }
0x2d8: {  	v5 =	vmul.u32 $0x30, v5  }
0x2d9: {  	v4 =	vand.u32 $0x7, v4  }
0x2da: {  	v4 =	vor.u32 v4, v5  }
0x2db: {  	v5 =	vperm.xlane v4, v1;
	_ =	sdelay $0x1  }
0x2dc: {  	v5 =	vadd.s32 v2, v5;
	_ =	sdelay $0x3  }
0x2dd: {  	v4 =	vperm.xlane v4, v3  }
0x2de: {  	[tilespmem:s20], [sflag:$0x3] =	stream.indirect_vreg.gather [hbm4b:s1+s3], $0x80, v5, vm0, $0xb8;
	[tilespmem:$0x19800] =	vst v63  }
0x2df: {  	s22 =	simm.s32 $0xE000;
	v4 =	vadd.s32 v2, v4  }
0x2e0: {  	[tilespmem:s22], [sflag:$0x3] =	stream.indirect_vreg.gather [hbm4b:s5+s3], $0x80, v5, vm0, $0xb8;
	[tilespmem:$0x19800] =	vst v63  }
0x2e1: {  	s23 =	simm.s32 $0xE800  }
0x2e2: {  	[tilespmem:s23], [sflag:$0x3] =	stream.indirect_vreg.gather [hbm4b:s6+s3], $0x80, v5, vm0, $0xb8;
	[tilespmem:$0x19800] =	vst v63  }
0x2e3: {  	s24 =	simm.s32 $0xF000  }
0x2e4: {  	[tilespmem:s24], [sflag:$0x3] =	stream.indirect_vreg.gather [hbm4b:s1+s3], $0x80, v4, vm0, $0xb8;
	[tilespmem:$0x19800] =	vst v63  }
0x2e5: {  	s25 =	simm.s32 $0xF800  }
0x2e6: {  	[tilespmem:s25], [sflag:$0x3] =	stream.indirect_vreg.gather [hbm4b:s5+s3], $0x80, v4, vm0, $0xb8;
	[tilespmem:$0x19800] =	vst v63  }
0x2e7: {  	s28 =	simm.s32 $0x10000  }
0x2e8: {  	[tilespmem:s28], [sflag:$0x3] =	stream.indirect_vreg.gather [hbm4b:s6+s3], $0x80, v4, vm0, $0xb8;
	[tilespmem:$0x19800] =	vst v63  }
0x2e9: {  	v4 =	vld [tilespmem:$0x1710];
	_ =	sdelay $0x4  }
0x2ea: {  	v5 =	vshrl.u32 v4, $0x3  }
0x2eb: {  	v5 =	vmul.u32 $0x30, v5  }
0x2ec: {  	v4 =	vand.u32 $0x7, v4  }
0x2ed: {  	v4 =	vor.u32 v4, v5  }
0x2ee: {  	v5 =	vperm.xlane v4, v1;
	_ =	sdelay $0x1  }
0x2ef: {  	v5 =	vadd.s32 v2, v5;
	_ =	sdelay $0x3  }
0x2f0: {  	s7 =	simm.s32 $0x10800;
	v4 =	vperm.xlane v4, v3  }
0x2f1: {  	[tilespmem:s7], [sflag:$0x3] =	stream.indirect_vreg.gather [hbm4b:s1+s3], $0x80, v5, vm0, $0xb8;
	[tilespmem:$0x19800] =	vst v63  }
0x2f2: {  	s8 =	simm.s32 $0x11000;
	v4 =	vadd.s32 v2, v4  }
0x2f3: {  	[tilespmem:s8], [sflag:$0x3] =	stream.indirect_vreg.gather [hbm4b:s5+s3], $0x80, v5, vm0, $0xb8;
	[tilespmem:$0x19800] =	vst v63  }
0x2f4: {  	s10 =	simm.s32 $0x11800  }
0x2f5: {  	[tilespmem:s10], [sflag:$0x3] =	stream.indirect_vreg.gather [hbm4b:s6+s3], $0x80, v5, vm0, $0xb8;
	[tilespmem:$0x19800] =	vst v63  }
0x2f6: {  	s13 =	simm.s32 $0x12000  }
0x2f7: {  	[tilespmem:s13], [sflag:$0x3] =	stream.indirect_vreg.gather [hbm4b:s1+s3], $0x80, v4, vm0, $0xb8;
	[tilespmem:$0x19800] =	vst v63  }
0x2f8: {  	s14 =	simm.s32 $0x12800  }
0x2f9: {  	[tilespmem:s14], [sflag:$0x3] =	stream.indirect_vreg.gather [hbm4b:s5+s3], $0x80, v4, vm0, $0xb8;
	[tilespmem:$0x19800] =	vst v63  }
0x2fa: {  	s15 =	simm.s32 $0x13000  }
0x2fb: {  	[tilespmem:s15], [sflag:$0x3] =	stream.indirect_vreg.gather [hbm4b:s6+s3], $0x80, v4, vm0, $0xb8;
	[tilespmem:$0x19800] =	vst v63  }
0x2fc: {  	_ =	swait.ge [sflag:s11], $0x6000  }
0x2fd: {  	[sflag:s11] =	ssyncset.done $0x0  }
0x2fe: {  	s16 =	rddreg [dreg:$0x12];
	[sflag:s11] =	ssyncadd.s32 $0xFFFFA000  }
0x2ff: {  	[hbm4b:s16+s3] =	stream.linear.scatter [tilespmem:s9], [sflag:$0x8], $0x6000, $0x38;
	[tilespmem:$0x19800] =	vst v63  }
0x300: {  	_ =	swait.ge [sflag:s12], $0x6000  }
0x301: {  	[sflag:s12] =	ssyncset.done $0x0  }
0x302: {  	[sflag:s12] =	ssyncadd.s32 $0xFFFFA000  }
0x303: {  	v4 =	vld [tilespmem:$0x1780];
	_ =	sdelay $0x4  }
0x304: {  	v5 =	vshrl.u32 v4, $0x3  }
0x305: {  	v5 =	vmul.u32 $0x30, v5  }
0x306: {  	v4 =	vand.u32 $0x7, v4  }
0x307: {  	v4 =	vor.u32 v4, v5  }
0x308: {  	v5 =	vperm.xlane v4, v1;
	_ =	sdelay $0x1  }
0x309: {  	v5 =	vadd.s32 v2, v5;
	_ =	sdelay $0x3  }
0x30a: {  	v4 =	vperm.xlane v4, v3  }
0x30b: {  	[tilespmem:s9], [sflag:$0x4] =	stream.indirect_vreg.gather [hbm4b:s1+s3], $0x80, v5, vm0, $0xb8;
	[tilespmem:$0x19800] =	vst v63  }
0x30c: {  	s22 =	simm.s32 $0x14000;
	v4 =	vadd.s32 v2, v4  }
0x30d: {  	[tilespmem:s22], [sflag:$0x4] =	stream.indirect_vreg.gather [hbm4b:s5+s3], $0x80, v5, vm0, $0xb8;
	[tilespmem:$0x19800] =	vst v63  }
0x30e: {  	s23 =	simm.s32 $0x14800  }
0x30f: {  	[tilespmem:s23], [sflag:$0x4] =	stream.indirect_vreg.gather [hbm4b:s6+s3], $0x80, v5, vm0, $0xb8;
	[tilespmem:$0x19800] =	vst v63  }
0x310: {  	s24 =	simm.s32 $0x15000  }
0x311: {  	[tilespmem:s24], [sflag:$0x4] =	stream.indirect_vreg.gather [hbm4b:s1+s3], $0x80, v4, vm0, $0xb8;
	[tilespmem:$0x19800] =	vst v63  }
0x312: {  	s25 =	simm.s32 $0x15800  }
0x313: {  	[tilespmem:s25], [sflag:$0x4] =	stream.indirect_vreg.gather [hbm4b:s5+s3], $0x80, v4, vm0, $0xb8;
	[tilespmem:$0x19800] =	vst v63  }
0x314: {  	s28 =	simm.s32 $0x16000  }
0x315: {  	[tilespmem:s28], [sflag:$0x4] =	stream.indirect_vreg.gather [hbm4b:s6+s3], $0x80, v4, vm0, $0xb8;
	[tilespmem:$0x19800] =	vst v63  }
0x316: {  	v4 =	vld [tilespmem:$0x1790];
	_ =	sdelay $0x4  }
0x317: {  	v5 =	vshrl.u32 v4, $0x3  }
0x318: {  	v5 =	vmul.u32 $0x30, v5  }
0x319: {  	v4 =	vand.u32 $0x7, v4  }
0x31a: {  	v4 =	vor.u32 v4, v5  }
0x31b: {  	v5 =	vperm.xlane v4, v1;
	_ =	sdelay $0x1  }
0x31c: {  	v5 =	vadd.s32 v2, v5;
	_ =	sdelay $0x3  }
0x31d: {  	s10 =	simm.s32 $0x16800;
	v4 =	vperm.xlane v4, v3  }
0x31e: {  	[tilespmem:s10], [sflag:$0x4] =	stream.indirect_vreg.gather [hbm4b:s1+s3], $0x80, v5, vm0, $0xb8;
	[tilespmem:$0x19800] =	vst v63  }
0x31f: {  	s13 =	simm.s32 $0x17000;
	v4 =	vadd.s32 v2, v4  }
0x320: {  	[tilespmem:s13], [sflag:$0x4] =	stream.indirect_vreg.gather [hbm4b:s5+s3], $0x80, v5, vm0, $0xb8;
	[tilespmem:$0x19800] =	vst v63  }
0x321: {  	s14 =	simm.s32 $0x17800  }
0x322: {  	[tilespmem:s14], [sflag:$0x4] =	stream.indirect_vreg.gather [hbm4b:s6+s3], $0x80, v5, vm0, $0xb8;
	[tilespmem:$0x19800] =	vst v63  }
0x323: {  	s21 =	simm.s32 $0x18000  }
0x324: {  	[tilespmem:s21], [sflag:$0x4] =	stream.indirect_vreg.gather [hbm4b:s1+s3], $0x80, v4, vm0, $0xb8;
	[tilespmem:$0x19800] =	vst v63  }
0x325: {  	s22 =	simm.s32 $0x18800  }
0x326: {  	[tilespmem:s22], [sflag:$0x4] =	stream.indirect_vreg.gather [hbm4b:s5+s3], $0x80, v4, vm0, $0xb8;
	[tilespmem:$0x19800] =	vst v63  }
0x327: {  	s28 =	simm.s32 $0x19000  }
0x328: {  	[tilespmem:s28], [sflag:$0x4] =	stream.indirect_vreg.gather [hbm4b:s6+s3], $0x80, v4, vm0, $0xb8;
	[tilespmem:$0x19800] =	vst v63  }
0x329: {  	_ =	swait.ge [sflag:s26], $0x6000  }
0x32a: {  	[sflag:s26] =	ssyncset.done $0x0  }
0x32b: {  	s0 =	simm.s32 $0x1800;
	s10 =	rddreg [dreg:$0x13];
	[sflag:s26] =	ssyncadd.s32 $0xFFFFA000  }
0x32c: {  	[hbm4b:s10+s3] =	stream.linear.scatter [tilespmem:s0], [sflag:$0x5], $0x6000, $0x38;
	[tilespmem:$0x19800] =	vst v63  }
0x32d: {  	_ =	swait.ge [sflag:s31], $0x6000  }
0x32e: {  	[sflag:s31] =	ssyncset.done $0x0  }
0x32f: {  	s22 =	rddreg [dreg:$0x14];
	[sflag:s31] =	ssyncadd.s32 $0xFFFFA000  }
0x330: {  	[hbm4b:s22+s3] =	stream.linear.scatter [tilespmem:s30], [sflag:$0x6], $0x6000, $0x38;
	[tilespmem:$0x19800] =	vst v63  }
0x331: {  	_ =	swait.ge [sflag:s18], $0x6000  }
0x332: {  	[sflag:s18] =	ssyncset.done $0x0  }
0x333: {  	s28 =	rddreg [dreg:$0x15];
	[sflag:s18] =	ssyncadd.s32 $0xFFFFA000  }
0x334: {  	[hbm4b:s28+s3] =	stream.linear.scatter [tilespmem:s20], [sflag:$0x7], $0x6000, $0x38;
	[tilespmem:$0x19800] =	vst v63  }
0x335: {  	_ =	swait.ge [sflag:s11], $0x6000  }
0x336: {  	[sflag:s11] =	ssyncset.done $0x0  }
0x337: {  	s10 =	rddreg [dreg:$0x16];
	[sflag:s11] =	ssyncadd.s32 $0xFFFFA000  }
0x338: {  	[hbm4b:s10+s3] =	stream.linear.scatter [tilespmem:s9], [sflag:$0x8], $0x6000, $0x38;
	[tilespmem:$0x19800] =	vst v63  }
0x339: {  	_ =	swait.ge [sflag:s19], $0x6000  }
0x33a: {  	[sflag:s19] =	ssyncset.done $0x0  }
0x33b: {  	[sflag:s19] =	ssyncadd.s32 $0xFFFFA000  }
0x33c: {  	_ =	swait.ge [sflag:s17], $0x6000  }
0x33d: {  	[sflag:s17] =	ssyncset.done $0x0  }
0x33e: {  	[sflag:s17] =	ssyncadd.s32 $0xFFFFA000  }
0x33f: {  	_ =	swait.ge [sflag:s4], $0x6000  }
0x340: {  	[sflag:s4] =	ssyncset.done $0x0  }
0x341: {  	[sflag:s4] =	ssyncadd.s32 $0xFFFFA000  }
0x342: {  	_ =	swait.ge [sflag:s12], $0x6000  }
0x343: {  	[sflag:s12] =	ssyncset.done $0x0  }
0x344: {  	s4 =	simm.s32 $0xA;
	[sflag:s12] =	ssyncadd.s32 $0xFFFFA000  }
0x345: {  	_ =	swait.ge [sflag:s4], $0x400  }
0x346: {  	[sflag:s4] =	ssyncset.done $0x0  }
0x347: {  	[sflag:s4] =	ssyncadd.s32 $0xFFFFFC00  }
0x348: {  	s2 =	simm.s32 $0x18000;
	_ =	swait.ge [sflag:s4], $0x400  }
0x349: {  	s7 =	simm.s32 $0x15800;
	s8 =	simm.s32 $0x16000;
	s22 =	rddreg [dreg:$0x1c]  }
0x34a: {  	s15 =	simm.s32 $0x14800;
	s28 =	rddreg [dreg:$0x17];
	s10 =	sadd.s32 $0x1, s22  }
0x34b: {  	s16 =	simm.s32 $0x15000;
	s23 =	simm.s32 $0x16800;
	p0 =	sne.s32 s10, s28  }
.Ltmp2:
0x34c: {  	s24 =	simm.s32 $0x17000;
	s25 =	simm.s32 $0x17800;
	(pc) =	sbr.rel @p0 .LBB2_1-.Ltmp2, $4  }
0x34d: {  	s13 =	simm.s32 $0x18800;
	s14 =	simm.s32 $0x19000;
	s26 =	simm.s32 $0x7000  }
0x34e: {  	s31 =	simm.s32 $0x8000;
	s18 =	simm.s32 $0x3000;
	s11 =	simm.s32 $0x400  }
0x34f: {  	s19 =	simm.s32 $0x3800;
	s17 =	simm.s32 $0x2800;
	[sflag:s4] =	ssyncset.done $0x0  }
0x350: {  	s12 =	simm.s32 $0x2000;
	[sflag:s4] =	ssyncadd.s32 $0xFFFFFC00;
	s4 =	simm.s32 $0x80  }
0x351: {  	_ =	sfence.sel $0x180000  }
0x352: {  	[bflag:$0x0] =	sbarrier.arrive $0xFFFF  }
0x353: {  	_ =	strace $0x90000047  }
0x354: {  	s0 =	stileid.u32;
	[bflag:$0x2] =	sbarrier.arrive $0xFFFF  }
0x355: {  	p0 =	sne.s32 s0, $0x0;
	s0 =	rddreg [dreg:$0x5]  }
0x356: {  	s0 =	sadd.s32 @!p0 $0x100000, s0  }
0x357: {  	[sflag:s0] =	ssyncadd.tile.s32 @!p0 $0x1;
	_ =	shalt  }
.Lfunc_end2:
_tile_overlayer_lowered:
.L_overlay_start_2:
0x358: {  	(tag) =	ssettag $0x2  }
0x359: {  	s0 =	rddreg [dreg:$0x0];
	s2 =	stileid.u32  }
0x35a: {  	s1 =	rddreg [dreg:$0x1];
	p0 =	sne.s32 s2, $0x0  }
0x35b: {  	s3 =	rddreg [dreg:$0x2];
	[bflag:$0x3] =	sbarrier.arrive $0xFFFF;
	s2 =	simm.s32 @!p0 $0x1C0B  }
0x35c: {  	[timem:s3], [sflag:s2] =	dma.local @!p0 [hbm:s0], s1  }
0x35d: {  	s0 =	simm.s32 @!p0 $0xB  }
0x35e: {  	_ =	swait.ge @!p0 [sflag:s0], s1  }
0x35f: {  	s1 =	ssub.s32 @!p0 $0x0, s1;
	[sflag:s0] =	ssyncset.done @!p0 $0x0  }
0x360: {  	[sflag:s0] =	ssyncadd.s32 @!p0 s1  }
0x361: {  	[bflag:$0x3] =	sbarrier.arrive $0xFFFF  }
0x362: {  	_ =	shalt  }

</sc_bundles>
